<compile_context>
chip_gen: v7x
topology: tpu7x:2x2x1
jax: 0.10.2.dev20260603
libtpu: 0.0.44.dev20260713+nightly
codegen_flags: <defaults>
</compile_context>

<pallas_src>
import functools

import jax
import jax.numpy as jnp
from jax import lax
from jax.experimental import pallas as pl
from jax.experimental.pallas import tpu as pltpu
from jax.experimental.pallas import tpu_sc as plsc

N = 10000
E = 320000
NC = 2
NS = 16
NW = NC * NS
CHUNK = 128
CH = (E + NW * CHUNK - 1) // (NW * CHUNK)
EPAD = NW * CH * CHUNK
NP = 10240
RPT = NP // NS

_MESH = plsc.VectorSubcoreMesh(core_axis_name="c", subcore_axis_name="s")
_SC_PARAMS = pltpu.CompilerParams(needs_layout_passes=False,
                                  use_tc_tiling_on_sc=False)


def _zero_1d(ref, nwords):
    z16 = jnp.zeros((16,), jnp.float32)

    @pl.loop(0, nwords // 16)
    def _(i):
        ref[pl.ds(i * 16, 16)] = z16


def _zero_2d(ref, nrows, ncols):
    z16 = jnp.zeros((16,), jnp.float32)

    @pl.loop(0, nrows)
    def _(r):
        for k in range(ncols // 16):
            ref[r, pl.ds(k * 16, 16)] = z16


@functools.partial(
    pl.kernel,
    out_type=jax.ShapeDtypeStruct((NW, NP), jnp.float32),
    mesh=_MESH,
    compiler_params=_SC_PARAMS,
    scratch_types=[
        pltpu.VMEM((CH, CHUNK), jnp.int32),
        pltpu.VMEM((NP,), jnp.float32),
    ],
)
def _sc_degree(dst3, counts_out, dst_v, cnt_v):
    cid = lax.axis_index("c")
    sid = lax.axis_index("s")
    w = cid * NS + sid
    pltpu.sync_copy(dst3.at[pl.ds(w * CH, CH)], dst_v)
    _zero_1d(cnt_v, NP)
    ones = jnp.ones((16,), jnp.float32)

    @pl.loop(0, CH)
    def _(j):
        for k in range(CHUNK // 16):
            idx = dst_v[j, pl.ds(k * 16, 16)]
            plsc.addupdate_scatter(cnt_v, [idx], ones)

    pltpu.sync_copy(cnt_v, counts_out.at[w])


@functools.partial(
    pl.kernel,
    out_type=jax.ShapeDtypeStruct((NC, NP, 32), jnp.float32),
    mesh=_MESH,
    compiler_params=_SC_PARAMS,
    scratch_types=[
        pltpu.VMEM((CH, CHUNK), jnp.int32),
        pltpu.VMEM((CH, CHUNK), jnp.int32),
        pltpu.VMEM((CHUNK, 32), jnp.float32),
        pltpu.VMEM((CHUNK, 32), jnp.float32),
        pltpu.VMEM((CHUNK, 32), jnp.float32),
        pltpu.VMEM((CHUNK, 32), jnp.float32),
        pltpu.VMEM((CHUNK, 32), jnp.float32),
        pltpu.VMEM_SHARED((NP, 32), jnp.float32),
        pltpu.VMEM_SHARED((N, 32), jnp.float32),
        pltpu.SemaphoreType.DMA,
        pltpu.SemaphoreType.DMA,
        pltpu.SemaphoreType.DMA,
        pltpu.SemaphoreType.DMA,
    ],
)
def _sc_prop32(src3, dst3, h_hbm, psum_out, src_v, dst_v, rows0, rows1,
               rows2, rows3, zrow_v, acc_sh, h_sh, sem0, sem1, sem2, sem3):
    rows = (rows0, rows1, rows2, rows3)
    sems = (sem0, sem1, sem2, sem3)
    rows_a = rows0
    cid = lax.axis_index("c")
    sid = lax.axis_index("s")
    w = cid * NS + sid
    pltpu.sync_copy(src3.at[pl.ds(w * CH, CH)], src_v)
    pltpu.sync_copy(dst3.at[pl.ds(w * CH, CH)], dst_v)
    pltpu.sync_copy(h_hbm.at[pl.ds(sid * (N // NS), N // NS)],
                    h_sh.at[pl.ds(sid * (N // NS), N // NS)])
    _zero_2d(zrow_v, CHUNK, 32)
    for i in range(RPT // CHUNK):
        pltpu.sync_copy(zrow_v, acc_sh.at[pl.ds(sid * RPT + i * CHUNK, CHUNK)])
    plsc.subcore_barrier()

    for b in range(4):
        pltpu.async_copy(h_sh.at[src_v.at[b]], rows[b], sems[b])

    @pl.loop(0, CH // 4 - 1)
    def _(g):
        j = 4 * g
        for b in range(4):
            pltpu.make_async_copy(
                h_sh.at[src_v.at[j + b]], rows[b], sems[b]).wait()
            pltpu.sync_copy(rows[b], acc_sh.at[dst_v.at[j + b]], add=True)
            pltpu.async_copy(h_sh.at[src_v.at[j + b + 4]], rows[b], sems[b])

    t0 = 4 * (CH // 4 - 1)
    for b in range(4):
        pltpu.make_async_copy(
            h_sh.at[src_v.at[t0 + b]], rows[b], sems[b]).wait()
        pltpu.sync_copy(rows[b], acc_sh.at[dst_v.at[t0 + b]], add=True)
        if t0 + b + 4 < CH:
            pltpu.async_copy(
                h_sh.at[src_v.at[t0 + b + 4]], rows[b], sems[b])
    for b in range(CH - t0 - 4):
        pltpu.make_async_copy(
            h_sh.at[src_v.at[t0 + 4 + b]], rows[b], sems[b]).wait()
        pltpu.sync_copy(rows[b], acc_sh.at[dst_v.at[t0 + 4 + b]], add=True)

    plsc.subcore_barrier()
    for i in range(RPT // CHUNK):
        r = sid * RPT + i * CHUNK
        pltpu.sync_copy(acc_sh.at[pl.ds(r, CHUNK)], rows_a)
        pltpu.sync_copy(rows_a, psum_out.at[cid, pl.ds(r, CHUNK)])


@functools.partial(
    pl.kernel,
    out_type=jax.ShapeDtypeStruct((NW, NP), jnp.float32),
    mesh=_MESH,
    compiler_params=_SC_PARAMS,
    scratch_types=[
        pltpu.VMEM((CH, CHUNK), jnp.int32),
        pltpu.VMEM((CH, CHUNK), jnp.int32),
        pltpu.VMEM((N,), jnp.float32),
        pltpu.VMEM((NP,), jnp.float32),
    ],
)
def _sc_prop1(src3, dst3, t_hbm, psum_out, src_v, dst_v, t_v, acc_v):
    cid = lax.axis_index("c")
    sid = lax.axis_index("s")
    w = cid * NS + sid
    pltpu.sync_copy(t_hbm, t_v)
    pltpu.sync_copy(src3.at[pl.ds(w * CH, CH)], src_v)
    pltpu.sync_copy(dst3.at[pl.ds(w * CH, CH)], dst_v)
    _zero_1d(acc_v, NP)

    @pl.loop(0, CH)
    def _(j):
        for k in range(CHUNK // 16):
            sidx = src_v[j, pl.ds(k * 16, 16)]
            didx = dst_v[j, pl.ds(k * 16, 16)]
            vals = plsc.load_gather(t_v, [sidx])
            plsc.addupdate_scatter(acc_v, [didx], vals)

    pltpu.sync_copy(acc_v, psum_out.at[w])


def _tc_a_body(ct_ref, x_ref, w0_ref, dinv_ref, h0s_ref):
    ct = ct_ref[...]
    deg = jnp.sum(ct, axis=0, keepdims=True) + 1.0
    dinv = jnp.transpose(lax.rsqrt(deg))
    dinv_ref[...] = dinv
    h0 = jnp.dot(x_ref[...], w0_ref[...], preferred_element_type=jnp.float32)
    h0s_ref[...] = h0 * dinv[:N]


def _tc_mid_body(p_ref, hs_ref, dinv_ref, b_ref, g_ref, beta_ref, w_ref,
                 out_ref):
    dinv = dinv_ref[...][:N]
    p = p_ref[...]
    z = dinv * (p[0, :N] + p[1, :N] + hs_ref[...]) + b_ref[...]
    mu = jnp.mean(z, axis=0, keepdims=True)
    zc = z - mu
    var = jnp.mean(zc * zc, axis=0, keepdims=True)
    zn = g_ref[...] * zc * lax.rsqrt(var + 1e-5) + beta_ref[...]
    a = jnp.maximum(zn, 0.0)
    out_ref[...] = (
        jnp.dot(a, w_ref[...], preferred_element_type=jnp.float32) * dinv
    )


def _tc_d_body(p2_ref, h2s_ref, dinv_ref, b2_ref, out_ref):
    dinv = dinv_ref[...][:N]
    p2 = p2_ref[...]
    psum = jnp.transpose(jnp.sum(p2, axis=0, keepdims=True))[:N]
    z = dinv * (psum + h2s_ref[...]) + b2_ref[...]
    out_ref[...] = jax.nn.sigmoid(z)


def kernel(x, edge_index, W0, b0, W1, b1, W2, b2, g0, beta0, g1, beta1):
    ei = edge_index.astype(jnp.int32)
    pad = EPAD - E
    src3 = jnp.concatenate([ei[0], jnp.zeros((pad,), jnp.int32)])
    src3 = src3.reshape(NW * CH, CHUNK)
    dst3 = jnp.concatenate([ei[1], jnp.full((pad,), N, jnp.int32)])
    dst3 = dst3.reshape(NW * CH, CHUNK)

    counts = _sc_degree(dst3)

    dinv_col, h0s = pl.pallas_call(
        _tc_a_body,
        out_shape=[
            jax.ShapeDtypeStruct((NP, 1), jnp.float32),
            jax.ShapeDtypeStruct((N, 32), jnp.float32),
        ],
    )(counts, x, W0)

    p0 = _sc_prop32(src3, dst3, h0s)
    h1s = pl.pallas_call(
        _tc_mid_body,
        out_shape=jax.ShapeDtypeStruct((N, 32), jnp.float32),
    )(p0, h0s, dinv_col, b0.reshape(1, 32), g0.reshape(1, 32),
      beta0.reshape(1, 32), W1)

    p1 = _sc_prop32(src3, dst3, h1s)
    h2s = pl.pallas_call(
        _tc_mid_body,
        out_shape=jax.ShapeDtypeStruct((N, 1), jnp.float32),
    )(p1, h1s, dinv_col, b1.reshape(1, 32), g1.reshape(1, 32),
      beta1.reshape(1, 32), W2)

    p2 = _sc_prop1(src3, dst3, h2s.reshape(N))
    out = pl.pallas_call(
        _tc_d_body,
        out_shape=jax.ShapeDtypeStruct((N, 1), jnp.float32),
    )(p2, h2s, dinv_col, b2.reshape(1, 1))
    return out

# --- scband reference (transcript-rebuilt; emitter-appended) ---
"""Pipeline reference for scband-gnnvoting-model-41266045780998 (READ-ONLY COPY).

The authoritative reference and input builder live on the scoring server;
editing this copy changes nothing except your own understanding.
"""

import jax, jax.numpy as jnp
import numpy as np

N_NODES = 10000

def _gcn_conv(x, src, dst, W, b, num_nodes):
    # symmetric normalization with self loops (PyG GCNConv defaults)
    deg = jnp.zeros((num_nodes,), dtype=x.dtype).at[dst].add(1.0)
    dinv = jnp.where(deg > 0, 1.0 / jnp.sqrt(deg), 0.0)
    norm = dinv[src] * dinv[dst]
    h = x @ W
    msg = h[src] * norm[:, None]
    out = jnp.zeros((num_nodes, W.shape[1]), dtype=x.dtype).at[dst].add(msg)
    return out + b

def _batch_norm(x, gamma, beta, eps=1e-5):
    mu = jnp.mean(x, axis=0)
    var = jnp.var(x, axis=0)
    return gamma * (x - mu) / jnp.sqrt(var + eps) + beta

def setup_inputs(seed: int = 0) -> dict:
    key = jax.random.key(seed)
    ks = jax.random.split(key, 12)
    x = jax.random.normal(ks[0], (N_NODES, 128), dtype=jnp.float32)
    edge_index = jax.random.randint(ks[1], (2, 320000), 0, N_NODES, dtype=jnp.int64)
    W0 = jax.random.normal(ks[2], (128, 32), dtype=jnp.float32) * (1.0 / np.sqrt(128))
    b0 = jnp.zeros((32,), dtype=jnp.float32)
    W1 = jax.random.normal(ks[3], (32, 32), dtype=jnp.float32) * (1.0 / np.sqrt(32))
    b1 = jnp.zeros((32,), dtype=jnp.float32)
    W2 = jax.random.normal(ks[4], (32, 1), dtype=jnp.float32) * (1.0 / np.sqrt(32))
    b2 = jnp.zeros((1,), dtype=jnp.float32)
    g0 = jnp.ones((32,), dtype=jnp.float32)
    beta0 = jnp.zeros((32,), dtype=jnp.float32)
    g1 = jnp.ones((32,), dtype=jnp.float32)
    beta1 = jnp.zeros((32,), dtype=jnp.float32)
    return {"x": x, "edge_index": edge_index, "W0": W0, "b0": b0, "W1": W1, "b1": b1, "W2": W2, "b2": b2, "g0": g0, "beta0": beta0, "g1": g1, "beta1": beta1}

def reference(x, edge_index, W0, b0, W1, b1, W2, b2, g0, beta0, g1, beta1):
    num_nodes = x.shape[0]
    loop = jnp.arange(num_nodes, dtype=edge_index.dtype)
    src = jnp.concatenate([edge_index[0], loop])
    dst = jnp.concatenate([edge_index[1], loop])
    h = _gcn_conv(x, src, dst, W0, b0, num_nodes)
    h = _batch_norm(h, g0, beta0)
    h = jax.nn.relu(h)
    h = _gcn_conv(h, src, dst, W1, b1, num_nodes)
    h = _batch_norm(h, g1, beta1)
    h = jax.nn.relu(h)
    h = _gcn_conv(h, src, dst, W2, b2, num_nodes)
    return jax.nn.sigmoid(h)

if __name__ == "__main__":
    import jax
    _d = setup_inputs()
    print(jax.jit(kernel)(*tuple(_d.values())))

</pallas_src>

<mosaic_0001>
#map = affine_map<(d0, d1) -> (0, 0)>
#map1 = affine_map<(d0, d1) -> (0)>
module attributes {stable_mosaic.version = 14 : i64} {
  func.func @_sc_prop1(%arg0: i32, %arg1: i32, %arg2: memref<2528x128xi32, #tpu.memory_space<hbm>>, %arg3: memref<2528x128xi32, #tpu.memory_space<hbm>>, %arg4: memref<10000xf32, #tpu.memory_space<hbm>>, %arg5: memref<32x10240xf32, #tpu.memory_space<hbm>>, %arg6: memref<79x128xi32, #tpu.memory_space<vmem>>, %arg7: memref<79x128xi32, #tpu.memory_space<vmem>>, %arg8: memref<10000xf32, #tpu.memory_space<vmem>>, %arg9: memref<10240xf32, #tpu.memory_space<vmem>>) attributes {dimension_semantics = [#tpu.dimension_semantics<core_parallel>, #tpu.dimension_semantics<subcore_parallel>], iteration_bounds = array<i64: 2, 16>, scalar_prefetch = 0 : i64, scratch_operands = 4 : i64, tpu.core_type = #tpu.core_type<sc_vector_subcore>, window_params = [{transform_indices = #map}, {transform_indices = #map}, {transform_indices = #map1}, {transform_indices = #map}]} {
    %mul3A = arith.constant 16 : i32
    %mul3A_0 = arith.muli %arg0, %mul3A : i32
    %add3A = arith.addi %mul3A_0, %arg1 : i32
    "tpu.region"() ({
      %run_scoped3A = tpu.sem_alloc : memref<!tpu.dma_semaphore, #tpu.memory_space<semaphore_mem>>
      tpu.enqueue_dma source(%arg4 : memref<10000xf32, #tpu.memory_space<hbm>>) target(%arg8 : memref<10000xf32, #tpu.memory_space<vmem>>) target_semaphore(%run_scoped3A : memref<!tpu.dma_semaphore, #tpu.memory_space<semaphore_mem>>)
      tpu.wait_dma2 semaphore(%run_scoped3A : memref<!tpu.dma_semaphore, #tpu.memory_space<semaphore_mem>>) src(%arg4 : memref<10000xf32, #tpu.memory_space<hbm>>) dst(%arg8 : memref<10000xf32, #tpu.memory_space<vmem>>)
      tpu.yield
    }) : () -> ()
    %mul3A_1 = arith.constant 79 : i32
    %mul3A_2 = arith.muli %add3A, %mul3A_1 : i32
    "tpu.region"() ({
      %run_scoped3A = tpu.sem_alloc : memref<!tpu.dma_semaphore, #tpu.memory_space<semaphore_mem>>
      %dma_start3A = arith.constant 0 : i32
      %dma_start3A_15 = tpu.memref_slice %arg2[%mul3A_2, %dma_start3A] : memref<2528x128xi32, #tpu.memory_space<hbm>> -> memref<79x128xi32, #tpu.memory_space<hbm>>
      %dma_start3A_16 = arith.constant 0 : i32
      %dma_start3A_17 = tpu.memref_slice %arg2[%mul3A_2, %dma_start3A_16] : memref<2528x128xi32, #tpu.memory_space<hbm>> -> memref<79x128xi32, #tpu.memory_space<hbm>>
      tpu.enqueue_dma source(%dma_start3A_17 : memref<79x128xi32, #tpu.memory_space<hbm>>) target(%arg6 : memref<79x128xi32, #tpu.memory_space<vmem>>) target_semaphore(%run_scoped3A : memref<!tpu.dma_semaphore, #tpu.memory_space<semaphore_mem>>)
      %dma_wait3A = arith.constant 0 : i32
      %dma_wait3A_18 = tpu.memref_slice %arg2[%mul3A_2, %dma_wait3A] : memref<2528x128xi32, #tpu.memory_space<hbm>> -> memref<79x128xi32, #tpu.memory_space<hbm>>
      %dma_wait3A_19 = arith.constant 0 : i32
      %dma_wait3A_20 = tpu.memref_slice %arg2[%mul3A_2, %dma_wait3A_19] : memref<2528x128xi32, #tpu.memory_space<hbm>> -> memref<79x128xi32, #tpu.memory_space<hbm>>
      tpu.wait_dma2 semaphore(%run_scoped3A : memref<!tpu.dma_semaphore, #tpu.memory_space<semaphore_mem>>) src(%dma_wait3A_20 : memref<79x128xi32, #tpu.memory_space<hbm>>) dst(%arg6 : memref<79x128xi32, #tpu.memory_space<vmem>>)
      tpu.yield
    }) : () -> ()
    %mul3A_3 = arith.constant 79 : i32
    %mul3A_4 = arith.muli %add3A, %mul3A_3 : i32
    "tpu.region"() ({
      %run_scoped3A = tpu.sem_alloc : memref<!tpu.dma_semaphore, #tpu.memory_space<semaphore_mem>>
      %dma_start3A = arith.constant 0 : i32
      %dma_start3A_15 = tpu.memref_slice %arg3[%mul3A_4, %dma_start3A] : memref<2528x128xi32, #tpu.memory_space<hbm>> -> memref<79x128xi32, #tpu.memory_space<hbm>>
      %dma_start3A_16 = arith.constant 0 : i32
      %dma_start3A_17 = tpu.memref_slice %arg3[%mul3A_4, %dma_start3A_16] : memref<2528x128xi32, #tpu.memory_space<hbm>> -> memref<79x128xi32, #tpu.memory_space<hbm>>
      tpu.enqueue_dma source(%dma_start3A_17 : memref<79x128xi32, #tpu.memory_space<hbm>>) target(%arg7 : memref<79x128xi32, #tpu.memory_space<vmem>>) target_semaphore(%run_scoped3A : memref<!tpu.dma_semaphore, #tpu.memory_space<semaphore_mem>>)
      %dma_wait3A = arith.constant 0 : i32
      %dma_wait3A_18 = tpu.memref_slice %arg3[%mul3A_4, %dma_wait3A] : memref<2528x128xi32, #tpu.memory_space<hbm>> -> memref<79x128xi32, #tpu.memory_space<hbm>>
      %dma_wait3A_19 = arith.constant 0 : i32
      %dma_wait3A_20 = tpu.memref_slice %arg3[%mul3A_4, %dma_wait3A_19] : memref<2528x128xi32, #tpu.memory_space<hbm>> -> memref<79x128xi32, #tpu.memory_space<hbm>>
      tpu.wait_dma2 semaphore(%run_scoped3A : memref<!tpu.dma_semaphore, #tpu.memory_space<semaphore_mem>>) src(%dma_wait3A_20 : memref<79x128xi32, #tpu.memory_space<hbm>>) dst(%arg7 : memref<79x128xi32, #tpu.memory_space<vmem>>)
      tpu.yield
    }) : () -> ()
    %broadcast_in_dim3A = arith.constant 0.000000e+00 : f32
    %broadcast_in_dim3A_5 = vector.broadcast %broadcast_in_dim3A : f32 to vector<16xf32>
    %scan3A = arith.constant 0 : i32
    %scan3A_6 = arith.constant 640 : i32
    %scan3A_7 = arith.addi %scan3A, %scan3A_6 : i32
    %scan3A_8 = arith.constant 1 : i32
    scf.for %scan3A_15 = %scan3A to %scan3A_7 step %scan3A_8  : i32 {
      %mul3A_16 = arith.constant 1 : i32
      %mul3A_17 = arith.muli %scan3A_15, %mul3A_16 : i32
      %add3A_18 = arith.constant 0 : i32
      %add3A_19 = arith.addi %add3A_18, %mul3A_17 : i32
      %mul3A_20 = arith.constant 16 : i32
      %mul3A_21 = arith.muli %add3A_19, %mul3A_20 : i32
      %swap3A = arith.index_cast %mul3A_21 : i32 to index
      %swap3A_22 = tpu.vector_load %arg9[%swap3A] {strides = array<i32>} : memref<10240xf32, #tpu.memory_space<vmem>>, vector<16xf32>,
      tpu.vector_store %arg9[%swap3A], %broadcast_in_dim3A_5 {strides = array<i32>} : memref<10240xf32, #tpu.memory_space<vmem>>, vector<16xf32>,
    }
    %scan3A_9 = arith.constant 640 : i32
    %scan3A_10 = arith.constant 0 : i32
    %scan3A_11 = arith.constant 79 : i32
    %scan3A_12 = arith.addi %scan3A_10, %scan3A_11 : i32
    %scan3A_13 = arith.constant 1 : i32
    scf.for %scan3A_15 = %scan3A_10 to %scan3A_12 step %scan3A_13  : i32 {
      %mul3A_16 = arith.constant 1 : i32
      %mul3A_17 = arith.muli %scan3A_15, %mul3A_16 : i32
      %add3A_18 = arith.constant 0 : i32
      %add3A_19 = arith.addi %add3A_18, %mul3A_17 : i32
      %get3A = arith.index_cast %add3A_19 : i32 to index
      %get3A_20 = arith.constant 0 : index
      %get3A_21 = tpu.vector_load %arg6[%get3A, %get3A_20] {strides = array<i32>} : memref<79x128xi32, #tpu.memory_space<vmem>>, vector<16xi32>,
      %get3A_22 = arith.index_cast %add3A_19 : i32 to index
      %get3A_23 = arith.constant 0 : index
      %get3A_24 = tpu.vector_load %arg7[%get3A_22, %get3A_23] {strides = array<i32>} : memref<79x128xi32, #tpu.memory_space<vmem>>, vector<16xi32>,
      %gather3A = tpu.vector_load_idx %arg8[%get3A_21] : memref<10000xf32, #tpu.memory_space<vmem>>[vector<16xi32>], vector<16xf32>,
      tpu.vector_store_idx %arg9[%get3A_24], %gather3A {add = true} : memref<10240xf32, #tpu.memory_space<vmem>>[vector<16xi32>], vector<16xf32>,
      %get3A_25 = arith.index_cast %add3A_19 : i32 to index
      %get3A_26 = arith.constant 16 : index
      %get3A_27 = tpu.vector_load %arg6[%get3A_25, %get3A_26] {strides = array<i32>} : memref<79x128xi32, #tpu.memory_space<vmem>>, vector<16xi32>,
      %get3A_28 = arith.index_cast %add3A_19 : i32 to index
      %get3A_29 = arith.constant 16 : index
      %get3A_30 = tpu.vector_load %arg7[%get3A_28, %get3A_29] {strides = array<i32>} : memref<79x128xi32, #tpu.memory_space<vmem>>, vector<16xi32>,
      %gather3A_31 = tpu.vector_load_idx %arg8[%get3A_27] : memref<10000xf32, #tpu.memory_space<vmem>>[vector<16xi32>], vector<16xf32>,
      tpu.vector_store_idx %arg9[%get3A_30], %gather3A_31 {add = true} : memref<10240xf32, #tpu.memory_space<vmem>>[vector<16xi32>], vector<16xf32>,
      %get3A_32 = arith.index_cast %add3A_19 : i32 to index
      %get3A_33 = arith.constant 32 : index
      %get3A_34 = tpu.vector_load %arg6[%get3A_32, %get3A_33] {strides = array<i32>} : memref<79x128xi32, #tpu.memory_space<vmem>>, vector<16xi32>,
      %get3A_35 = arith.index_cast %add3A_19 : i32 to index
      %get3A_36 = arith.constant 32 : index
      %get3A_37 = tpu.vector_load %arg7[%get3A_35, %get3A_36] {strides = array<i32>} : memref<79x128xi32, #tpu.memory_space<vmem>>, vector<16xi32>,
      %gather3A_38 = tpu.vector_load_idx %arg8[%get3A_34] : memref<10000xf32, #tpu.memory_space<vmem>>[vector<16xi32>], vector<16xf32>,
      tpu.vector_store_idx %arg9[%get3A_37], %gather3A_38 {add = true} : memref<10240xf32, #tpu.memory_space<vmem>>[vector<16xi32>], vector<16xf32>,
      %get3A_39 = arith.index_cast %add3A_19 : i32 to index
      %get3A_40 = arith.constant 48 : index
      %get3A_41 = tpu.vector_load %arg6[%get3A_39, %get3A_40] {strides = array<i32>} : memref<79x128xi32, #tpu.memory_space<vmem>>, vector<16xi32>,
      %get3A_42 = arith.index_cast %add3A_19 : i32 to index
      %get3A_43 = arith.constant 48 : index
      %get3A_44 = tpu.vector_load %arg7[%get3A_42, %get3A_43] {strides = array<i32>} : memref<79x128xi32, #tpu.memory_space<vmem>>, vector<16xi32>,
      %gather3A_45 = tpu.vector_load_idx %arg8[%get3A_41] : memref<10000xf32, #tpu.memory_space<vmem>>[vector<16xi32>], vector<16xf32>,
      tpu.vector_store_idx %arg9[%get3A_44], %gather3A_45 {add = true} : memref<10240xf32, #tpu.memory_space<vmem>>[vector<16xi32>], vector<16xf32>,
      %get3A_46 = arith.index_cast %add3A_19 : i32 to index
      %get3A_47 = arith.constant 64 : index
      %get3A_48 = tpu.vector_load %arg6[%get3A_46, %get3A_47] {strides = array<i32>} : memref<79x128xi32, #tpu.memory_space<vmem>>, vector<16xi32>,
      %get3A_49 = arith.index_cast %add3A_19 : i32 to index
      %get3A_50 = arith.constant 64 : index
      %get3A_51 = tpu.vector_load %arg7[%get3A_49, %get3A_50] {strides = array<i32>} : memref<79x128xi32, #tpu.memory_space<vmem>>, vector<16xi32>,
      %gather3A_52 = tpu.vector_load_idx %arg8[%get3A_48] : memref<10000xf32, #tpu.memory_space<vmem>>[vector<16xi32>], vector<16xf32>,
      tpu.vector_store_idx %arg9[%get3A_51], %gather3A_52 {add = true} : memref<10240xf32, #tpu.memory_space<vmem>>[vector<16xi32>], vector<16xf32>,
      %get3A_53 = arith.index_cast %add3A_19 : i32 to index
      %get3A_54 = arith.constant 80 : index
      %get3A_55 = tpu.vector_load %arg6[%get3A_53, %get3A_54] {strides = array<i32>} : memref<79x128xi32, #tpu.memory_space<vmem>>, vector<16xi32>,
      %get3A_56 = arith.index_cast %add3A_19 : i32 to index
      %get3A_57 = arith.constant 80 : index
      %get3A_58 = tpu.vector_load %arg7[%get3A_56, %get3A_57] {strides = array<i32>} : memref<79x128xi32, #tpu.memory_space<vmem>>, vector<16xi32>,
      %gather3A_59 = tpu.vector_load_idx %arg8[%get3A_55] : memref<10000xf32, #tpu.memory_space<vmem>>[vector<16xi32>], vector<16xf32>,
      tpu.vector_store_idx %arg9[%get3A_58], %gather3A_59 {add = true} : memref<10240xf32, #tpu.memory_space<vmem>>[vector<16xi32>], vector<16xf32>,
      %get3A_60 = arith.index_cast %add3A_19 : i32 to index
      %get3A_61 = arith.constant 96 : index
      %get3A_62 = tpu.vector_load %arg6[%get3A_60, %get3A_61] {strides = array<i32>} : memref<79x128xi32, #tpu.memory_space<vmem>>, vector<16xi32>,
      %get3A_63 = arith.index_cast %add3A_19 : i32 to index
      %get3A_64 = arith.constant 96 : index
      %get3A_65 = tpu.vector_load %arg7[%get3A_63, %get3A_64] {strides = array<i32>} : memref<79x128xi32, #tpu.memory_space<vmem>>, vector<16xi32>,
      %gather3A_66 = tpu.vector_load_idx %arg8[%get3A_62] : memref<10000xf32, #tpu.memory_space<vmem>>[vector<16xi32>], vector<16xf32>,
      tpu.vector_store_idx %arg9[%get3A_65], %gather3A_66 {add = true} : memref<10240xf32, #tpu.memory_space<vmem>>[vector<16xi32>], vector<16xf32>,
      %get3A_67 = arith.index_cast %add3A_19 : i32 to index
      %get3A_68 = arith.constant 112 : index
      %get3A_69 = tpu.vector_load %arg6[%get3A_67, %get3A_68] {strides = array<i32>} : memref<79x128xi32, #tpu.memory_space<vmem>>, vector<16xi32>,
      %get3A_70 = arith.index_cast %add3A_19 : i32 to index
      %get3A_71 = arith.constant 112 : index
      %get3A_72 = tpu.vector_load %arg7[%get3A_70, %get3A_71] {strides = array<i32>} : memref<79x128xi32, #tpu.memory_space<vmem>>, vector<16xi32>,
      %gather3A_73 = tpu.vector_load_idx %arg8[%get3A_69] : memref<10000xf32, #tpu.memory_space<vmem>>[vector<16xi32>], vector<16xf32>,
      tpu.vector_store_idx %arg9[%get3A_72], %gather3A_73 {add = true} : memref<10240xf32, #tpu.memory_space<vmem>>[vector<16xi32>], vector<16xf32>,
    }
    %scan3A_14 = arith.constant 79 : i32
    "tpu.region"() ({
      %run_scoped3A = tpu.sem_alloc : memref<!tpu.dma_semaphore, #tpu.memory_space<semaphore_mem>>
      %dma_start3A = arith.constant 0 : i32
      %dma_start3A_15 = tpu.memref_slice %arg5[%add3A, %dma_start3A] : memref<32x10240xf32, #tpu.memory_space<hbm>> -> memref<1x10240xf32, #tpu.memory_space<hbm>>
      %dma_start3A_16 = tpu.memref_squeeze %dma_start3A_15 : memref<1x10240xf32, #tpu.memory_space<hbm>> -> memref<10240xf32, #tpu.memory_space<hbm>>
      %dma_start3A_17 = arith.constant 0 : i32
      %dma_start3A_18 = tpu.memref_slice %arg5[%add3A, %dma_start3A_17] : memref<32x10240xf32, #tpu.memory_space<hbm>> -> memref<1x10240xf32, #tpu.memory_space<hbm>>
      %dma_start3A_19 = tpu.memref_squeeze %dma_start3A_18 : memref<1x10240xf32, #tpu.memory_space<hbm>> -> memref<10240xf32, #tpu.memory_space<hbm>>
      tpu.enqueue_dma source(%arg9 : memref<10240xf32, #tpu.memory_space<vmem>>) target(%dma_start3A_19 : memref<10240xf32, #tpu.memory_space<hbm>>) target_semaphore(%run_scoped3A : memref<!tpu.dma_semaphore, #tpu.memory_space<semaphore_mem>>)
      %dma_wait3A = arith.constant 0 : i32
      %dma_wait3A_20 = tpu.memref_slice %arg5[%add3A, %dma_wait3A] : memref<32x10240xf32, #tpu.memory_space<hbm>> -> memref<1x10240xf32, #tpu.memory_space<hbm>>
      %dma_wait3A_21 = tpu.memref_squeeze %dma_wait3A_20 : memref<1x10240xf32, #tpu.memory_space<hbm>> -> memref<10240xf32, #tpu.memory_space<hbm>>
      %dma_wait3A_22 = arith.constant 0 : i32
      %dma_wait3A_23 = tpu.memref_slice %arg5[%add3A, %dma_wait3A_22] : memref<32x10240xf32, #tpu.memory_space<hbm>> -> memref<1x10240xf32, #tpu.memory_space<hbm>>
      %dma_wait3A_24 = tpu.memref_squeeze %dma_wait3A_23 : memref<1x10240xf32, #tpu.memory_space<hbm>> -> memref<10240xf32, #tpu.memory_space<hbm>>
      tpu.wait_dma2 semaphore(%run_scoped3A : memref<!tpu.dma_semaphore, #tpu.memory_space<semaphore_mem>>) src(%arg9 : memref<10240xf32, #tpu.memory_space<vmem>>) dst(%dma_wait3A_24 : memref<10240xf32, #tpu.memory_space<hbm>>)
      tpu.yield
    }) : () -> ()
    return
  }
}

#map = affine_map<(d0, d1) -> (0, 0)>
#map1 = affine_map<(d0, d1) -> (0, 0, 0)>
module attributes {stable_mosaic.version = 14 : i64} {
  func.func @_sc_prop32(%arg0: i32, %arg1: i32, %arg2: memref<2528x128xi32, #tpu.memory_space<hbm>>, %arg3: memref<2528x128xi32, #tpu.memory_space<hbm>>, %arg4: memref<10000x32xf32, #tpu.memory_space<hbm>>, %arg5: memref<2x10240x32xf32, #tpu.memory_space<hbm>>, %arg6: memref<79x128xi32, #tpu.memory_space<vmem>>, %arg7: memref<79x128xi32, #tpu.memory_space<vmem>>, %arg8: memref<128x32xf32, #tpu.memory_space<vmem>>, %arg9: memref<128x32xf32, #tpu.memory_space<vmem>>, %arg10: memref<128x32xf32, #tpu.memory_space<vmem>>, %arg11: memref<128x32xf32, #tpu.memory_space<vmem>>, %arg12: memref<128x32xf32, #tpu.memory_space<vmem>>, %arg13: memref<10240x32xf32, #tpu.memory_space<vmem_shared>>, %arg14: memref<10000x32xf32, #tpu.memory_space<vmem_shared>>, %arg15: memref<!tpu.dma_semaphore, #tpu.memory_space<semaphore_mem>>, %arg16: memref<!tpu.dma_semaphore, #tpu.memory_space<semaphore_mem>>, %arg17: memref<!tpu.dma_semaphore, #tpu.memory_space<semaphore_mem>>, %arg18: memref<!tpu.dma_semaphore, #tpu.memory_space<semaphore_mem>>) attributes {dimension_semantics = [#tpu.dimension_semantics<core_parallel>, #tpu.dimension_semantics<subcore_parallel>], iteration_bounds = array<i64: 2, 16>, scalar_prefetch = 0 : i64, scratch_operands = 13 : i64, tpu.core_type = #tpu.core_type<sc_vector_subcore>, window_params = [{transform_indices = #map}, {transform_indices = #map}, {transform_indices = #map}, {transform_indices = #map1}]} {
    %mul3A = arith.constant 16 : i32
    %mul3A_0 = arith.muli %arg0, %mul3A : i32
    %add3A = arith.addi %mul3A_0, %arg1 : i32
    %mul3A_1 = arith.constant 79 : i32
    %mul3A_2 = arith.muli %add3A, %mul3A_1 : i32
    "tpu.region"() ({
      %run_scoped3A_162 = tpu.sem_alloc : memref<!tpu.dma_semaphore, #tpu.memory_space<semaphore_mem>>
      %dma_start3A_163 = arith.constant 0 : i32
      %dma_start3A_164 = tpu.memref_slice %arg2[%mul3A_2, %dma_start3A_163] : memref<2528x128xi32, #tpu.memory_space<hbm>> -> memref<79x128xi32, #tpu.memory_space<hbm>>
      %dma_start3A_165 = arith.constant 0 : i32
      %dma_start3A_166 = tpu.memref_slice %arg2[%mul3A_2, %dma_start3A_165] : memref<2528x128xi32, #tpu.memory_space<hbm>> -> memref<79x128xi32, #tpu.memory_space<hbm>>
      tpu.enqueue_dma source(%dma_start3A_166 : memref<79x128xi32, #tpu.memory_space<hbm>>) target(%arg6 : memref<79x128xi32, #tpu.memory_space<vmem>>) target_semaphore(%run_scoped3A_162 : memref<!tpu.dma_semaphore, #tpu.memory_space<semaphore_mem>>)
      %dma_wait3A_167 = arith.constant 0 : i32
      %dma_wait3A_168 = tpu.memref_slice %arg2[%mul3A_2, %dma_wait3A_167] : memref<2528x128xi32, #tpu.memory_space<hbm>> -> memref<79x128xi32, #tpu.memory_space<hbm>>
      %dma_wait3A_169 = arith.constant 0 : i32
      %dma_wait3A_170 = tpu.memref_slice %arg2[%mul3A_2, %dma_wait3A_169] : memref<2528x128xi32, #tpu.memory_space<hbm>> -> memref<79x128xi32, #tpu.memory_space<hbm>>
      tpu.wait_dma2 semaphore(%run_scoped3A_162 : memref<!tpu.dma_semaphore, #tpu.memory_space<semaphore_mem>>) src(%dma_wait3A_170 : memref<79x128xi32, #tpu.memory_space<hbm>>) dst(%arg6 : memref<79x128xi32, #tpu.memory_space<vmem>>)
      tpu.yield
    }) : () -> ()
    %mul3A_3 = arith.constant 79 : i32
    %mul3A_4 = arith.muli %add3A, %mul3A_3 : i32
    "tpu.region"() ({
      %run_scoped3A_162 = tpu.sem_alloc : memref<!tpu.dma_semaphore, #tpu.memory_space<semaphore_mem>>
      %dma_start3A_163 = arith.constant 0 : i32
      %dma_start3A_164 = tpu.memref_slice %arg3[%mul3A_4, %dma_start3A_163] : memref<2528x128xi32, #tpu.memory_space<hbm>> -> memref<79x128xi32, #tpu.memory_space<hbm>>
      %dma_start3A_165 = arith.constant 0 : i32
      %dma_start3A_166 = tpu.memref_slice %arg3[%mul3A_4, %dma_start3A_165] : memref<2528x128xi32, #tpu.memory_space<hbm>> -> memref<79x128xi32, #tpu.memory_space<hbm>>
      tpu.enqueue_dma source(%dma_start3A_166 : memref<79x128xi32, #tpu.memory_space<hbm>>) target(%arg7 : memref<79x128xi32, #tpu.memory_space<vmem>>) target_semaphore(%run_scoped3A_162 : memref<!tpu.dma_semaphore, #tpu.memory_space<semaphore_mem>>)
      %dma_wait3A_167 = arith.constant 0 : i32
      %dma_wait3A_168 = tpu.memref_slice %arg3[%mul3A_4, %dma_wait3A_167] : memref<2528x128xi32, #tpu.memory_space<hbm>> -> memref<79x128xi32, #tpu.memory_space<hbm>>
      %dma_wait3A_169 = arith.constant 0 : i32
      %dma_wait3A_170 = tpu.memref_slice %arg3[%mul3A_4, %dma_wait3A_169] : memref<2528x128xi32, #tpu.memory_space<hbm>> -> memref<79x128xi32, #tpu.memory_space<hbm>>
      tpu.wait_dma2 semaphore(%run_scoped3A_162 : memref<!tpu.dma_semaphore, #tpu.memory_space<semaphore_mem>>) src(%dma_wait3A_170 : memref<79x128xi32, #tpu.memory_space<hbm>>) dst(%arg7 : memref<79x128xi32, #tpu.memory_space<vmem>>)
      tpu.yield
    }) : () -> ()
    %mul3A_5 = arith.constant 625 : i32
    %mul3A_6 = arith.muli %arg1, %mul3A_5 : i32
    %mul3A_7 = arith.constant 625 : i32
    %mul3A_8 = arith.muli %arg1, %mul3A_7 : i32
    "tpu.region"() ({
      %run_scoped3A_162 = tpu.sem_alloc : memref<!tpu.dma_semaphore, #tpu.memory_space<semaphore_mem>>
      %dma_start3A_163 = arith.constant 0 : i32
      %dma_start3A_164 = tpu.memref_slice %arg14[%mul3A_8, %dma_start3A_163] : memref<10000x32xf32, #tpu.memory_space<vmem_shared>> -> memref<625x32xf32, #tpu.memory_space<vmem_shared>>
      %dma_start3A_165 = arith.constant 0 : i32
      %dma_start3A_166 = tpu.memref_slice %arg4[%mul3A_6, %dma_start3A_165] : memref<10000x32xf32, #tpu.memory_space<hbm>> -> memref<625x32xf32, #tpu.memory_space<hbm>>
      tpu.enqueue_dma source(%dma_start3A_166 : memref<625x32xf32, #tpu.memory_space<hbm>>) target(%dma_start3A_164 : memref<625x32xf32, #tpu.memory_space<vmem_shared>>) target_semaphore(%run_scoped3A_162 : memref<!tpu.dma_semaphore, #tpu.memory_space<semaphore_mem>>)
      %dma_wait3A_167 = arith.constant 0 : i32
      %dma_wait3A_168 = tpu.memref_slice %arg14[%mul3A_8, %dma_wait3A_167] : memref<10000x32xf32, #tpu.memory_space<vmem_shared>> -> memref<625x32xf32, #tpu.memory_space<vmem_shared>>
      %dma_wait3A_169 = arith.constant 0 : i32
      %dma_wait3A_170 = tpu.memref_slice %arg4[%mul3A_6, %dma_wait3A_169] : memref<10000x32xf32, #tpu.memory_space<hbm>> -> memref<625x32xf32, #tpu.memory_space<hbm>>
      tpu.wait_dma2 semaphore(%run_scoped3A_162 : memref<!tpu.dma_semaphore, #tpu.memory_space<semaphore_mem>>) src(%dma_wait3A_170 : memref<625x32xf32, #tpu.memory_space<hbm>>) dst(%dma_wait3A_168 : memref<625x32xf32, #tpu.memory_space<vmem_shared>>)
      tpu.yield
    }) : () -> ()
    %broadcast_in_dim3A = arith.constant 0.000000e+00 : f32
    %broadcast_in_dim3A_9 = vector.broadcast %broadcast_in_dim3A : f32 to vector<16xf32>
    %scan3A = arith.constant 0 : i32
    %scan3A_10 = arith.constant 128 : i32
    %scan3A_11 = arith.addi %scan3A, %scan3A_10 : i32
    %scan3A_12 = arith.constant 1 : i32
    scf.for %scan3A_162 = %scan3A to %scan3A_11 step %scan3A_12  : i32 {
      %mul3A_163 = arith.constant 1 : i32
      %mul3A_164 = arith.muli %scan3A_162, %mul3A_163 : i32
      %add3A_165 = arith.constant 0 : i32
      %add3A_166 = arith.addi %add3A_165, %mul3A_164 : i32
      %swap3A = arith.index_cast %add3A_166 : i32 to index
      %swap3A_167 = arith.constant 0 : index
      %swap3A_168 = tpu.vector_load %arg12[%swap3A, %swap3A_167] {strides = array<i32>} : memref<128x32xf32, #tpu.memory_space<vmem>>, vector<16xf32>,
      tpu.vector_store %arg12[%swap3A, %swap3A_167], %broadcast_in_dim3A_9 {strides = array<i32>} : memref<128x32xf32, #tpu.memory_space<vmem>>, vector<16xf32>,
      %swap3A_169 = arith.index_cast %add3A_166 : i32 to index
      %swap3A_170 = arith.constant 16 : index
      %swap3A_171 = tpu.vector_load %arg12[%swap3A_169, %swap3A_170] {strides = array<i32>} : memref<128x32xf32, #tpu.memory_space<vmem>>, vector<16xf32>,
      tpu.vector_store %arg12[%swap3A_169, %swap3A_170], %broadcast_in_dim3A_9 {strides = array<i32>} : memref<128x32xf32, #tpu.memory_space<vmem>>, vector<16xf32>,
    }
    %scan3A_13 = arith.constant 128 : i32
    %mul3A_14 = arith.constant 640 : i32
    %mul3A_15 = arith.muli %arg1, %mul3A_14 : i32
    %add3A_16 = arith.constant 0 : i32
    %add3A_17 = arith.addi %mul3A_15, %add3A_16 : i32
    "tpu.region"() ({
      %run_scoped3A_162 = tpu.sem_alloc : memref<!tpu.dma_semaphore, #tpu.memory_space<semaphore_mem>>
      %dma_start3A_163 = arith.constant 0 : i32
      %dma_start3A_164 = tpu.memref_slice %arg13[%add3A_17, %dma_start3A_163] : memref<10240x32xf32, #tpu.memory_space<vmem_shared>> -> memref<128x32xf32, #tpu.memory_space<vmem_shared>>
      %dma_start3A_165 = arith.constant 0 : i32
      %dma_start3A_166 = tpu.memref_slice %arg13[%add3A_17, %dma_start3A_165] : memref<10240x32xf32, #tpu.memory_space<vmem_shared>> -> memref<128x32xf32, #tpu.memory_space<vmem_shared>>
      tpu.enqueue_dma source(%arg12 : memref<128x32xf32, #tpu.memory_space<vmem>>) target(%dma_start3A_166 : memref<128x32xf32, #tpu.memory_space<vmem_shared>>) target_semaphore(%run_scoped3A_162 : memref<!tpu.dma_semaphore, #tpu.memory_space<semaphore_mem>>)
      %dma_wait3A_167 = arith.constant 0 : i32
      %dma_wait3A_168 = tpu.memref_slice %arg13[%add3A_17, %dma_wait3A_167] : memref<10240x32xf32, #tpu.memory_space<vmem_shared>> -> memref<128x32xf32, #tpu.memory_space<vmem_shared>>
      %dma_wait3A_169 = arith.constant 0 : i32
      %dma_wait3A_170 = tpu.memref_slice %arg13[%add3A_17, %dma_wait3A_169] : memref<10240x32xf32, #tpu.memory_space<vmem_shared>> -> memref<128x32xf32, #tpu.memory_space<vmem_shared>>
      tpu.wait_dma2 semaphore(%run_scoped3A_162 : memref<!tpu.dma_semaphore, #tpu.memory_space<semaphore_mem>>) src(%arg12 : memref<128x32xf32, #tpu.memory_space<vmem>>) dst(%dma_wait3A_170 : memref<128x32xf32, #tpu.memory_space<vmem_shared>>)
      tpu.yield
    }) : () -> ()
    %mul3A_18 = arith.constant 640 : i32
    %mul3A_19 = arith.muli %arg1, %mul3A_18 : i32
    %add3A_20 = arith.constant 128 : i32
    %add3A_21 = arith.addi %mul3A_19, %add3A_20 : i32
    "tpu.region"() ({
      %run_scoped3A_162 = tpu.sem_alloc : memref<!tpu.dma_semaphore, #tpu.memory_space<semaphore_mem>>
      %dma_start3A_163 = arith.constant 0 : i32
      %dma_start3A_164 = tpu.memref_slice %arg13[%add3A_21, %dma_start3A_163] : memref<10240x32xf32, #tpu.memory_space<vmem_shared>> -> memref<128x32xf32, #tpu.memory_space<vmem_shared>>
      %dma_start3A_165 = arith.constant 0 : i32
      %dma_start3A_166 = tpu.memref_slice %arg13[%add3A_21, %dma_start3A_165] : memref<10240x32xf32, #tpu.memory_space<vmem_shared>> -> memref<128x32xf32, #tpu.memory_space<vmem_shared>>
      tpu.enqueue_dma source(%arg12 : memref<128x32xf32, #tpu.memory_space<vmem>>) target(%dma_start3A_166 : memref<128x32xf32, #tpu.memory_space<vmem_shared>>) target_semaphore(%run_scoped3A_162 : memref<!tpu.dma_semaphore, #tpu.memory_space<semaphore_mem>>)
      %dma_wait3A_167 = arith.constant 0 : i32
      %dma_wait3A_168 = tpu.memref_slice %arg13[%add3A_21, %dma_wait3A_167] : memref<10240x32xf32, #tpu.memory_space<vmem_shared>> -> memref<128x32xf32, #tpu.memory_space<vmem_shared>>
      %dma_wait3A_169 = arith.constant 0 : i32
      %dma_wait3A_170 = tpu.memref_slice %arg13[%add3A_21, %dma_wait3A_169] : memref<10240x32xf32, #tpu.memory_space<vmem_shared>> -> memref<128x32xf32, #tpu.memory_space<vmem_shared>>
      tpu.wait_dma2 semaphore(%run_scoped3A_162 : memref<!tpu.dma_semaphore, #tpu.memory_space<semaphore_mem>>) src(%arg12 : memref<128x32xf32, #tpu.memory_space<vmem>>) dst(%dma_wait3A_170 : memref<128x32xf32, #tpu.memory_space<vmem_shared>>)
      tpu.yield
    }) : () -> ()
    %mul3A_22 = arith.constant 640 : i32
    %mul3A_23 = arith.muli %arg1, %mul3A_22 : i32
    %add3A_24 = arith.constant 256 : i32
    %add3A_25 = arith.addi %mul3A_23, %add3A_24 : i32
    "tpu.region"() ({
      %run_scoped3A_162 = tpu.sem_alloc : memref<!tpu.dma_semaphore, #tpu.memory_space<semaphore_mem>>
      %dma_start3A_163 = arith.constant 0 : i32
      %dma_start3A_164 = tpu.memref_slice %arg13[%add3A_25, %dma_start3A_163] : memref<10240x32xf32, #tpu.memory_space<vmem_shared>> -> memref<128x32xf32, #tpu.memory_space<vmem_shared>>
      %dma_start3A_165 = arith.constant 0 : i32
      %dma_start3A_166 = tpu.memref_slice %arg13[%add3A_25, %dma_start3A_165] : memref<10240x32xf32, #tpu.memory_space<vmem_shared>> -> memref<128x32xf32, #tpu.memory_space<vmem_shared>>
      tpu.enqueue_dma source(%arg12 : memref<128x32xf32, #tpu.memory_space<vmem>>) target(%dma_start3A_166 : memref<128x32xf32, #tpu.memory_space<vmem_shared>>) target_semaphore(%run_scoped3A_162 : memref<!tpu.dma_semaphore, #tpu.memory_space<semaphore_mem>>)
      %dma_wait3A_167 = arith.constant 0 : i32
      %dma_wait3A_168 = tpu.memref_slice %arg13[%add3A_25, %dma_wait3A_167] : memref<10240x32xf32, #tpu.memory_space<vmem_shared>> -> memref<128x32xf32, #tpu.memory_space<vmem_shared>>
      %dma_wait3A_169 = arith.constant 0 : i32
      %dma_wait3A_170 = tpu.memref_slice %arg13[%add3A_25, %dma_wait3A_169] : memref<10240x32xf32, #tpu.memory_space<vmem_shared>> -> memref<128x32xf32, #tpu.memory_space<vmem_shared>>
      tpu.wait_dma2 semaphore(%run_scoped3A_162 : memref<!tpu.dma_semaphore, #tpu.memory_space<semaphore_mem>>) src(%arg12 : memref<128x32xf32, #tpu.memory_space<vmem>>) dst(%dma_wait3A_170 : memref<128x32xf32, #tpu.memory_space<vmem_shared>>)
      tpu.yield
    }) : () -> ()
    %mul3A_26 = arith.constant 640 : i32
    %mul3A_27 = arith.muli %arg1, %mul3A_26 : i32
    %add3A_28 = arith.constant 384 : i32
    %add3A_29 = arith.addi %mul3A_27, %add3A_28 : i32
    "tpu.region"() ({
      %run_scoped3A_162 = tpu.sem_alloc : memref<!tpu.dma_semaphore, #tpu.memory_space<semaphore_mem>>
      %dma_start3A_163 = arith.constant 0 : i32
      %dma_start3A_164 = tpu.memref_slice %arg13[%add3A_29, %dma_start3A_163] : memref<10240x32xf32, #tpu.memory_space<vmem_shared>> -> memref<128x32xf32, #tpu.memory_space<vmem_shared>>
      %dma_start3A_165 = arith.constant 0 : i32
      %dma_start3A_166 = tpu.memref_slice %arg13[%add3A_29, %dma_start3A_165] : memref<10240x32xf32, #tpu.memory_space<vmem_shared>> -> memref<128x32xf32, #tpu.memory_space<vmem_shared>>
      tpu.enqueue_dma source(%arg12 : memref<128x32xf32, #tpu.memory_space<vmem>>) target(%dma_start3A_166 : memref<128x32xf32, #tpu.memory_space<vmem_shared>>) target_semaphore(%run_scoped3A_162 : memref<!tpu.dma_semaphore, #tpu.memory_space<semaphore_mem>>)
      %dma_wait3A_167 = arith.constant 0 : i32
      %dma_wait3A_168 = tpu.memref_slice %arg13[%add3A_29, %dma_wait3A_167] : memref<10240x32xf32, #tpu.memory_space<vmem_shared>> -> memref<128x32xf32, #tpu.memory_space<vmem_shared>>
      %dma_wait3A_169 = arith.constant 0 : i32
      %dma_wait3A_170 = tpu.memref_slice %arg13[%add3A_29, %dma_wait3A_169] : memref<10240x32xf32, #tpu.memory_space<vmem_shared>> -> memref<128x32xf32, #tpu.memory_space<vmem_shared>>
      tpu.wait_dma2 semaphore(%run_scoped3A_162 : memref<!tpu.dma_semaphore, #tpu.memory_space<semaphore_mem>>) src(%arg12 : memref<128x32xf32, #tpu.memory_space<vmem>>) dst(%dma_wait3A_170 : memref<128x32xf32, #tpu.memory_space<vmem_shared>>)
      tpu.yield
    }) : () -> ()
    %mul3A_30 = arith.constant 640 : i32
    %mul3A_31 = arith.muli %arg1, %mul3A_30 : i32
    %add3A_32 = arith.constant 512 : i32
    %add3A_33 = arith.addi %mul3A_31, %add3A_32 : i32
    "tpu.region"() ({
      %run_scoped3A_162 = tpu.sem_alloc : memref<!tpu.dma_semaphore, #tpu.memory_space<semaphore_mem>>
      %dma_start3A_163 = arith.constant 0 : i32
      %dma_start3A_164 = tpu.memref_slice %arg13[%add3A_33, %dma_start3A_163] : memref<10240x32xf32, #tpu.memory_space<vmem_shared>> -> memref<128x32xf32, #tpu.memory_space<vmem_shared>>
      %dma_start3A_165 = arith.constant 0 : i32
      %dma_start3A_166 = tpu.memref_slice %arg13[%add3A_33, %dma_start3A_165] : memref<10240x32xf32, #tpu.memory_space<vmem_shared>> -> memref<128x32xf32, #tpu.memory_space<vmem_shared>>
      tpu.enqueue_dma source(%arg12 : memref<128x32xf32, #tpu.memory_space<vmem>>) target(%dma_start3A_166 : memref<128x32xf32, #tpu.memory_space<vmem_shared>>) target_semaphore(%run_scoped3A_162 : memref<!tpu.dma_semaphore, #tpu.memory_space<semaphore_mem>>)
      %dma_wait3A_167 = arith.constant 0 : i32
      %dma_wait3A_168 = tpu.memref_slice %arg13[%add3A_33, %dma_wait3A_167] : memref<10240x32xf32, #tpu.memory_space<vmem_shared>> -> memref<128x32xf32, #tpu.memory_space<vmem_shared>>
      %dma_wait3A_169 = arith.constant 0 : i32
      %dma_wait3A_170 = tpu.memref_slice %arg13[%add3A_33, %dma_wait3A_169] : memref<10240x32xf32, #tpu.memory_space<vmem_shared>> -> memref<128x32xf32, #tpu.memory_space<vmem_shared>>
      tpu.wait_dma2 semaphore(%run_scoped3A_162 : memref<!tpu.dma_semaphore, #tpu.memory_space<semaphore_mem>>) src(%arg12 : memref<128x32xf32, #tpu.memory_space<vmem>>) dst(%dma_wait3A_170 : memref<128x32xf32, #tpu.memory_space<vmem_shared>>)
      tpu.yield
    }) : () -> ()
    %barrier3A = arith.constant 0 : index
    tpu.barrier barrier_id(%barrier3A)
    %dma_start3A = arith.constant 0 : i32
    %dma_start3A_34 = arith.constant 0 : i32
    %dma_start3A_35 = tpu.memref_slice %arg6[%dma_start3A, %dma_start3A_34] : memref<79x128xi32, #tpu.memory_space<vmem>> -> memref<1x128xi32, #tpu.memory_space<vmem>>
    %dma_start3A_36 = tpu.memref_squeeze %dma_start3A_35 : memref<1x128xi32, #tpu.memory_space<vmem>> -> memref<128xi32, #tpu.memory_space<vmem>>
    %dma_start3A_37 = arith.constant 0 : i32
    %dma_start3A_38 = arith.constant 0 : i32
    %dma_start3A_39 = tpu.memref_slice %arg14[%dma_start3A_37, %dma_start3A_38] : memref<10000x32xf32, #tpu.memory_space<vmem_shared>> -> memref<10000x32xf32, #tpu.memory_space<vmem_shared>>
    tpu.enqueue_indirect_dma source(%dma_start3A_39 : memref<10000x32xf32, #tpu.memory_space<vmem_shared>>) target(%arg8 : memref<128x32xf32, #tpu.memory_space<vmem>>) offsets(%dma_start3A_36 : memref<128xi32, #tpu.memory_space<vmem>>) semaphore(%arg15 : memref<!tpu.dma_semaphore, #tpu.memory_space<semaphore_mem>>)
    %dma_start3A_40 = arith.constant 1 : i32
    %dma_start3A_41 = arith.constant 0 : i32
    %dma_start3A_42 = tpu.memref_slice %arg6[%dma_start3A_40, %dma_start3A_41] : memref<79x128xi32, #tpu.memory_space<vmem>> -> memref<1x128xi32, #tpu.memory_space<vmem>>
    %dma_start3A_43 = tpu.memref_squeeze %dma_start3A_42 : memref<1x128xi32, #tpu.memory_space<vmem>> -> memref<128xi32, #tpu.memory_space<vmem>>
    %dma_start3A_44 = arith.constant 0 : i32
    %dma_start3A_45 = arith.constant 0 : i32
    %dma_start3A_46 = tpu.memref_slice %arg14[%dma_start3A_44, %dma_start3A_45] : memref<10000x32xf32, #tpu.memory_space<vmem_shared>> -> memref<10000x32xf32, #tpu.memory_space<vmem_shared>>
    tpu.enqueue_indirect_dma source(%dma_start3A_46 : memref<10000x32xf32, #tpu.memory_space<vmem_shared>>) target(%arg9 : memref<128x32xf32, #tpu.memory_space<vmem>>) offsets(%dma_start3A_43 : memref<128xi32, #tpu.memory_space<vmem>>) semaphore(%arg16 : memref<!tpu.dma_semaphore, #tpu.memory_space<semaphore_mem>>)
    %dma_start3A_47 = arith.constant 2 : i32
    %dma_start3A_48 = arith.constant 0 : i32
    %dma_start3A_49 = tpu.memref_slice %arg6[%dma_start3A_47, %dma_start3A_48] : memref<79x128xi32, #tpu.memory_space<vmem>> -> memref<1x128xi32, #tpu.memory_space<vmem>>
    %dma_start3A_50 = tpu.memref_squeeze %dma_start3A_49 : memref<1x128xi32, #tpu.memory_space<vmem>> -> memref<128xi32, #tpu.memory_space<vmem>>
    %dma_start3A_51 = arith.constant 0 : i32
    %dma_start3A_52 = arith.constant 0 : i32
    %dma_start3A_53 = tpu.memref_slice %arg14[%dma_start3A_51, %dma_start3A_52] : memref<10000x32xf32, #tpu.memory_space<vmem_shared>> -> memref<10000x32xf32, #tpu.memory_space<vmem_shared>>
    tpu.enqueue_indirect_dma source(%dma_start3A_53 : memref<10000x32xf32, #tpu.memory_space<vmem_shared>>) target(%arg10 : memref<128x32xf32, #tpu.memory_space<vmem>>) offsets(%dma_start3A_50 : memref<128xi32, #tpu.memory_space<vmem>>) semaphore(%arg17 : memref<!tpu.dma_semaphore, #tpu.memory_space<semaphore_mem>>)
    %dma_start3A_54 = arith.constant 3 : i32
    %dma_start3A_55 = arith.constant 0 : i32
    %dma_start3A_56 = tpu.memref_slice %arg6[%dma_start3A_54, %dma_start3A_55] : memref<79x128xi32, #tpu.memory_space<vmem>> -> memref<1x128xi32, #tpu.memory_space<vmem>>
    %dma_start3A_57 = tpu.memref_squeeze %dma_start3A_56 : memref<1x128xi32, #tpu.memory_space<vmem>> -> memref<128xi32, #tpu.memory_space<vmem>>
    %dma_start3A_58 = arith.constant 0 : i32
    %dma_start3A_59 = arith.constant 0 : i32
    %dma_start3A_60 = tpu.memref_slice %arg14[%dma_start3A_58, %dma_start3A_59] : memref<10000x32xf32, #tpu.memory_space<vmem_shared>> -> memref<10000x32xf32, #tpu.memory_space<vmem_shared>>
    tpu.enqueue_indirect_dma source(%dma_start3A_60 : memref<10000x32xf32, #tpu.memory_space<vmem_shared>>) target(%arg11 : memref<128x32xf32, #tpu.memory_space<vmem>>) offsets(%dma_start3A_57 : memref<128xi32, #tpu.memory_space<vmem>>) semaphore(%arg18 : memref<!tpu.dma_semaphore, #tpu.memory_space<semaphore_mem>>)
    %scan3A_61 = arith.constant 0 : i32
    %scan3A_62 = arith.constant 18 : i32
    %scan3A_63 = arith.addi %scan3A_61, %scan3A_62 : i32
    %scan3A_64 = arith.constant 1 : i32
    scf.for %scan3A_162 = %scan3A_61 to %scan3A_63 step %scan3A_64  : i32 {
      %mul3A_163 = arith.constant 1 : i32
      %mul3A_164 = arith.muli %scan3A_162, %mul3A_163 : i32
      %add3A_165 = arith.constant 0 : i32
      %add3A_166 = arith.addi %add3A_165, %mul3A_164 : i32
      %mul3A_167 = arith.constant 4 : i32
      %mul3A_168 = arith.muli %mul3A_167, %add3A_166 : i32
      %add3A_169 = arith.constant 0 : i32
      %add3A_170 = arith.addi %mul3A_168, %add3A_169 : i32
      %dma_wait3A_171 = arith.constant 0 : i32
      %dma_wait3A_172 = tpu.memref_slice %arg6[%add3A_170, %dma_wait3A_171] : memref<79x128xi32, #tpu.memory_space<vmem>> -> memref<1x128xi32, #tpu.memory_space<vmem>>
      %dma_wait3A_173 = tpu.memref_squeeze %dma_wait3A_172 : memref<1x128xi32, #tpu.memory_space<vmem>> -> memref<128xi32, #tpu.memory_space<vmem>>
      %dma_wait3A_174 = arith.constant 0 : i32
      %dma_wait3A_175 = arith.constant 0 : i32
      %dma_wait3A_176 = tpu.memref_slice %arg14[%dma_wait3A_174, %dma_wait3A_175] : memref<10000x32xf32, #tpu.memory_space<vmem_shared>> -> memref<10000x32xf32, #tpu.memory_space<vmem_shared>>
      tpu.wait_indirect_dma semaphore(%arg15 : memref<!tpu.dma_semaphore, #tpu.memory_space<semaphore_mem>>) src(%dma_wait3A_176 : memref<10000x32xf32, #tpu.memory_space<vmem_shared>>) dst(%arg8 : memref<128x32xf32, #tpu.memory_space<vmem>>)
      %add3A_177 = arith.constant 0 : i32
      %add3A_178 = arith.addi %mul3A_168, %add3A_177 : i32
      "tpu.region"() ({
        %run_scoped3A_249 = tpu.sem_alloc : memref<!tpu.dma_semaphore, #tpu.memory_space<semaphore_mem>>
        %dma_start3A_250 = arith.constant 0 : i32
        %dma_start3A_251 = tpu.memref_slice %arg7[%add3A_178, %dma_start3A_250] : memref<79x128xi32, #tpu.memory_space<vmem>> -> memref<1x128xi32, #tpu.memory_space<vmem>>
        %dma_start3A_252 = tpu.memref_squeeze %dma_start3A_251 : memref<1x128xi32, #tpu.memory_space<vmem>> -> memref<128xi32, #tpu.memory_space<vmem>>
        %dma_start3A_253 = arith.constant 0 : i32
        %dma_start3A_254 = arith.constant 0 : i32
        %dma_start3A_255 = tpu.memref_slice %arg13[%dma_start3A_253, %dma_start3A_254] : memref<10240x32xf32, #tpu.memory_space<vmem_shared>> -> memref<10240x32xf32, #tpu.memory_space<vmem_shared>>
        tpu.enqueue_indirect_dma source(%arg8 : memref<128x32xf32, #tpu.memory_space<vmem>>) target(%dma_start3A_255 : memref<10240x32xf32, #tpu.memory_space<vmem_shared>>) offsets(%dma_start3A_252 : memref<128xi32, #tpu.memory_space<vmem>>) semaphore(%run_scoped3A_249 : memref<!tpu.dma_semaphore, #tpu.memory_space<semaphore_mem>>) {add = true}
        %dma_wait3A_256 = arith.constant 0 : i32
        %dma_wait3A_257 = tpu.memref_slice %arg7[%add3A_178, %dma_wait3A_256] : memref<79x128xi32, #tpu.memory_space<vmem>> -> memref<1x128xi32, #tpu.memory_space<vmem>>
        %dma_wait3A_258 = tpu.memref_squeeze %dma_wait3A_257 : memref<1x128xi32, #tpu.memory_space<vmem>> -> memref<128xi32, #tpu.memory_space<vmem>>
        %dma_wait3A_259 = arith.constant 0 : i32
        %dma_wait3A_260 = arith.constant 0 : i32
        %dma_wait3A_261 = tpu.memref_slice %arg13[%dma_wait3A_259, %dma_wait3A_260] : memref<10240x32xf32, #tpu.memory_space<vmem_shared>> -> memref<10240x32xf32, #tpu.memory_space<vmem_shared>>
        tpu.wait_indirect_dma semaphore(%run_scoped3A_249 : memref<!tpu.dma_semaphore, #tpu.memory_space<semaphore_mem>>) src(%arg8 : memref<128x32xf32, #tpu.memory_space<vmem>>) dst(%dma_wait3A_261 : memref<10240x32xf32, #tpu.memory_space<vmem_shared>>)
        tpu.yield
      }) : () -> ()
      %add3A_179 = arith.constant 0 : i32
      %add3A_180 = arith.addi %mul3A_168, %add3A_179 : i32
      %add3A_181 = arith.constant 4 : i32
      %add3A_182 = arith.addi %add3A_180, %add3A_181 : i32
      %dma_start3A_183 = arith.constant 0 : i32
      %dma_start3A_184 = tpu.memref_slice %arg6[%add3A_182, %dma_start3A_183] : memref<79x128xi32, #tpu.memory_space<vmem>> -> memref<1x128xi32, #tpu.memory_space<vmem>>
      %dma_start3A_185 = tpu.memref_squeeze %dma_start3A_184 : memref<1x128xi32, #tpu.memory_space<vmem>> -> memref<128xi32, #tpu.memory_space<vmem>>
      %dma_start3A_186 = arith.constant 0 : i32
      %dma_start3A_187 = arith.constant 0 : i32
      %dma_start3A_188 = tpu.memref_slice %arg14[%dma_start3A_186, %dma_start3A_187] : memref<10000x32xf32, #tpu.memory_space<vmem_shared>> -> memref<10000x32xf32, #tpu.memory_space<vmem_shared>>
      tpu.enqueue_indirect_dma source(%dma_start3A_188 : memref<10000x32xf32, #tpu.memory_space<vmem_shared>>) target(%arg8 : memref<128x32xf32, #tpu.memory_space<vmem>>) offsets(%dma_start3A_185 : memref<128xi32, #tpu.memory_space<vmem>>) semaphore(%arg15 : memref<!tpu.dma_semaphore, #tpu.memory_space<semaphore_mem>>)
      %add3A_189 = arith.constant 1 : i32
      %add3A_190 = arith.addi %mul3A_168, %add3A_189 : i32
      %dma_wait3A_191 = arith.constant 0 : i32
      %dma_wait3A_192 = tpu.memref_slice %arg6[%add3A_190, %dma_wait3A_191] : memref<79x128xi32, #tpu.memory_space<vmem>> -> memref<1x128xi32, #tpu.memory_space<vmem>>
      %dma_wait3A_193 = tpu.memref_squeeze %dma_wait3A_192 : memref<1x128xi32, #tpu.memory_space<vmem>> -> memref<128xi32, #tpu.memory_space<vmem>>
      %dma_wait3A_194 = arith.constant 0 : i32
      %dma_wait3A_195 = arith.constant 0 : i32
      %dma_wait3A_196 = tpu.memref_slice %arg14[%dma_wait3A_194, %dma_wait3A_195] : memref<10000x32xf32, #tpu.memory_space<vmem_shared>> -> memref<10000x32xf32, #tpu.memory_space<vmem_shared>>
      tpu.wait_indirect_dma semaphore(%arg16 : memref<!tpu.dma_semaphore, #tpu.memory_space<semaphore_mem>>) src(%dma_wait3A_196 : memref<10000x32xf32, #tpu.memory_space<vmem_shared>>) dst(%arg9 : memref<128x32xf32, #tpu.memory_space<vmem>>)
      %add3A_197 = arith.constant 1 : i32
      %add3A_198 = arith.addi %mul3A_168, %add3A_197 : i32
      "tpu.region"() ({
        %run_scoped3A_249 = tpu.sem_alloc : memref<!tpu.dma_semaphore, #tpu.memory_space<semaphore_mem>>
        %dma_start3A_250 = arith.constant 0 : i32
        %dma_start3A_251 = tpu.memref_slice %arg7[%add3A_198, %dma_start3A_250] : memref<79x128xi32, #tpu.memory_space<vmem>> -> memref<1x128xi32, #tpu.memory_space<vmem>>
        %dma_start3A_252 = tpu.memref_squeeze %dma_start3A_251 : memref<1x128xi32, #tpu.memory_space<vmem>> -> memref<128xi32, #tpu.memory_space<vmem>>
        %dma_start3A_253 = arith.constant 0 : i32
        %dma_start3A_254 = arith.constant 0 : i32
        %dma_start3A_255 = tpu.memref_slice %arg13[%dma_start3A_253, %dma_start3A_254] : memref<10240x32xf32, #tpu.memory_space<vmem_shared>> -> memref<10240x32xf32, #tpu.memory_space<vmem_shared>>
        tpu.enqueue_indirect_dma source(%arg9 : memref<128x32xf32, #tpu.memory_space<vmem>>) target(%dma_start3A_255 : memref<10240x32xf32, #tpu.memory_space<vmem_shared>>) offsets(%dma_start3A_252 : memref<128xi32, #tpu.memory_space<vmem>>) semaphore(%run_scoped3A_249 : memref<!tpu.dma_semaphore, #tpu.memory_space<semaphore_mem>>) {add = true}
        %dma_wait3A_256 = arith.constant 0 : i32
        %dma_wait3A_257 = tpu.memref_slice %arg7[%add3A_198, %dma_wait3A_256] : memref<79x128xi32, #tpu.memory_space<vmem>> -> memref<1x128xi32, #tpu.memory_space<vmem>>
        %dma_wait3A_258 = tpu.memref_squeeze %dma_wait3A_257 : memref<1x128xi32, #tpu.memory_space<vmem>> -> memref<128xi32, #tpu.memory_space<vmem>>
        %dma_wait3A_259 = arith.constant 0 : i32
        %dma_wait3A_260 = arith.constant 0 : i32
        %dma_wait3A_261 = tpu.memref_slice %arg13[%dma_wait3A_259, %dma_wait3A_260] : memref<10240x32xf32, #tpu.memory_space<vmem_shared>> -> memref<10240x32xf32, #tpu.memory_space<vmem_shared>>
        tpu.wait_indirect_dma semaphore(%run_scoped3A_249 : memref<!tpu.dma_semaphore, #tpu.memory_space<semaphore_mem>>) src(%arg9 : memref<128x32xf32, #tpu.memory_space<vmem>>) dst(%dma_wait3A_261 : memref<10240x32xf32, #tpu.memory_space<vmem_shared>>)
        tpu.yield
      }) : () -> ()
      %add3A_199 = arith.constant 1 : i32
      %add3A_200 = arith.addi %mul3A_168, %add3A_199 : i32
      %add3A_201 = arith.constant 4 : i32
      %add3A_202 = arith.addi %add3A_200, %add3A_201 : i32
      %dma_start3A_203 = arith.constant 0 : i32
      %dma_start3A_204 = tpu.memref_slice %arg6[%add3A_202, %dma_start3A_203] : memref<79x128xi32, #tpu.memory_space<vmem>> -> memref<1x128xi32, #tpu.memory_space<vmem>>
      %dma_start3A_205 = tpu.memref_squeeze %dma_start3A_204 : memref<1x128xi32, #tpu.memory_space<vmem>> -> memref<128xi32, #tpu.memory_space<vmem>>
      %dma_start3A_206 = arith.constant 0 : i32
      %dma_start3A_207 = arith.constant 0 : i32
      %dma_start3A_208 = tpu.memref_slice %arg14[%dma_start3A_206, %dma_start3A_207] : memref<10000x32xf32, #tpu.memory_space<vmem_shared>> -> memref<10000x32xf32, #tpu.memory_space<vmem_shared>>
      tpu.enqueue_indirect_dma source(%dma_start3A_208 : memref<10000x32xf32, #tpu.memory_space<vmem_shared>>) target(%arg9 : memref<128x32xf32, #tpu.memory_space<vmem>>) offsets(%dma_start3A_205 : memref<128xi32, #tpu.memory_space<vmem>>) semaphore(%arg16 : memref<!tpu.dma_semaphore, #tpu.memory_space<semaphore_mem>>)
      %add3A_209 = arith.constant 2 : i32
      %add3A_210 = arith.addi %mul3A_168, %add3A_209 : i32
      %dma_wait3A_211 = arith.constant 0 : i32
      %dma_wait3A_212 = tpu.memref_slice %arg6[%add3A_210, %dma_wait3A_211] : memref<79x128xi32, #tpu.memory_space<vmem>> -> memref<1x128xi32, #tpu.memory_space<vmem>>
      %dma_wait3A_213 = tpu.memref_squeeze %dma_wait3A_212 : memref<1x128xi32, #tpu.memory_space<vmem>> -> memref<128xi32, #tpu.memory_space<vmem>>
      %dma_wait3A_214 = arith.constant 0 : i32
      %dma_wait3A_215 = arith.constant 0 : i32
      %dma_wait3A_216 = tpu.memref_slice %arg14[%dma_wait3A_214, %dma_wait3A_215] : memref<10000x32xf32, #tpu.memory_space<vmem_shared>> -> memref<10000x32xf32, #tpu.memory_space<vmem_shared>>
      tpu.wait_indirect_dma semaphore(%arg17 : memref<!tpu.dma_semaphore, #tpu.memory_space<semaphore_mem>>) src(%dma_wait3A_216 : memref<10000x32xf32, #tpu.memory_space<vmem_shared>>) dst(%arg10 : memref<128x32xf32, #tpu.memory_space<vmem>>)
      %add3A_217 = arith.constant 2 : i32
      %add3A_218 = arith.addi %mul3A_168, %add3A_217 : i32
      "tpu.region"() ({
        %run_scoped3A_249 = tpu.sem_alloc : memref<!tpu.dma_semaphore, #tpu.memory_space<semaphore_mem>>
        %dma_start3A_250 = arith.constant 0 : i32
        %dma_start3A_251 = tpu.memref_slice %arg7[%add3A_218, %dma_start3A_250] : memref<79x128xi32, #tpu.memory_space<vmem>> -> memref<1x128xi32, #tpu.memory_space<vmem>>
        %dma_start3A_252 = tpu.memref_squeeze %dma_start3A_251 : memref<1x128xi32, #tpu.memory_space<vmem>> -> memref<128xi32, #tpu.memory_space<vmem>>
        %dma_start3A_253 = arith.constant 0 : i32
        %dma_start3A_254 = arith.constant 0 : i32
        %dma_start3A_255 = tpu.memref_slice %arg13[%dma_start3A_253, %dma_start3A_254] : memref<10240x32xf32, #tpu.memory_space<vmem_shared>> -> memref<10240x32xf32, #tpu.memory_space<vmem_shared>>
        tpu.enqueue_indirect_dma source(%arg10 : memref<128x32xf32, #tpu.memory_space<vmem>>) target(%dma_start3A_255 : memref<10240x32xf32, #tpu.memory_space<vmem_shared>>) offsets(%dma_start3A_252 : memref<128xi32, #tpu.memory_space<vmem>>) semaphore(%run_scoped3A_249 : memref<!tpu.dma_semaphore, #tpu.memory_space<semaphore_mem>>) {add = true}
        %dma_wait3A_256 = arith.constant 0 : i32
        %dma_wait3A_257 = tpu.memref_slice %arg7[%add3A_218, %dma_wait3A_256] : memref<79x128xi32, #tpu.memory_space<vmem>> -> memref<1x128xi32, #tpu.memory_space<vmem>>
        %dma_wait3A_258 = tpu.memref_squeeze %dma_wait3A_257 : memref<1x128xi32, #tpu.memory_space<vmem>> -> memref<128xi32, #tpu.memory_space<vmem>>
        %dma_wait3A_259 = arith.constant 0 : i32
        %dma_wait3A_260 = arith.constant 0 : i32
        %dma_wait3A_261 = tpu.memref_slice %arg13[%dma_wait3A_259, %dma_wait3A_260] : memref<10240x32xf32, #tpu.memory_space<vmem_shared>> -> memref<10240x32xf32, #tpu.memory_space<vmem_shared>>
        tpu.wait_indirect_dma semaphore(%run_scoped3A_249 : memref<!tpu.dma_semaphore, #tpu.memory_space<semaphore_mem>>) src(%arg10 : memref<128x32xf32, #tpu.memory_space<vmem>>) dst(%dma_wait3A_261 : memref<10240x32xf32, #tpu.memory_space<vmem_shared>>)
        tpu.yield
      }) : () -> ()
      %add3A_219 = arith.constant 2 : i32
      %add3A_220 = arith.addi %mul3A_168, %add3A_219 : i32
      %add3A_221 = arith.constant 4 : i32
      %add3A_222 = arith.addi %add3A_220, %add3A_221 : i32
      %dma_start3A_223 = arith.constant 0 : i32
      %dma_start3A_224 = tpu.memref_slice %arg6[%add3A_222, %dma_start3A_223] : memref<79x128xi32, #tpu.memory_space<vmem>> -> memref<1x128xi32, #tpu.memory_space<vmem>>
      %dma_start3A_225 = tpu.memref_squeeze %dma_start3A_224 : memref<1x128xi32, #tpu.memory_space<vmem>> -> memref<128xi32, #tpu.memory_space<vmem>>
      %dma_start3A_226 = arith.constant 0 : i32
      %dma_start3A_227 = arith.constant 0 : i32
      %dma_start3A_228 = tpu.memref_slice %arg14[%dma_start3A_226, %dma_start3A_227] : memref<10000x32xf32, #tpu.memory_space<vmem_shared>> -> memref<10000x32xf32, #tpu.memory_space<vmem_shared>>
      tpu.enqueue_indirect_dma source(%dma_start3A_228 : memref<10000x32xf32, #tpu.memory_space<vmem_shared>>) target(%arg10 : memref<128x32xf32, #tpu.memory_space<vmem>>) offsets(%dma_start3A_225 : memref<128xi32, #tpu.memory_space<vmem>>) semaphore(%arg17 : memref<!tpu.dma_semaphore, #tpu.memory_space<semaphore_mem>>)
      %add3A_229 = arith.constant 3 : i32
      %add3A_230 = arith.addi %mul3A_168, %add3A_229 : i32
      %dma_wait3A_231 = arith.constant 0 : i32
      %dma_wait3A_232 = tpu.memref_slice %arg6[%add3A_230, %dma_wait3A_231] : memref<79x128xi32, #tpu.memory_space<vmem>> -> memref<1x128xi32, #tpu.memory_space<vmem>>
      %dma_wait3A_233 = tpu.memref_squeeze %dma_wait3A_232 : memref<1x128xi32, #tpu.memory_space<vmem>> -> memref<128xi32, #tpu.memory_space<vmem>>
      %dma_wait3A_234 = arith.constant 0 : i32
      %dma_wait3A_235 = arith.constant 0 : i32
      %dma_wait3A_236 = tpu.memref_slice %arg14[%dma_wait3A_234, %dma_wait3A_235] : memref<10000x32xf32, #tpu.memory_space<vmem_shared>> -> memref<10000x32xf32, #tpu.memory_space<vmem_shared>>
      tpu.wait_indirect_dma semaphore(%arg18 : memref<!tpu.dma_semaphore, #tpu.memory_space<semaphore_mem>>) src(%dma_wait3A_236 : memref<10000x32xf32, #tpu.memory_space<vmem_shared>>) dst(%arg11 : memref<128x32xf32, #tpu.memory_space<vmem>>)
      %add3A_237 = arith.constant 3 : i32
      %add3A_238 = arith.addi %mul3A_168, %add3A_237 : i32
      "tpu.region"() ({
        %run_scoped3A_249 = tpu.sem_alloc : memref<!tpu.dma_semaphore, #tpu.memory_space<semaphore_mem>>
        %dma_start3A_250 = arith.constant 0 : i32
        %dma_start3A_251 = tpu.memref_slice %arg7[%add3A_238, %dma_start3A_250] : memref<79x128xi32, #tpu.memory_space<vmem>> -> memref<1x128xi32, #tpu.memory_space<vmem>>
        %dma_start3A_252 = tpu.memref_squeeze %dma_start3A_251 : memref<1x128xi32, #tpu.memory_space<vmem>> -> memref<128xi32, #tpu.memory_space<vmem>>
        %dma_start3A_253 = arith.constant 0 : i32
        %dma_start3A_254 = arith.constant 0 : i32
        %dma_start3A_255 = tpu.memref_slice %arg13[%dma_start3A_253, %dma_start3A_254] : memref<10240x32xf32, #tpu.memory_space<vmem_shared>> -> memref<10240x32xf32, #tpu.memory_space<vmem_shared>>
        tpu.enqueue_indirect_dma source(%arg11 : memref<128x32xf32, #tpu.memory_space<vmem>>) target(%dma_start3A_255 : memref<10240x32xf32, #tpu.memory_space<vmem_shared>>) offsets(%dma_start3A_252 : memref<128xi32, #tpu.memory_space<vmem>>) semaphore(%run_scoped3A_249 : memref<!tpu.dma_semaphore, #tpu.memory_space<semaphore_mem>>) {add = true}
        %dma_wait3A_256 = arith.constant 0 : i32
        %dma_wait3A_257 = tpu.memref_slice %arg7[%add3A_238, %dma_wait3A_256] : memref<79x128xi32, #tpu.memory_space<vmem>> -> memref<1x128xi32, #tpu.memory_space<vmem>>
        %dma_wait3A_258 = tpu.memref_squeeze %dma_wait3A_257 : memref<1x128xi32, #tpu.memory_space<vmem>> -> memref<128xi32, #tpu.memory_space<vmem>>
        %dma_wait3A_259 = arith.constant 0 : i32
        %dma_wait3A_260 = arith.constant 0 : i32
        %dma_wait3A_261 = tpu.memref_slice %arg13[%dma_wait3A_259, %dma_wait3A_260] : memref<10240x32xf32, #tpu.memory_space<vmem_shared>> -> memref<10240x32xf32, #tpu.memory_space<vmem_shared>>
        tpu.wait_indirect_dma semaphore(%run_scoped3A_249 : memref<!tpu.dma_semaphore, #tpu.memory_space<semaphore_mem>>) src(%arg11 : memref<128x32xf32, #tpu.memory_space<vmem>>) dst(%dma_wait3A_261 : memref<10240x32xf32, #tpu.memory_space<vmem_shared>>)
        tpu.yield
      }) : () -> ()
      %add3A_239 = arith.constant 3 : i32
      %add3A_240 = arith.addi %mul3A_168, %add3A_239 : i32
      %add3A_241 = arith.constant 4 : i32
      %add3A_242 = arith.addi %add3A_240, %add3A_241 : i32
      %dma_start3A_243 = arith.constant 0 : i32
      %dma_start3A_244 = tpu.memref_slice %arg6[%add3A_242, %dma_start3A_243] : memref<79x128xi32, #tpu.memory_space<vmem>> -> memref<1x128xi32, #tpu.memory_space<vmem>>
      %dma_start3A_245 = tpu.memref_squeeze %dma_start3A_244 : memref<1x128xi32, #tpu.memory_space<vmem>> -> memref<128xi32, #tpu.memory_space<vmem>>
      %dma_start3A_246 = arith.constant 0 : i32
      %dma_start3A_247 = arith.constant 0 : i32
      %dma_start3A_248 = tpu.memref_slice %arg14[%dma_start3A_246, %dma_start3A_247] : memref<10000x32xf32, #tpu.memory_space<vmem_shared>> -> memref<10000x32xf32, #tpu.memory_space<vmem_shared>>
      tpu.enqueue_indirect_dma source(%dma_start3A_248 : memref<10000x32xf32, #tpu.memory_space<vmem_shared>>) target(%arg11 : memref<128x32xf32, #tpu.memory_space<vmem>>) offsets(%dma_start3A_245 : memref<128xi32, #tpu.memory_space<vmem>>) semaphore(%arg18 : memref<!tpu.dma_semaphore, #tpu.memory_space<semaphore_mem>>)
    }
    %scan3A_65 = arith.constant 18 : i32
    %dma_wait3A = arith.constant 72 : i32
    %dma_wait3A_66 = arith.constant 0 : i32
    %dma_wait3A_67 = tpu.memref_slice %arg6[%dma_wait3A, %dma_wait3A_66] : memref<79x128xi32, #tpu.memory_space<vmem>> -> memref<1x128xi32, #tpu.memory_space<vmem>>
    %dma_wait3A_68 = tpu.memref_squeeze %dma_wait3A_67 : memref<1x128xi32, #tpu.memory_space<vmem>> -> memref<128xi32, #tpu.memory_space<vmem>>
    %dma_wait3A_69 = arith.constant 0 : i32
    %dma_wait3A_70 = arith.constant 0 : i32
    %dma_wait3A_71 = tpu.memref_slice %arg14[%dma_wait3A_69, %dma_wait3A_70] : memref<10000x32xf32, #tpu.memory_space<vmem_shared>> -> memref<10000x32xf32, #tpu.memory_space<vmem_shared>>
    tpu.wait_indirect_dma semaphore(%arg15 : memref<!tpu.dma_semaphore, #tpu.memory_space<semaphore_mem>>) src(%dma_wait3A_71 : memref<10000x32xf32, #tpu.memory_space<vmem_shared>>) dst(%arg8 : memref<128x32xf32, #tpu.memory_space<vmem>>)
    %run_scoped3A = arith.constant 72 : i32
    "tpu.region"() ({
      %run_scoped3A_162 = tpu.sem_alloc : memref<!tpu.dma_semaphore, #tpu.memory_space<semaphore_mem>>
      %dma_start3A_163 = arith.constant 0 : i32
      %dma_start3A_164 = tpu.memref_slice %arg7[%run_scoped3A, %dma_start3A_163] : memref<79x128xi32, #tpu.memory_space<vmem>> -> memref<1x128xi32, #tpu.memory_space<vmem>>
      %dma_start3A_165 = tpu.memref_squeeze %dma_start3A_164 : memref<1x128xi32, #tpu.memory_space<vmem>> -> memref<128xi32, #tpu.memory_space<vmem>>
      %dma_start3A_166 = arith.constant 0 : i32
      %dma_start3A_167 = arith.constant 0 : i32
      %dma_start3A_168 = tpu.memref_slice %arg13[%dma_start3A_166, %dma_start3A_167] : memref<10240x32xf32, #tpu.memory_space<vmem_shared>> -> memref<10240x32xf32, #tpu.memory_space<vmem_shared>>
      tpu.enqueue_indirect_dma source(%arg8 : memref<128x32xf32, #tpu.memory_space<vmem>>) target(%dma_start3A_168 : memref<10240x32xf32, #tpu.memory_space<vmem_shared>>) offsets(%dma_start3A_165 : memref<128xi32, #tpu.memory_space<vmem>>) semaphore(%run_scoped3A_162 : memref<!tpu.dma_semaphore, #tpu.memory_space<semaphore_mem>>) {add = true}
      %dma_wait3A_169 = arith.constant 0 : i32
      %dma_wait3A_170 = tpu.memref_slice %arg7[%run_scoped3A, %dma_wait3A_169] : memref<79x128xi32, #tpu.memory_space<vmem>> -> memref<1x128xi32, #tpu.memory_space<vmem>>
      %dma_wait3A_171 = tpu.memref_squeeze %dma_wait3A_170 : memref<1x128xi32, #tpu.memory_space<vmem>> -> memref<128xi32, #tpu.memory_space<vmem>>
      %dma_wait3A_172 = arith.constant 0 : i32
      %dma_wait3A_173 = arith.constant 0 : i32
      %dma_wait3A_174 = tpu.memref_slice %arg13[%dma_wait3A_172, %dma_wait3A_173] : memref<10240x32xf32, #tpu.memory_space<vmem_shared>> -> memref<10240x32xf32, #tpu.memory_space<vmem_shared>>
      tpu.wait_indirect_dma semaphore(%run_scoped3A_162 : memref<!tpu.dma_semaphore, #tpu.memory_space<semaphore_mem>>) src(%arg8 : memref<128x32xf32, #tpu.memory_space<vmem>>) dst(%dma_wait3A_174 : memref<10240x32xf32, #tpu.memory_space<vmem_shared>>)
      tpu.yield
    }) : () -> ()
    %dma_start3A_72 = arith.constant 76 : i32
    %dma_start3A_73 = arith.constant 0 : i32
    %dma_start3A_74 = tpu.memref_slice %arg6[%dma_start3A_72, %dma_start3A_73] : memref<79x128xi32, #tpu.memory_space<vmem>> -> memref<1x128xi32, #tpu.memory_space<vmem>>
    %dma_start3A_75 = tpu.memref_squeeze %dma_start3A_74 : memref<1x128xi32, #tpu.memory_space<vmem>> -> memref<128xi32, #tpu.memory_space<vmem>>
    %dma_start3A_76 = arith.constant 0 : i32
    %dma_start3A_77 = arith.constant 0 : i32
    %dma_start3A_78 = tpu.memref_slice %arg14[%dma_start3A_76, %dma_start3A_77] : memref<10000x32xf32, #tpu.memory_space<vmem_shared>> -> memref<10000x32xf32, #tpu.memory_space<vmem_shared>>
    tpu.enqueue_indirect_dma source(%dma_start3A_78 : memref<10000x32xf32, #tpu.memory_space<vmem_shared>>) target(%arg8 : memref<128x32xf32, #tpu.memory_space<vmem>>) offsets(%dma_start3A_75 : memref<128xi32, #tpu.memory_space<vmem>>) semaphore(%arg15 : memref<!tpu.dma_semaphore, #tpu.memory_space<semaphore_mem>>)
    %dma_wait3A_79 = arith.constant 73 : i32
    %dma_wait3A_80 = arith.constant 0 : i32
    %dma_wait3A_81 = tpu.memref_slice %arg6[%dma_wait3A_79, %dma_wait3A_80] : memref<79x128xi32, #tpu.memory_space<vmem>> -> memref<1x128xi32, #tpu.memory_space<vmem>>
    %dma_wait3A_82 = tpu.memref_squeeze %dma_wait3A_81 : memref<1x128xi32, #tpu.memory_space<vmem>> -> memref<128xi32, #tpu.memory_space<vmem>>
    %dma_wait3A_83 = arith.constant 0 : i32
    %dma_wait3A_84 = arith.constant 0 : i32
    %dma_wait3A_85 = tpu.memref_slice %arg14[%dma_wait3A_83, %dma_wait3A_84] : memref<10000x32xf32, #tpu.memory_space<vmem_shared>> -> memref<10000x32xf32, #tpu.memory_space<vmem_shared>>
    tpu.wait_indirect_dma semaphore(%arg16 : memref<!tpu.dma_semaphore, #tpu.memory_space<semaphore_mem>>) src(%dma_wait3A_85 : memref<10000x32xf32, #tpu.memory_space<vmem_shared>>) dst(%arg9 : memref<128x32xf32, #tpu.memory_space<vmem>>)
    %run_scoped3A_86 = arith.constant 73 : i32
    "tpu.region"() ({
      %run_scoped3A_162 = tpu.sem_alloc : memref<!tpu.dma_semaphore, #tpu.memory_space<semaphore_mem>>
      %dma_start3A_163 = arith.constant 0 : i32
      %dma_start3A_164 = tpu.memref_slice %arg7[%run_scoped3A_86, %dma_start3A_163] : memref<79x128xi32, #tpu.memory_space<vmem>> -> memref<1x128xi32, #tpu.memory_space<vmem>>
      %dma_start3A_165 = tpu.memref_squeeze %dma_start3A_164 : memref<1x128xi32, #tpu.memory_space<vmem>> -> memref<128xi32, #tpu.memory_space<vmem>>
      %dma_start3A_166 = arith.constant 0 : i32
      %dma_start3A_167 = arith.constant 0 : i32
      %dma_start3A_168 = tpu.memref_slice %arg13[%dma_start3A_166, %dma_start3A_167] : memref<10240x32xf32, #tpu.memory_space<vmem_shared>> -> memref<10240x32xf32, #tpu.memory_space<vmem_shared>>
      tpu.enqueue_indirect_dma source(%arg9 : memref<128x32xf32, #tpu.memory_space<vmem>>) target(%dma_start3A_168 : memref<10240x32xf32, #tpu.memory_space<vmem_shared>>) offsets(%dma_start3A_165 : memref<128xi32, #tpu.memory_space<vmem>>) semaphore(%run_scoped3A_162 : memref<!tpu.dma_semaphore, #tpu.memory_space<semaphore_mem>>) {add = true}
      %dma_wait3A_169 = arith.constant 0 : i32
      %dma_wait3A_170 = tpu.memref_slice %arg7[%run_scoped3A_86, %dma_wait3A_169] : memref<79x128xi32, #tpu.memory_space<vmem>> -> memref<1x128xi32, #tpu.memory_space<vmem>>
      %dma_wait3A_171 = tpu.memref_squeeze %dma_wait3A_170 : memref<1x128xi32, #tpu.memory_space<vmem>> -> memref<128xi32, #tpu.memory_space<vmem>>
      %dma_wait3A_172 = arith.constant 0 : i32
      %dma_wait3A_173 = arith.constant 0 : i32
      %dma_wait3A_174 = tpu.memref_slice %arg13[%dma_wait3A_172, %dma_wait3A_173] : memref<10240x32xf32, #tpu.memory_space<vmem_shared>> -> memref<10240x32xf32, #tpu.memory_space<vmem_shared>>
      tpu.wait_indirect_dma semaphore(%run_scoped3A_162 : memref<!tpu.dma_semaphore, #tpu.memory_space<semaphore_mem>>) src(%arg9 : memref<128x32xf32, #tpu.memory_space<vmem>>) dst(%dma_wait3A_174 : memref<10240x32xf32, #tpu.memory_space<vmem_shared>>)
      tpu.yield
    }) : () -> ()
    %dma_start3A_87 = arith.constant 77 : i32
    %dma_start3A_88 = arith.constant 0 : i32
    %dma_start3A_89 = tpu.memref_slice %arg6[%dma_start3A_87, %dma_start3A_88] : memref<79x128xi32, #tpu.memory_space<vmem>> -> memref<1x128xi32, #tpu.memory_space<vmem>>
    %dma_start3A_90 = tpu.memref_squeeze %dma_start3A_89 : memref<1x128xi32, #tpu.memory_space<vmem>> -> memref<128xi32, #tpu.memory_space<vmem>>
    %dma_start3A_91 = arith.constant 0 : i32
    %dma_start3A_92 = arith.constant 0 : i32
    %dma_start3A_93 = tpu.memref_slice %arg14[%dma_start3A_91, %dma_start3A_92] : memref<10000x32xf32, #tpu.memory_space<vmem_shared>> -> memref<10000x32xf32, #tpu.memory_space<vmem_shared>>
    tpu.enqueue_indirect_dma source(%dma_start3A_93 : memref<10000x32xf32, #tpu.memory_space<vmem_shared>>) target(%arg9 : memref<128x32xf32, #tpu.memory_space<vmem>>) offsets(%dma_start3A_90 : memref<128xi32, #tpu.memory_space<vmem>>) semaphore(%arg16 : memref<!tpu.dma_semaphore, #tpu.memory_space<semaphore_mem>>)
    %dma_wait3A_94 = arith.constant 74 : i32
    %dma_wait3A_95 = arith.constant 0 : i32
    %dma_wait3A_96 = tpu.memref_slice %arg6[%dma_wait3A_94, %dma_wait3A_95] : memref<79x128xi32, #tpu.memory_space<vmem>> -> memref<1x128xi32, #tpu.memory_space<vmem>>
    %dma_wait3A_97 = tpu.memref_squeeze %dma_wait3A_96 : memref<1x128xi32, #tpu.memory_space<vmem>> -> memref<128xi32, #tpu.memory_space<vmem>>
    %dma_wait3A_98 = arith.constant 0 : i32
    %dma_wait3A_99 = arith.constant 0 : i32
    %dma_wait3A_100 = tpu.memref_slice %arg14[%dma_wait3A_98, %dma_wait3A_99] : memref<10000x32xf32, #tpu.memory_space<vmem_shared>> -> memref<10000x32xf32, #tpu.memory_space<vmem_shared>>
    tpu.wait_indirect_dma semaphore(%arg17 : memref<!tpu.dma_semaphore, #tpu.memory_space<semaphore_mem>>) src(%dma_wait3A_100 : memref<10000x32xf32, #tpu.memory_space<vmem_shared>>) dst(%arg10 : memref<128x32xf32, #tpu.memory_space<vmem>>)
    %run_scoped3A_101 = arith.constant 74 : i32
    "tpu.region"() ({
      %run_scoped3A_162 = tpu.sem_alloc : memref<!tpu.dma_semaphore, #tpu.memory_space<semaphore_mem>>
      %dma_start3A_163 = arith.constant 0 : i32
      %dma_start3A_164 = tpu.memref_slice %arg7[%run_scoped3A_101, %dma_start3A_163] : memref<79x128xi32, #tpu.memory_space<vmem>> -> memref<1x128xi32, #tpu.memory_space<vmem>>
      %dma_start3A_165 = tpu.memref_squeeze %dma_start3A_164 : memref<1x128xi32, #tpu.memory_space<vmem>> -> memref<128xi32, #tpu.memory_space<vmem>>
      %dma_start3A_166 = arith.constant 0 : i32
      %dma_start3A_167 = arith.constant 0 : i32
      %dma_start3A_168 = tpu.memref_slice %arg13[%dma_start3A_166, %dma_start3A_167] : memref<10240x32xf32, #tpu.memory_space<vmem_shared>> -> memref<10240x32xf32, #tpu.memory_space<vmem_shared>>
      tpu.enqueue_indirect_dma source(%arg10 : memref<128x32xf32, #tpu.memory_space<vmem>>) target(%dma_start3A_168 : memref<10240x32xf32, #tpu.memory_space<vmem_shared>>) offsets(%dma_start3A_165 : memref<128xi32, #tpu.memory_space<vmem>>) semaphore(%run_scoped3A_162 : memref<!tpu.dma_semaphore, #tpu.memory_space<semaphore_mem>>) {add = true}
      %dma_wait3A_169 = arith.constant 0 : i32
      %dma_wait3A_170 = tpu.memref_slice %arg7[%run_scoped3A_101, %dma_wait3A_169] : memref<79x128xi32, #tpu.memory_space<vmem>> -> memref<1x128xi32, #tpu.memory_space<vmem>>
      %dma_wait3A_171 = tpu.memref_squeeze %dma_wait3A_170 : memref<1x128xi32, #tpu.memory_space<vmem>> -> memref<128xi32, #tpu.memory_space<vmem>>
      %dma_wait3A_172 = arith.constant 0 : i32
      %dma_wait3A_173 = arith.constant 0 : i32
      %dma_wait3A_174 = tpu.memref_slice %arg13[%dma_wait3A_172, %dma_wait3A_173] : memref<10240x32xf32, #tpu.memory_space<vmem_shared>> -> memref<10240x32xf32, #tpu.memory_space<vmem_shared>>
      tpu.wait_indirect_dma semaphore(%run_scoped3A_162 : memref<!tpu.dma_semaphore, #tpu.memory_space<semaphore_mem>>) src(%arg10 : memref<128x32xf32, #tpu.memory_space<vmem>>) dst(%dma_wait3A_174 : memref<10240x32xf32, #tpu.memory_space<vmem_shared>>)
      tpu.yield
    }) : () -> ()
    %dma_start3A_102 = arith.constant 78 : i32
    %dma_start3A_103 = arith.constant 0 : i32
    %dma_start3A_104 = tpu.memref_slice %arg6[%dma_start3A_102, %dma_start3A_103] : memref<79x128xi32, #tpu.memory_space<vmem>> -> memref<1x128xi32, #tpu.memory_space<vmem>>
    %dma_start3A_105 = tpu.memref_squeeze %dma_start3A_104 : memref<1x128xi32, #tpu.memory_space<vmem>> -> memref<128xi32, #tpu.memory_space<vmem>>
    %dma_start3A_106 = arith.constant 0 : i32
    %dma_start3A_107 = arith.constant 0 : i32
    %dma_start3A_108 = tpu.memref_slice %arg14[%dma_start3A_106, %dma_start3A_107] : memref<10000x32xf32, #tpu.memory_space<vmem_shared>> -> memref<10000x32xf32, #tpu.memory_space<vmem_shared>>
    tpu.enqueue_indirect_dma source(%dma_start3A_108 : memref<10000x32xf32, #tpu.memory_space<vmem_shared>>) target(%arg10 : memref<128x32xf32, #tpu.memory_space<vmem>>) offsets(%dma_start3A_105 : memref<128xi32, #tpu.memory_space<vmem>>) semaphore(%arg17 : memref<!tpu.dma_semaphore, #tpu.memory_space<semaphore_mem>>)
    %dma_wait3A_109 = arith.constant 75 : i32
    %dma_wait3A_110 = arith.constant 0 : i32
    %dma_wait3A_111 = tpu.memref_slice %arg6[%dma_wait3A_109, %dma_wait3A_110] : memref<79x128xi32, #tpu.memory_space<vmem>> -> memref<1x128xi32, #tpu.memory_space<vmem>>
    %dma_wait3A_112 = tpu.memref_squeeze %dma_wait3A_111 : memref<1x128xi32, #tpu.memory_space<vmem>> -> memref<128xi32, #tpu.memory_space<vmem>>
    %dma_wait3A_113 = arith.constant 0 : i32
    %dma_wait3A_114 = arith.constant 0 : i32
    %dma_wait3A_115 = tpu.memref_slice %arg14[%dma_wait3A_113, %dma_wait3A_114] : memref<10000x32xf32, #tpu.memory_space<vmem_shared>> -> memref<10000x32xf32, #tpu.memory_space<vmem_shared>>
    tpu.wait_indirect_dma semaphore(%arg18 : memref<!tpu.dma_semaphore, #tpu.memory_space<semaphore_mem>>) src(%dma_wait3A_115 : memref<10000x32xf32, #tpu.memory_space<vmem_shared>>) dst(%arg11 : memref<128x32xf32, #tpu.memory_space<vmem>>)
    %run_scoped3A_116 = arith.constant 75 : i32
    "tpu.region"() ({
      %run_scoped3A_162 = tpu.sem_alloc : memref<!tpu.dma_semaphore, #tpu.memory_space<semaphore_mem>>
      %dma_start3A_163 = arith.constant 0 : i32
      %dma_start3A_164 = tpu.memref_slice %arg7[%run_scoped3A_116, %dma_start3A_163] : memref<79x128xi32, #tpu.memory_space<vmem>> -> memref<1x128xi32, #tpu.memory_space<vmem>>
      %dma_start3A_165 = tpu.memref_squeeze %dma_start3A_164 : memref<1x128xi32, #tpu.memory_space<vmem>> -> memref<128xi32, #tpu.memory_space<vmem>>
      %dma_start3A_166 = arith.constant 0 : i32
      %dma_start3A_167 = arith.constant 0 : i32
      %dma_start3A_168 = tpu.memref_slice %arg13[%dma_start3A_166, %dma_start3A_167] : memref<10240x32xf32, #tpu.memory_space<vmem_shared>> -> memref<10240x32xf32, #tpu.memory_space<vmem_shared>>
      tpu.enqueue_indirect_dma source(%arg11 : memref<128x32xf32, #tpu.memory_space<vmem>>) target(%dma_start3A_168 : memref<10240x32xf32, #tpu.memory_space<vmem_shared>>) offsets(%dma_start3A_165 : memref<128xi32, #tpu.memory_space<vmem>>) semaphore(%run_scoped3A_162 : memref<!tpu.dma_semaphore, #tpu.memory_space<semaphore_mem>>) {add = true}
      %dma_wait3A_169 = arith.constant 0 : i32
      %dma_wait3A_170 = tpu.memref_slice %arg7[%run_scoped3A_116, %dma_wait3A_169] : memref<79x128xi32, #tpu.memory_space<vmem>> -> memref<1x128xi32, #tpu.memory_space<vmem>>
      %dma_wait3A_171 = tpu.memref_squeeze %dma_wait3A_170 : memref<1x128xi32, #tpu.memory_space<vmem>> -> memref<128xi32, #tpu.memory_space<vmem>>
      %dma_wait3A_172 = arith.constant 0 : i32
      %dma_wait3A_173 = arith.constant 0 : i32
      %dma_wait3A_174 = tpu.memref_slice %arg13[%dma_wait3A_172, %dma_wait3A_173] : memref<10240x32xf32, #tpu.memory_space<vmem_shared>> -> memref<10240x32xf32, #tpu.memory_space<vmem_shared>>
      tpu.wait_indirect_dma semaphore(%run_scoped3A_162 : memref<!tpu.dma_semaphore, #tpu.memory_space<semaphore_mem>>) src(%arg11 : memref<128x32xf32, #tpu.memory_space<vmem>>) dst(%dma_wait3A_174 : memref<10240x32xf32, #tpu.memory_space<vmem_shared>>)
      tpu.yield
    }) : () -> ()
    %dma_wait3A_117 = arith.constant 76 : i32
    %dma_wait3A_118 = arith.constant 0 : i32
    %dma_wait3A_119 = tpu.memref_slice %arg6[%dma_wait3A_117, %dma_wait3A_118] : memref<79x128xi32, #tpu.memory_space<vmem>> -> memref<1x128xi32, #tpu.memory_space<vmem>>
    %dma_wait3A_120 = tpu.memref_squeeze %dma_wait3A_119 : memref<1x128xi32, #tpu.memory_space<vmem>> -> memref<128xi32, #tpu.memory_space<vmem>>
    %dma_wait3A_121 = arith.constant 0 : i32
    %dma_wait3A_122 = arith.constant 0 : i32
    %dma_wait3A_123 = tpu.memref_slice %arg14[%dma_wait3A_121, %dma_wait3A_122] : memref<10000x32xf32, #tpu.memory_space<vmem_shared>> -> memref<10000x32xf32, #tpu.memory_space<vmem_shared>>
    tpu.wait_indirect_dma semaphore(%arg15 : memref<!tpu.dma_semaphore, #tpu.memory_space<semaphore_mem>>) src(%dma_wait3A_123 : memref<10000x32xf32, #tpu.memory_space<vmem_shared>>) dst(%arg8 : memref<128x32xf32, #tpu.memory_space<vmem>>)
    %run_scoped3A_124 = arith.constant 76 : i32
    "tpu.region"() ({
      %run_scoped3A_162 = tpu.sem_alloc : memref<!tpu.dma_semaphore, #tpu.memory_space<semaphore_mem>>
      %dma_start3A_163 = arith.constant 0 : i32
      %dma_start3A_164 = tpu.memref_slice %arg7[%run_scoped3A_124, %dma_start3A_163] : memref<79x128xi32, #tpu.memory_space<vmem>> -> memref<1x128xi32, #tpu.memory_space<vmem>>
      %dma_start3A_165 = tpu.memref_squeeze %dma_start3A_164 : memref<1x128xi32, #tpu.memory_space<vmem>> -> memref<128xi32, #tpu.memory_space<vmem>>
      %dma_start3A_166 = arith.constant 0 : i32
      %dma_start3A_167 = arith.constant 0 : i32
      %dma_start3A_168 = tpu.memref_slice %arg13[%dma_start3A_166, %dma_start3A_167] : memref<10240x32xf32, #tpu.memory_space<vmem_shared>> -> memref<10240x32xf32, #tpu.memory_space<vmem_shared>>
      tpu.enqueue_indirect_dma source(%arg8 : memref<128x32xf32, #tpu.memory_space<vmem>>) target(%dma_start3A_168 : memref<10240x32xf32, #tpu.memory_space<vmem_shared>>) offsets(%dma_start3A_165 : memref<128xi32, #tpu.memory_space<vmem>>) semaphore(%run_scoped3A_162 : memref<!tpu.dma_semaphore, #tpu.memory_space<semaphore_mem>>) {add = true}
      %dma_wait3A_169 = arith.constant 0 : i32
      %dma_wait3A_170 = tpu.memref_slice %arg7[%run_scoped3A_124, %dma_wait3A_169] : memref<79x128xi32, #tpu.memory_space<vmem>> -> memref<1x128xi32, #tpu.memory_space<vmem>>
      %dma_wait3A_171 = tpu.memref_squeeze %dma_wait3A_170 : memref<1x128xi32, #tpu.memory_space<vmem>> -> memref<128xi32, #tpu.memory_space<vmem>>
      %dma_wait3A_172 = arith.constant 0 : i32
      %dma_wait3A_173 = arith.constant 0 : i32
      %dma_wait3A_174 = tpu.memref_slice %arg13[%dma_wait3A_172, %dma_wait3A_173] : memref<10240x32xf32, #tpu.memory_space<vmem_shared>> -> memref<10240x32xf32, #tpu.memory_space<vmem_shared>>
      tpu.wait_indirect_dma semaphore(%run_scoped3A_162 : memref<!tpu.dma_semaphore, #tpu.memory_space<semaphore_mem>>) src(%arg8 : memref<128x32xf32, #tpu.memory_space<vmem>>) dst(%dma_wait3A_174 : memref<10240x32xf32, #tpu.memory_space<vmem_shared>>)
      tpu.yield
    }) : () -> ()
    %dma_wait3A_125 = arith.constant 77 : i32
    %dma_wait3A_126 = arith.constant 0 : i32
    %dma_wait3A_127 = tpu.memref_slice %arg6[%dma_wait3A_125, %dma_wait3A_126] : memref<79x128xi32, #tpu.memory_space<vmem>> -> memref<1x128xi32, #tpu.memory_space<vmem>>
    %dma_wait3A_128 = tpu.memref_squeeze %dma_wait3A_127 : memref<1x128xi32, #tpu.memory_space<vmem>> -> memref<128xi32, #tpu.memory_space<vmem>>
    %dma_wait3A_129 = arith.constant 0 : i32
    %dma_wait3A_130 = arith.constant 0 : i32
    %dma_wait3A_131 = tpu.memref_slice %arg14[%dma_wait3A_129, %dma_wait3A_130] : memref<10000x32xf32, #tpu.memory_space<vmem_shared>> -> memref<10000x32xf32, #tpu.memory_space<vmem_shared>>
    tpu.wait_indirect_dma semaphore(%arg16 : memref<!tpu.dma_semaphore, #tpu.memory_space<semaphore_mem>>) src(%dma_wait3A_131 : memref<10000x32xf32, #tpu.memory_space<vmem_shared>>) dst(%arg9 : memref<128x32xf32, #tpu.memory_space<vmem>>)
    %run_scoped3A_132 = arith.constant 77 : i32
    "tpu.region"() ({
      %run_scoped3A_162 = tpu.sem_alloc : memref<!tpu.dma_semaphore, #tpu.memory_space<semaphore_mem>>
      %dma_start3A_163 = arith.constant 0 : i32
      %dma_start3A_164 = tpu.memref_slice %arg7[%run_scoped3A_132, %dma_start3A_163] : memref<79x128xi32, #tpu.memory_space<vmem>> -> memref<1x128xi32, #tpu.memory_space<vmem>>
      %dma_start3A_165 = tpu.memref_squeeze %dma_start3A_164 : memref<1x128xi32, #tpu.memory_space<vmem>> -> memref<128xi32, #tpu.memory_space<vmem>>
      %dma_start3A_166 = arith.constant 0 : i32
      %dma_start3A_167 = arith.constant 0 : i32
      %dma_start3A_168 = tpu.memref_slice %arg13[%dma_start3A_166, %dma_start3A_167] : memref<10240x32xf32, #tpu.memory_space<vmem_shared>> -> memref<10240x32xf32, #tpu.memory_space<vmem_shared>>
      tpu.enqueue_indirect_dma source(%arg9 : memref<128x32xf32, #tpu.memory_space<vmem>>) target(%dma_start3A_168 : memref<10240x32xf32, #tpu.memory_space<vmem_shared>>) offsets(%dma_start3A_165 : memref<128xi32, #tpu.memory_space<vmem>>) semaphore(%run_scoped3A_162 : memref<!tpu.dma_semaphore, #tpu.memory_space<semaphore_mem>>) {add = true}
      %dma_wait3A_169 = arith.constant 0 : i32
      %dma_wait3A_170 = tpu.memref_slice %arg7[%run_scoped3A_132, %dma_wait3A_169] : memref<79x128xi32, #tpu.memory_space<vmem>> -> memref<1x128xi32, #tpu.memory_space<vmem>>
      %dma_wait3A_171 = tpu.memref_squeeze %dma_wait3A_170 : memref<1x128xi32, #tpu.memory_space<vmem>> -> memref<128xi32, #tpu.memory_space<vmem>>
      %dma_wait3A_172 = arith.constant 0 : i32
      %dma_wait3A_173 = arith.constant 0 : i32
      %dma_wait3A_174 = tpu.memref_slice %arg13[%dma_wait3A_172, %dma_wait3A_173] : memref<10240x32xf32, #tpu.memory_space<vmem_shared>> -> memref<10240x32xf32, #tpu.memory_space<vmem_shared>>
      tpu.wait_indirect_dma semaphore(%run_scoped3A_162 : memref<!tpu.dma_semaphore, #tpu.memory_space<semaphore_mem>>) src(%arg9 : memref<128x32xf32, #tpu.memory_space<vmem>>) dst(%dma_wait3A_174 : memref<10240x32xf32, #tpu.memory_space<vmem_shared>>)
      tpu.yield
    }) : () -> ()
    %dma_wait3A_133 = arith.constant 78 : i32
    %dma_wait3A_134 = arith.constant 0 : i32
    %dma_wait3A_135 = tpu.memref_slice %arg6[%dma_wait3A_133, %dma_wait3A_134] : memref<79x128xi32, #tpu.memory_space<vmem>> -> memref<1x128xi32, #tpu.memory_space<vmem>>
    %dma_wait3A_136 = tpu.memref_squeeze %dma_wait3A_135 : memref<1x128xi32, #tpu.memory_space<vmem>> -> memref<128xi32, #tpu.memory_space<vmem>>
    %dma_wait3A_137 = arith.constant 0 : i32
    %dma_wait3A_138 = arith.constant 0 : i32
    %dma_wait3A_139 = tpu.memref_slice %arg14[%dma_wait3A_137, %dma_wait3A_138] : memref<10000x32xf32, #tpu.memory_space<vmem_shared>> -> memref<10000x32xf32, #tpu.memory_space<vmem_shared>>
    tpu.wait_indirect_dma semaphore(%arg17 : memref<!tpu.dma_semaphore, #tpu.memory_space<semaphore_mem>>) src(%dma_wait3A_139 : memref<10000x32xf32, #tpu.memory_space<vmem_shared>>) dst(%arg10 : memref<128x32xf32, #tpu.memory_space<vmem>>)
    %run_scoped3A_140 = arith.constant 78 : i32
    "tpu.region"() ({
      %run_scoped3A_162 = tpu.sem_alloc : memref<!tpu.dma_semaphore, #tpu.memory_space<semaphore_mem>>
      %dma_start3A_163 = arith.constant 0 : i32
      %dma_start3A_164 = tpu.memref_slice %arg7[%run_scoped3A_140, %dma_start3A_163] : memref<79x128xi32, #tpu.memory_space<vmem>> -> memref<1x128xi32, #tpu.memory_space<vmem>>
      %dma_start3A_165 = tpu.memref_squeeze %dma_start3A_164 : memref<1x128xi32, #tpu.memory_space<vmem>> -> memref<128xi32, #tpu.memory_space<vmem>>
      %dma_start3A_166 = arith.constant 0 : i32
      %dma_start3A_167 = arith.constant 0 : i32
      %dma_start3A_168 = tpu.memref_slice %arg13[%dma_start3A_166, %dma_start3A_167] : memref<10240x32xf32, #tpu.memory_space<vmem_shared>> -> memref<10240x32xf32, #tpu.memory_space<vmem_shared>>
      tpu.enqueue_indirect_dma source(%arg10 : memref<128x32xf32, #tpu.memory_space<vmem>>) target(%dma_start3A_168 : memref<10240x32xf32, #tpu.memory_space<vmem_shared>>) offsets(%dma_start3A_165 : memref<128xi32, #tpu.memory_space<vmem>>) semaphore(%run_scoped3A_162 : memref<!tpu.dma_semaphore, #tpu.memory_space<semaphore_mem>>) {add = true}
      %dma_wait3A_169 = arith.constant 0 : i32
      %dma_wait3A_170 = tpu.memref_slice %arg7[%run_scoped3A_140, %dma_wait3A_169] : memref<79x128xi32, #tpu.memory_space<vmem>> -> memref<1x128xi32, #tpu.memory_space<vmem>>
      %dma_wait3A_171 = tpu.memref_squeeze %dma_wait3A_170 : memref<1x128xi32, #tpu.memory_space<vmem>> -> memref<128xi32, #tpu.memory_space<vmem>>
      %dma_wait3A_172 = arith.constant 0 : i32
      %dma_wait3A_173 = arith.constant 0 : i32
      %dma_wait3A_174 = tpu.memref_slice %arg13[%dma_wait3A_172, %dma_wait3A_173] : memref<10240x32xf32, #tpu.memory_space<vmem_shared>> -> memref<10240x32xf32, #tpu.memory_space<vmem_shared>>
      tpu.wait_indirect_dma semaphore(%run_scoped3A_162 : memref<!tpu.dma_semaphore, #tpu.memory_space<semaphore_mem>>) src(%arg10 : memref<128x32xf32, #tpu.memory_space<vmem>>) dst(%dma_wait3A_174 : memref<10240x32xf32, #tpu.memory_space<vmem_shared>>)
      tpu.yield
    }) : () -> ()
    %barrier3A_141 = arith.constant 0 : index
    tpu.barrier barrier_id(%barrier3A_141)
    %mul3A_142 = arith.constant 640 : i32
    %mul3A_143 = arith.muli %arg1, %mul3A_142 : i32
    %add3A_144 = arith.constant 0 : i32
    %add3A_145 = arith.addi %mul3A_143, %add3A_144 : i32
    "tpu.region"() ({
      %run_scoped3A_162 = tpu.sem_alloc : memref<!tpu.dma_semaphore, #tpu.memory_space<semaphore_mem>>
      %dma_start3A_163 = arith.constant 0 : i32
      %dma_start3A_164 = tpu.memref_slice %arg13[%add3A_145, %dma_start3A_163] : memref<10240x32xf32, #tpu.memory_space<vmem_shared>> -> memref<128x32xf32, #tpu.memory_space<vmem_shared>>
      %dma_start3A_165 = arith.constant 0 : i32
      %dma_start3A_166 = tpu.memref_slice %arg13[%add3A_145, %dma_start3A_165] : memref<10240x32xf32, #tpu.memory_space<vmem_shared>> -> memref<128x32xf32, #tpu.memory_space<vmem_shared>>
      tpu.enqueue_dma source(%dma_start3A_166 : memref<128x32xf32, #tpu.memory_space<vmem_shared>>) target(%arg8 : memref<128x32xf32, #tpu.memory_space<vmem>>) target_semaphore(%run_scoped3A_162 : memref<!tpu.dma_semaphore, #tpu.memory_space<semaphore_mem>>)
      %dma_wait3A_167 = arith.constant 0 : i32
      %dma_wait3A_168 = tpu.memref_slice %arg13[%add3A_145, %dma_wait3A_167] : memref<10240x32xf32, #tpu.memory_space<vmem_shared>> -> memref<128x32xf32, #tpu.memory_space<vmem_shared>>
      %dma_wait3A_169 = arith.constant 0 : i32
      %dma_wait3A_170 = tpu.memref_slice %arg13[%add3A_145, %dma_wait3A_169] : memref<10240x32xf32, #tpu.memory_space<vmem_shared>> -> memref<128x32xf32, #tpu.memory_space<vmem_shared>>
      tpu.wait_dma2 semaphore(%run_scoped3A_162 : memref<!tpu.dma_semaphore, #tpu.memory_space<semaphore_mem>>) src(%dma_wait3A_170 : memref<128x32xf32, #tpu.memory_space<vmem_shared>>) dst(%arg8 : memref<128x32xf32, #tpu.memory_space<vmem>>)
      tpu.yield
    }) : () -> ()
    "tpu.region"() ({
      %run_scoped3A_162 = tpu.sem_alloc : memref<!tpu.dma_semaphore, #tpu.memory_space<semaphore_mem>>
      %dma_start3A_163 = arith.constant 0 : i32
      %dma_start3A_164 = tpu.memref_slice %arg5[%arg0, %add3A_145, %dma_start3A_163] : memref<2x10240x32xf32, #tpu.memory_space<hbm>> -> memref<1x128x32xf32, #tpu.memory_space<hbm>>
      %dma_start3A_165 = tpu.memref_squeeze %dma_start3A_164 : memref<1x128x32xf32, #tpu.memory_space<hbm>> -> memref<128x32xf32, #tpu.memory_space<hbm>>
      %dma_start3A_166 = arith.constant 0 : i32
      %dma_start3A_167 = tpu.memref_slice %arg5[%arg0, %add3A_145, %dma_start3A_166] : memref<2x10240x32xf32, #tpu.memory_space<hbm>> -> memref<1x128x32xf32, #tpu.memory_space<hbm>>
      %dma_start3A_168 = tpu.memref_squeeze %dma_start3A_167 : memref<1x128x32xf32, #tpu.memory_space<hbm>> -> memref<128x32xf32, #tpu.memory_space<hbm>>
      tpu.enqueue_dma source(%arg8 : memref<128x32xf32, #tpu.memory_space<vmem>>) target(%dma_start3A_168 : memref<128x32xf32, #tpu.memory_space<hbm>>) target_semaphore(%run_scoped3A_162 : memref<!tpu.dma_semaphore, #tpu.memory_space<semaphore_mem>>)
      %dma_wait3A_169 = arith.constant 0 : i32
      %dma_wait3A_170 = tpu.memref_slice %arg5[%arg0, %add3A_145, %dma_wait3A_169] : memref<2x10240x32xf32, #tpu.memory_space<hbm>> -> memref<1x128x32xf32, #tpu.memory_space<hbm>>
      %dma_wait3A_171 = tpu.memref_squeeze %dma_wait3A_170 : memref<1x128x32xf32, #tpu.memory_space<hbm>> -> memref<128x32xf32, #tpu.memory_space<hbm>>
      %dma_wait3A_172 = arith.constant 0 : i32
      %dma_wait3A_173 = tpu.memref_slice %arg5[%arg0, %add3A_145, %dma_wait3A_172] : memref<2x10240x32xf32, #tpu.memory_space<hbm>> -> memref<1x128x32xf32, #tpu.memory_space<hbm>>
      %dma_wait3A_174 = tpu.memref_squeeze %dma_wait3A_173 : memref<1x128x32xf32, #tpu.memory_space<hbm>> -> memref<128x32xf32, #tpu.memory_space<hbm>>
      tpu.wait_dma2 semaphore(%run_scoped3A_162 : memref<!tpu.dma_semaphore, #tpu.memory_space<semaphore_mem>>) src(%arg8 : memref<128x32xf32, #tpu.memory_space<vmem>>) dst(%dma_wait3A_174 : memref<128x32xf32, #tpu.memory_space<hbm>>)
      tpu.yield
    }) : () -> ()
    %mul3A_146 = arith.constant 640 : i32
    %mul3A_147 = arith.muli %arg1, %mul3A_146 : i32
    %add3A_148 = arith.constant 128 : i32
    %add3A_149 = arith.addi %mul3A_147, %add3A_148 : i32
    "tpu.region"() ({
      %run_scoped3A_162 = tpu.sem_alloc : memref<!tpu.dma_semaphore, #tpu.memory_space<semaphore_mem>>
      %dma_start3A_163 = arith.constant 0 : i32
      %dma_start3A_164 = tpu.memref_slice %arg13[%add3A_149, %dma_start3A_163] : memref<10240x32xf32, #tpu.memory_space<vmem_shared>> -> memref<128x32xf32, #tpu.memory_space<vmem_shared>>
      %dma_start3A_165 = arith.constant 0 : i32
      %dma_start3A_166 = tpu.memref_slice %arg13[%add3A_149, %dma_start3A_165] : memref<10240x32xf32, #tpu.memory_space<vmem_shared>> -> memref<128x32xf32, #tpu.memory_space<vmem_shared>>
      tpu.enqueue_dma source(%dma_start3A_166 : memref<128x32xf32, #tpu.memory_space<vmem_shared>>) target(%arg8 : memref<128x32xf32, #tpu.memory_space<vmem>>) target_semaphore(%run_scoped3A_162 : memref<!tpu.dma_semaphore, #tpu.memory_space<semaphore_mem>>)
      %dma_wait3A_167 = arith.constant 0 : i32
      %dma_wait3A_168 = tpu.memref_slice %arg13[%add3A_149, %dma_wait3A_167] : memref<10240x32xf32, #tpu.memory_space<vmem_shared>> -> memref<128x32xf32, #tpu.memory_space<vmem_shared>>
      %dma_wait3A_169 = arith.constant 0 : i32
      %dma_wait3A_170 = tpu.memref_slice %arg13[%add3A_149, %dma_wait3A_169] : memref<10240x32xf32, #tpu.memory_space<vmem_shared>> -> memref<128x32xf32, #tpu.memory_space<vmem_shared>>
      tpu.wait_dma2 semaphore(%run_scoped3A_162 : memref<!tpu.dma_semaphore, #tpu.memory_space<semaphore_mem>>) src(%dma_wait3A_170 : memref<128x32xf32, #tpu.memory_space<vmem_shared>>) dst(%arg8 : memref<128x32xf32, #tpu.memory_space<vmem>>)
      tpu.yield
    }) : () -> ()
    "tpu.region"() ({
      %run_scoped3A_162 = tpu.sem_alloc : memref<!tpu.dma_semaphore, #tpu.memory_space<semaphore_mem>>
      %dma_start3A_163 = arith.constant 0 : i32
      %dma_start3A_164 = tpu.memref_slice %arg5[%arg0, %add3A_149, %dma_start3A_163] : memref<2x10240x32xf32, #tpu.memory_space<hbm>> -> memref<1x128x32xf32, #tpu.memory_space<hbm>>
      %dma_start3A_165 = tpu.memref_squeeze %dma_start3A_164 : memref<1x128x32xf32, #tpu.memory_space<hbm>> -> memref<128x32xf32, #tpu.memory_space<hbm>>
      %dma_start3A_166 = arith.constant 0 : i32
      %dma_start3A_167 = tpu.memref_slice %arg5[%arg0, %add3A_149, %dma_start3A_166] : memref<2x10240x32xf32, #tpu.memory_space<hbm>> -> memref<1x128x32xf32, #tpu.memory_space<hbm>>
      %dma_start3A_168 = tpu.memref_squeeze %dma_start3A_167 : memref<1x128x32xf32, #tpu.memory_space<hbm>> -> memref<128x32xf32, #tpu.memory_space<hbm>>
      tpu.enqueue_dma source(%arg8 : memref<128x32xf32, #tpu.memory_space<vmem>>) target(%dma_start3A_168 : memref<128x32xf32, #tpu.memory_space<hbm>>) target_semaphore(%run_scoped3A_162 : memref<!tpu.dma_semaphore, #tpu.memory_space<semaphore_mem>>)
      %dma_wait3A_169 = arith.constant 0 : i32
      %dma_wait3A_170 = tpu.memref_slice %arg5[%arg0, %add3A_149, %dma_wait3A_169] : memref<2x10240x32xf32, #tpu.memory_space<hbm>> -> memref<1x128x32xf32, #tpu.memory_space<hbm>>
      %dma_wait3A_171 = tpu.memref_squeeze %dma_wait3A_170 : memref<1x128x32xf32, #tpu.memory_space<hbm>> -> memref<128x32xf32, #tpu.memory_space<hbm>>
      %dma_wait3A_172 = arith.constant 0 : i32
      %dma_wait3A_173 = tpu.memref_slice %arg5[%arg0, %add3A_149, %dma_wait3A_172] : memref<2x10240x32xf32, #tpu.memory_space<hbm>> -> memref<1x128x32xf32, #tpu.memory_space<hbm>>
      %dma_wait3A_174 = tpu.memref_squeeze %dma_wait3A_173 : memref<1x128x32xf32, #tpu.memory_space<hbm>> -> memref<128x32xf32, #tpu.memory_space<hbm>>
      tpu.wait_dma2 semaphore(%run_scoped3A_162 : memref<!tpu.dma_semaphore, #tpu.memory_space<semaphore_mem>>) src(%arg8 : memref<128x32xf32, #tpu.memory_space<vmem>>) dst(%dma_wait3A_174 : memref<128x32xf32, #tpu.memory_space<hbm>>)
      tpu.yield
    }) : () -> ()
    %mul3A_150 = arith.constant 640 : i32
    %mul3A_151 = arith.muli %arg1, %mul3A_150 : i32
    %add3A_152 = arith.constant 256 : i32
    %add3A_153 = arith.addi %mul3A_151, %add3A_152 : i32
    "tpu.region"() ({
      %run_scoped3A_162 = tpu.sem_alloc : memref<!tpu.dma_semaphore, #tpu.memory_space<semaphore_mem>>
      %dma_start3A_163 = arith.constant 0 : i32
      %dma_start3A_164 = tpu.memref_slice %arg13[%add3A_153, %dma_start3A_163] : memref<10240x32xf32, #tpu.memory_space<vmem_shared>> -> memref<128x32xf32, #tpu.memory_space<vmem_shared>>
      %dma_start3A_165 = arith.constant 0 : i32
      %dma_start3A_166 = tpu.memref_slice %arg13[%add3A_153, %dma_start3A_165] : memref<10240x32xf32, #tpu.memory_space<vmem_shared>> -> memref<128x32xf32, #tpu.memory_space<vmem_shared>>
      tpu.enqueue_dma source(%dma_start3A_166 : memref<128x32xf32, #tpu.memory_space<vmem_shared>>) target(%arg8 : memref<128x32xf32, #tpu.memory_space<vmem>>) target_semaphore(%run_scoped3A_162 : memref<!tpu.dma_semaphore, #tpu.memory_space<semaphore_mem>>)
      %dma_wait3A_167 = arith.constant 0 : i32
      %dma_wait3A_168 = tpu.memref_slice %arg13[%add3A_153, %dma_wait3A_167] : memref<10240x32xf32, #tpu.memory_space<vmem_shared>> -> memref<128x32xf32, #tpu.memory_space<vmem_shared>>
      %dma_wait3A_169 = arith.constant 0 : i32
      %dma_wait3A_170 = tpu.memref_slice %arg13[%add3A_153, %dma_wait3A_169] : memref<10240x32xf32, #tpu.memory_space<vmem_shared>> -> memref<128x32xf32, #tpu.memory_space<vmem_shared>>
      tpu.wait_dma2 semaphore(%run_scoped3A_162 : memref<!tpu.dma_semaphore, #tpu.memory_space<semaphore_mem>>) src(%dma_wait3A_170 : memref<128x32xf32, #tpu.memory_space<vmem_shared>>) dst(%arg8 : memref<128x32xf32, #tpu.memory_space<vmem>>)
      tpu.yield
    }) : () -> ()
    "tpu.region"() ({
      %run_scoped3A_162 = tpu.sem_alloc : memref<!tpu.dma_semaphore, #tpu.memory_space<semaphore_mem>>
      %dma_start3A_163 = arith.constant 0 : i32
      %dma_start3A_164 = tpu.memref_slice %arg5[%arg0, %add3A_153, %dma_start3A_163] : memref<2x10240x32xf32, #tpu.memory_space<hbm>> -> memref<1x128x32xf32, #tpu.memory_space<hbm>>
      %dma_start3A_165 = tpu.memref_squeeze %dma_start3A_164 : memref<1x128x32xf32, #tpu.memory_space<hbm>> -> memref<128x32xf32, #tpu.memory_space<hbm>>
      %dma_start3A_166 = arith.constant 0 : i32
      %dma_start3A_167 = tpu.memref_slice %arg5[%arg0, %add3A_153, %dma_start3A_166] : memref<2x10240x32xf32, #tpu.memory_space<hbm>> -> memref<1x128x32xf32, #tpu.memory_space<hbm>>
      %dma_start3A_168 = tpu.memref_squeeze %dma_start3A_167 : memref<1x128x32xf32, #tpu.memory_space<hbm>> -> memref<128x32xf32, #tpu.memory_space<hbm>>
      tpu.enqueue_dma source(%arg8 : memref<128x32xf32, #tpu.memory_space<vmem>>) target(%dma_start3A_168 : memref<128x32xf32, #tpu.memory_space<hbm>>) target_semaphore(%run_scoped3A_162 : memref<!tpu.dma_semaphore, #tpu.memory_space<semaphore_mem>>)
      %dma_wait3A_169 = arith.constant 0 : i32
      %dma_wait3A_170 = tpu.memref_slice %arg5[%arg0, %add3A_153, %dma_wait3A_169] : memref<2x10240x32xf32, #tpu.memory_space<hbm>> -> memref<1x128x32xf32, #tpu.memory_space<hbm>>
      %dma_wait3A_171 = tpu.memref_squeeze %dma_wait3A_170 : memref<1x128x32xf32, #tpu.memory_space<hbm>> -> memref<128x32xf32, #tpu.memory_space<hbm>>
      %dma_wait3A_172 = arith.constant 0 : i32
      %dma_wait3A_173 = tpu.memref_slice %arg5[%arg0, %add3A_153, %dma_wait3A_172] : memref<2x10240x32xf32, #tpu.memory_space<hbm>> -> memref<1x128x32xf32, #tpu.memory_space<hbm>>
      %dma_wait3A_174 = tpu.memref_squeeze %dma_wait3A_173 : memref<1x128x32xf32, #tpu.memory_space<hbm>> -> memref<128x32xf32, #tpu.memory_space<hbm>>
      tpu.wait_dma2 semaphore(%run_scoped3A_162 : memref<!tpu.dma_semaphore, #tpu.memory_space<semaphore_mem>>) src(%arg8 : memref<128x32xf32, #tpu.memory_space<vmem>>) dst(%dma_wait3A_174 : memref<128x32xf32, #tpu.memory_space<hbm>>)
      tpu.yield
    }) : () -> ()
    %mul3A_154 = arith.constant 640 : i32
    %mul3A_155 = arith.muli %arg1, %mul3A_154 : i32
    %add3A_156 = arith.constant 384 : i32
    %add3A_157 = arith.addi %mul3A_155, %add3A_156 : i32
    "tpu.region"() ({
      %run_scoped3A_162 = tpu.sem_alloc : memref<!tpu.dma_semaphore, #tpu.memory_space<semaphore_mem>>
      %dma_start3A_163 = arith.constant 0 : i32
      %dma_start3A_164 = tpu.memref_slice %arg13[%add3A_157, %dma_start3A_163] : memref<10240x32xf32, #tpu.memory_space<vmem_shared>> -> memref<128x32xf32, #tpu.memory_space<vmem_shared>>
      %dma_start3A_165 = arith.constant 0 : i32
      %dma_start3A_166 = tpu.memref_slice %arg13[%add3A_157, %dma_start3A_165] : memref<10240x32xf32, #tpu.memory_space<vmem_shared>> -> memref<128x32xf32, #tpu.memory_space<vmem_shared>>
      tpu.enqueue_dma source(%dma_start3A_166 : memref<128x32xf32, #tpu.memory_space<vmem_shared>>) target(%arg8 : memref<128x32xf32, #tpu.memory_space<vmem>>) target_semaphore(%run_scoped3A_162 : memref<!tpu.dma_semaphore, #tpu.memory_space<semaphore_mem>>)
      %dma_wait3A_167 = arith.constant 0 : i32
      %dma_wait3A_168 = tpu.memref_slice %arg13[%add3A_157, %dma_wait3A_167] : memref<10240x32xf32, #tpu.memory_space<vmem_shared>> -> memref<128x32xf32, #tpu.memory_space<vmem_shared>>
      %dma_wait3A_169 = arith.constant 0 : i32
      %dma_wait3A_170 = tpu.memref_slice %arg13[%add3A_157, %dma_wait3A_169] : memref<10240x32xf32, #tpu.memory_space<vmem_shared>> -> memref<128x32xf32, #tpu.memory_space<vmem_shared>>
      tpu.wait_dma2 semaphore(%run_scoped3A_162 : memref<!tpu.dma_semaphore, #tpu.memory_space<semaphore_mem>>) src(%dma_wait3A_170 : memref<128x32xf32, #tpu.memory_space<vmem_shared>>) dst(%arg8 : memref<128x32xf32, #tpu.memory_space<vmem>>)
      tpu.yield
    }) : () -> ()
    "tpu.region"() ({
      %run_scoped3A_162 = tpu.sem_alloc : memref<!tpu.dma_semaphore, #tpu.memory_space<semaphore_mem>>
      %dma_start3A_163 = arith.constant 0 : i32
      %dma_start3A_164 = tpu.memref_slice %arg5[%arg0, %add3A_157, %dma_start3A_163] : memref<2x10240x32xf32, #tpu.memory_space<hbm>> -> memref<1x128x32xf32, #tpu.memory_space<hbm>>
      %dma_start3A_165 = tpu.memref_squeeze %dma_start3A_164 : memref<1x128x32xf32, #tpu.memory_space<hbm>> -> memref<128x32xf32, #tpu.memory_space<hbm>>
      %dma_start3A_166 = arith.constant 0 : i32
      %dma_start3A_167 = tpu.memref_slice %arg5[%arg0, %add3A_157, %dma_start3A_166] : memref<2x10240x32xf32, #tpu.memory_space<hbm>> -> memref<1x128x32xf32, #tpu.memory_space<hbm>>
      %dma_start3A_168 = tpu.memref_squeeze %dma_start3A_167 : memref<1x128x32xf32, #tpu.memory_space<hbm>> -> memref<128x32xf32, #tpu.memory_space<hbm>>
      tpu.enqueue_dma source(%arg8 : memref<128x32xf32, #tpu.memory_space<vmem>>) target(%dma_start3A_168 : memref<128x32xf32, #tpu.memory_space<hbm>>) target_semaphore(%run_scoped3A_162 : memref<!tpu.dma_semaphore, #tpu.memory_space<semaphore_mem>>)
      %dma_wait3A_169 = arith.constant 0 : i32
      %dma_wait3A_170 = tpu.memref_slice %arg5[%arg0, %add3A_157, %dma_wait3A_169] : memref<2x10240x32xf32, #tpu.memory_space<hbm>> -> memref<1x128x32xf32, #tpu.memory_space<hbm>>
      %dma_wait3A_171 = tpu.memref_squeeze %dma_wait3A_170 : memref<1x128x32xf32, #tpu.memory_space<hbm>> -> memref<128x32xf32, #tpu.memory_space<hbm>>
      %dma_wait3A_172 = arith.constant 0 : i32
      %dma_wait3A_173 = tpu.memref_slice %arg5[%arg0, %add3A_157, %dma_wait3A_172] : memref<2x10240x32xf32, #tpu.memory_space<hbm>> -> memref<1x128x32xf32, #tpu.memory_space<hbm>>
      %dma_wait3A_174 = tpu.memref_squeeze %dma_wait3A_173 : memref<1x128x32xf32, #tpu.memory_space<hbm>> -> memref<128x32xf32, #tpu.memory_space<hbm>>
      tpu.wait_dma2 semaphore(%run_scoped3A_162 : memref<!tpu.dma_semaphore, #tpu.memory_space<semaphore_mem>>) src(%arg8 : memref<128x32xf32, #tpu.memory_space<vmem>>) dst(%dma_wait3A_174 : memref<128x32xf32, #tpu.memory_space<hbm>>)
      tpu.yield
    }) : () -> ()
    %mul3A_158 = arith.constant 640 : i32
    %mul3A_159 = arith.muli %arg1, %mul3A_158 : i32
    %add3A_160 = arith.constant 512 : i32
    %add3A_161 = arith.addi %mul3A_159, %add3A_160 : i32
    "tpu.region"() ({
      %run_scoped3A_162 = tpu.sem_alloc : memref<!tpu.dma_semaphore, #tpu.memory_space<semaphore_mem>>
      %dma_start3A_163 = arith.constant 0 : i32
      %dma_start3A_164 = tpu.memref_slice %arg13[%add3A_161, %dma_start3A_163] : memref<10240x32xf32, #tpu.memory_space<vmem_shared>> -> memref<128x32xf32, #tpu.memory_space<vmem_shared>>
      %dma_start3A_165 = arith.constant 0 : i32
      %dma_start3A_166 = tpu.memref_slice %arg13[%add3A_161, %dma_start3A_165] : memref<10240x32xf32, #tpu.memory_space<vmem_shared>> -> memref<128x32xf32, #tpu.memory_space<vmem_shared>>
      tpu.enqueue_dma source(%dma_start3A_166 : memref<128x32xf32, #tpu.memory_space<vmem_shared>>) target(%arg8 : memref<128x32xf32, #tpu.memory_space<vmem>>) target_semaphore(%run_scoped3A_162 : memref<!tpu.dma_semaphore, #tpu.memory_space<semaphore_mem>>)
      %dma_wait3A_167 = arith.constant 0 : i32
      %dma_wait3A_168 = tpu.memref_slice %arg13[%add3A_161, %dma_wait3A_167] : memref<10240x32xf32, #tpu.memory_space<vmem_shared>> -> memref<128x32xf32, #tpu.memory_space<vmem_shared>>
      %dma_wait3A_169 = arith.constant 0 : i32
      %dma_wait3A_170 = tpu.memref_slice %arg13[%add3A_161, %dma_wait3A_169] : memref<10240x32xf32, #tpu.memory_space<vmem_shared>> -> memref<128x32xf32, #tpu.memory_space<vmem_shared>>
      tpu.wait_dma2 semaphore(%run_scoped3A_162 : memref<!tpu.dma_semaphore, #tpu.memory_space<semaphore_mem>>) src(%dma_wait3A_170 : memref<128x32xf32, #tpu.memory_space<vmem_shared>>) dst(%arg8 : memref<128x32xf32, #tpu.memory_space<vmem>>)
      tpu.yield
    }) : () -> ()
    "tpu.region"() ({
      %run_scoped3A_162 = tpu.sem_alloc : memref<!tpu.dma_semaphore, #tpu.memory_space<semaphore_mem>>
      %dma_start3A_163 = arith.constant 0 : i32
      %dma_start3A_164 = tpu.memref_slice %arg5[%arg0, %add3A_161, %dma_start3A_163] : memref<2x10240x32xf32, #tpu.memory_space<hbm>> -> memref<1x128x32xf32, #tpu.memory_space<hbm>>
      %dma_start3A_165 = tpu.memref_squeeze %dma_start3A_164 : memref<1x128x32xf32, #tpu.memory_space<hbm>> -> memref<128x32xf32, #tpu.memory_space<hbm>>
      %dma_start3A_166 = arith.constant 0 : i32
      %dma_start3A_167 = tpu.memref_slice %arg5[%arg0, %add3A_161, %dma_start3A_166] : memref<2x10240x32xf32, #tpu.memory_space<hbm>> -> memref<1x128x32xf32, #tpu.memory_space<hbm>>
      %dma_start3A_168 = tpu.memref_squeeze %dma_start3A_167 : memref<1x128x32xf32, #tpu.memory_space<hbm>> -> memref<128x32xf32, #tpu.memory_space<hbm>>
      tpu.enqueue_dma source(%arg8 : memref<128x32xf32, #tpu.memory_space<vmem>>) target(%dma_start3A_168 : memref<128x32xf32, #tpu.memory_space<hbm>>) target_semaphore(%run_scoped3A_162 : memref<!tpu.dma_semaphore, #tpu.memory_space<semaphore_mem>>)
      %dma_wait3A_169 = arith.constant 0 : i32
      %dma_wait3A_170 = tpu.memref_slice %arg5[%arg0, %add3A_161, %dma_wait3A_169] : memref<2x10240x32xf32, #tpu.memory_space<hbm>> -> memref<1x128x32xf32, #tpu.memory_space<hbm>>
      %dma_wait3A_171 = tpu.memref_squeeze %dma_wait3A_170 : memref<1x128x32xf32, #tpu.memory_space<hbm>> -> memref<128x32xf32, #tpu.memory_space<hbm>>
      %dma_wait3A_172 = arith.constant 0 : i32
      %dma_wait3A_173 = tpu.memref_slice %arg5[%arg0, %add3A_161, %dma_wait3A_172] : memref<2x10240x32xf32, #tpu.memory_space<hbm>> -> memref<1x128x32xf32, #tpu.memory_space<hbm>>
      %dma_wait3A_174 = tpu.memref_squeeze %dma_wait3A_173 : memref<1x128x32xf32, #tpu.memory_space<hbm>> -> memref<128x32xf32, #tpu.memory_space<hbm>>
      tpu.wait_dma2 semaphore(%run_scoped3A_162 : memref<!tpu.dma_semaphore, #tpu.memory_space<semaphore_mem>>) src(%arg8 : memref<128x32xf32, #tpu.memory_space<vmem>>) dst(%dma_wait3A_174 : memref<128x32xf32, #tpu.memory_space<hbm>>)
      tpu.yield
    }) : () -> ()
    return
  }
}

#map = affine_map<(d0, d1) -> (0, 0)>
#map1 = affine_map<(d0, d1) -> (0, 0, 0)>
module attributes {stable_mosaic.version = 14 : i64} {
  func.func @_sc_prop32(%arg0: i32, %arg1: i32, %arg2: memref<2528x128xi32, #tpu.memory_space<hbm>>, %arg3: memref<2528x128xi32, #tpu.memory_space<hbm>>, %arg4: memref<10000x32xf32, #tpu.memory_space<hbm>>, %arg5: memref<2x10240x32xf32, #tpu.memory_space<hbm>>, %arg6: memref<79x128xi32, #tpu.memory_space<vmem>>, %arg7: memref<79x128xi32, #tpu.memory_space<vmem>>, %arg8: memref<128x32xf32, #tpu.memory_space<vmem>>, %arg9: memref<128x32xf32, #tpu.memory_space<vmem>>, %arg10: memref<128x32xf32, #tpu.memory_space<vmem>>, %arg11: memref<128x32xf32, #tpu.memory_space<vmem>>, %arg12: memref<128x32xf32, #tpu.memory_space<vmem>>, %arg13: memref<10240x32xf32, #tpu.memory_space<vmem_shared>>, %arg14: memref<10000x32xf32, #tpu.memory_space<vmem_shared>>, %arg15: memref<!tpu.dma_semaphore, #tpu.memory_space<semaphore_mem>>, %arg16: memref<!tpu.dma_semaphore, #tpu.memory_space<semaphore_mem>>, %arg17: memref<!tpu.dma_semaphore, #tpu.memory_space<semaphore_mem>>, %arg18: memref<!tpu.dma_semaphore, #tpu.memory_space<semaphore_mem>>) attributes {dimension_semantics = [#tpu.dimension_semantics<core_parallel>, #tpu.dimension_semantics<subcore_parallel>], iteration_bounds = array<i64: 2, 16>, scalar_prefetch = 0 : i64, scratch_operands = 13 : i64, tpu.core_type = #tpu.core_type<sc_vector_subcore>, window_params = [{transform_indices = #map}, {transform_indices = #map}, {transform_indices = #map}, {transform_indices = #map1}]} {
    %mul3A = arith.constant 16 : i32
    %mul3A_0 = arith.muli %arg0, %mul3A : i32
    %add3A = arith.addi %mul3A_0, %arg1 : i32
    %mul3A_1 = arith.constant 79 : i32
    %mul3A_2 = arith.muli %add3A, %mul3A_1 : i32
    "tpu.region"() ({
      %run_scoped3A_162 = tpu.sem_alloc : memref<!tpu.dma_semaphore, #tpu.memory_space<semaphore_mem>>
      %dma_start3A_163 = arith.constant 0 : i32
      %dma_start3A_164 = tpu.memref_slice %arg2[%mul3A_2, %dma_start3A_163] : memref<2528x128xi32, #tpu.memory_space<hbm>> -> memref<79x128xi32, #tpu.memory_space<hbm>>
      %dma_start3A_165 = arith.constant 0 : i32
      %dma_start3A_166 = tpu.memref_slice %arg2[%mul3A_2, %dma_start3A_165] : memref<2528x128xi32, #tpu.memory_space<hbm>> -> memref<79x128xi32, #tpu.memory_space<hbm>>
      tpu.enqueue_dma source(%dma_start3A_166 : memref<79x128xi32, #tpu.memory_space<hbm>>) target(%arg6 : memref<79x128xi32, #tpu.memory_space<vmem>>) target_semaphore(%run_scoped3A_162 : memref<!tpu.dma_semaphore, #tpu.memory_space<semaphore_mem>>)
      %dma_wait3A_167 = arith.constant 0 : i32
      %dma_wait3A_168 = tpu.memref_slice %arg2[%mul3A_2, %dma_wait3A_167] : memref<2528x128xi32, #tpu.memory_space<hbm>> -> memref<79x128xi32, #tpu.memory_space<hbm>>
      %dma_wait3A_169 = arith.constant 0 : i32
      %dma_wait3A_170 = tpu.memref_slice %arg2[%mul3A_2, %dma_wait3A_169] : memref<2528x128xi32, #tpu.memory_space<hbm>> -> memref<79x128xi32, #tpu.memory_space<hbm>>
      tpu.wait_dma2 semaphore(%run_scoped3A_162 : memref<!tpu.dma_semaphore, #tpu.memory_space<semaphore_mem>>) src(%dma_wait3A_170 : memref<79x128xi32, #tpu.memory_space<hbm>>) dst(%arg6 : memref<79x128xi32, #tpu.memory_space<vmem>>)
      tpu.yield
    }) : () -> ()
    %mul3A_3 = arith.constant 79 : i32
    %mul3A_4 = arith.muli %add3A, %mul3A_3 : i32
    "tpu.region"() ({
      %run_scoped3A_162 = tpu.sem_alloc : memref<!tpu.dma_semaphore, #tpu.memory_space<semaphore_mem>>
      %dma_start3A_163 = arith.constant 0 : i32
      %dma_start3A_164 = tpu.memref_slice %arg3[%mul3A_4, %dma_start3A_163] : memref<2528x128xi32, #tpu.memory_space<hbm>> -> memref<79x128xi32, #tpu.memory_space<hbm>>
      %dma_start3A_165 = arith.constant 0 : i32
      %dma_start3A_166 = tpu.memref_slice %arg3[%mul3A_4, %dma_start3A_165] : memref<2528x128xi32, #tpu.memory_space<hbm>> -> memref<79x128xi32, #tpu.memory_space<hbm>>
      tpu.enqueue_dma source(%dma_start3A_166 : memref<79x128xi32, #tpu.memory_space<hbm>>) target(%arg7 : memref<79x128xi32, #tpu.memory_space<vmem>>) target_semaphore(%run_scoped3A_162 : memref<!tpu.dma_semaphore, #tpu.memory_space<semaphore_mem>>)
      %dma_wait3A_167 = arith.constant 0 : i32
      %dma_wait3A_168 = tpu.memref_slice %arg3[%mul3A_4, %dma_wait3A_167] : memref<2528x128xi32, #tpu.memory_space<hbm>> -> memref<79x128xi32, #tpu.memory_space<hbm>>
      %dma_wait3A_169 = arith.constant 0 : i32
      %dma_wait3A_170 = tpu.memref_slice %arg3[%mul3A_4, %dma_wait3A_169] : memref<2528x128xi32, #tpu.memory_space<hbm>> -> memref<79x128xi32, #tpu.memory_space<hbm>>
      tpu.wait_dma2 semaphore(%run_scoped3A_162 : memref<!tpu.dma_semaphore, #tpu.memory_space<semaphore_mem>>) src(%dma_wait3A_170 : memref<79x128xi32, #tpu.memory_space<hbm>>) dst(%arg7 : memref<79x128xi32, #tpu.memory_space<vmem>>)
      tpu.yield
    }) : () -> ()
    %mul3A_5 = arith.constant 625 : i32
    %mul3A_6 = arith.muli %arg1, %mul3A_5 : i32
    %mul3A_7 = arith.constant 625 : i32
    %mul3A_8 = arith.muli %arg1, %mul3A_7 : i32
    "tpu.region"() ({
      %run_scoped3A_162 = tpu.sem_alloc : memref<!tpu.dma_semaphore, #tpu.memory_space<semaphore_mem>>
      %dma_start3A_163 = arith.constant 0 : i32
      %dma_start3A_164 = tpu.memref_slice %arg14[%mul3A_8, %dma_start3A_163] : memref<10000x32xf32, #tpu.memory_space<vmem_shared>> -> memref<625x32xf32, #tpu.memory_space<vmem_shared>>
      %dma_start3A_165 = arith.constant 0 : i32
      %dma_start3A_166 = tpu.memref_slice %arg4[%mul3A_6, %dma_start3A_165] : memref<10000x32xf32, #tpu.memory_space<hbm>> -> memref<625x32xf32, #tpu.memory_space<hbm>>
      tpu.enqueue_dma source(%dma_start3A_166 : memref<625x32xf32, #tpu.memory_space<hbm>>) target(%dma_start3A_164 : memref<625x32xf32, #tpu.memory_space<vmem_shared>>) target_semaphore(%run_scoped3A_162 : memref<!tpu.dma_semaphore, #tpu.memory_space<semaphore_mem>>)
      %dma_wait3A_167 = arith.constant 0 : i32
      %dma_wait3A_168 = tpu.memref_slice %arg14[%mul3A_8, %dma_wait3A_167] : memref<10000x32xf32, #tpu.memory_space<vmem_shared>> -> memref<625x32xf32, #tpu.memory_space<vmem_shared>>
      %dma_wait3A_169 = arith.constant 0 : i32
      %dma_wait3A_170 = tpu.memref_slice %arg4[%mul3A_6, %dma_wait3A_169] : memref<10000x32xf32, #tpu.memory_space<hbm>> -> memref<625x32xf32, #tpu.memory_space<hbm>>
      tpu.wait_dma2 semaphore(%run_scoped3A_162 : memref<!tpu.dma_semaphore, #tpu.memory_space<semaphore_mem>>) src(%dma_wait3A_170 : memref<625x32xf32, #tpu.memory_space<hbm>>) dst(%dma_wait3A_168 : memref<625x32xf32, #tpu.memory_space<vmem_shared>>)
      tpu.yield
    }) : () -> ()
    %broadcast_in_dim3A = arith.constant 0.000000e+00 : f32
    %broadcast_in_dim3A_9 = vector.broadcast %broadcast_in_dim3A : f32 to vector<16xf32>
    %scan3A = arith.constant 0 : i32
    %scan3A_10 = arith.constant 128 : i32
    %scan3A_11 = arith.addi %scan3A, %scan3A_10 : i32
    %scan3A_12 = arith.constant 1 : i32
    scf.for %scan3A_162 = %scan3A to %scan3A_11 step %scan3A_12  : i32 {
      %mul3A_163 = arith.constant 1 : i32
      %mul3A_164 = arith.muli %scan3A_162, %mul3A_163 : i32
      %add3A_165 = arith.constant 0 : i32
      %add3A_166 = arith.addi %add3A_165, %mul3A_164 : i32
      %swap3A = arith.index_cast %add3A_166 : i32 to index
      %swap3A_167 = arith.constant 0 : index
      %swap3A_168 = tpu.vector_load %arg12[%swap3A, %swap3A_167] {strides = array<i32>} : memref<128x32xf32, #tpu.memory_space<vmem>>, vector<16xf32>,
      tpu.vector_store %arg12[%swap3A, %swap3A_167], %broadcast_in_dim3A_9 {strides = array<i32>} : memref<128x32xf32, #tpu.memory_space<vmem>>, vector<16xf32>,
      %swap3A_169 = arith.index_cast %add3A_166 : i32 to index
      %swap3A_170 = arith.constant 16 : index
      %swap3A_171 = tpu.vector_load %arg12[%swap3A_169, %swap3A_170] {strides = array<i32>} : memref<128x32xf32, #tpu.memory_space<vmem>>, vector<16xf32>,
      tpu.vector_store %arg12[%swap3A_169, %swap3A_170], %broadcast_in_dim3A_9 {strides = array<i32>} : memref<128x32xf32, #tpu.memory_space<vmem>>, vector<16xf32>,
    }
    %scan3A_13 = arith.constant 128 : i32
    %mul3A_14 = arith.constant 640 : i32
    %mul3A_15 = arith.muli %arg1, %mul3A_14 : i32
    %add3A_16 = arith.constant 0 : i32
    %add3A_17 = arith.addi %mul3A_15, %add3A_16 : i32
    "tpu.region"() ({
      %run_scoped3A_162 = tpu.sem_alloc : memref<!tpu.dma_semaphore, #tpu.memory_space<semaphore_mem>>
      %dma_start3A_163 = arith.constant 0 : i32
      %dma_start3A_164 = tpu.memref_slice %arg13[%add3A_17, %dma_start3A_163] : memref<10240x32xf32, #tpu.memory_space<vmem_shared>> -> memref<128x32xf32, #tpu.memory_space<vmem_shared>>
      %dma_start3A_165 = arith.constant 0 : i32
      %dma_start3A_166 = tpu.memref_slice %arg13[%add3A_17, %dma_start3A_165] : memref<10240x32xf32, #tpu.memory_space<vmem_shared>> -> memref<128x32xf32, #tpu.memory_space<vmem_shared>>
      tpu.enqueue_dma source(%arg12 : memref<128x32xf32, #tpu.memory_space<vmem>>) target(%dma_start3A_166 : memref<128x32xf32, #tpu.memory_space<vmem_shared>>) target_semaphore(%run_scoped3A_162 : memref<!tpu.dma_semaphore, #tpu.memory_space<semaphore_mem>>)
      %dma_wait3A_167 = arith.constant 0 : i32
      %dma_wait3A_168 = tpu.memref_slice %arg13[%add3A_17, %dma_wait3A_167] : memref<10240x32xf32, #tpu.memory_space<vmem_shared>> -> memref<128x32xf32, #tpu.memory_space<vmem_shared>>
      %dma_wait3A_169 = arith.constant 0 : i32
      %dma_wait3A_170 = tpu.memref_slice %arg13[%add3A_17, %dma_wait3A_169] : memref<10240x32xf32, #tpu.memory_space<vmem_shared>> -> memref<128x32xf32, #tpu.memory_space<vmem_shared>>
      tpu.wait_dma2 semaphore(%run_scoped3A_162 : memref<!tpu.dma_semaphore, #tpu.memory_space<semaphore_mem>>) src(%arg12 : memref<128x32xf32, #tpu.memory_space<vmem>>) dst(%dma_wait3A_170 : memref<128x32xf32, #tpu.memory_space<vmem_shared>>)
      tpu.yield
    }) : () -> ()
    %mul3A_18 = arith.constant 640 : i32
    %mul3A_19 = arith.muli %arg1, %mul3A_18 : i32
    %add3A_20 = arith.constant 128 : i32
    %add3A_21 = arith.addi %mul3A_19, %add3A_20 : i32
    "tpu.region"() ({
      %run_scoped3A_162 = tpu.sem_alloc : memref<!tpu.dma_semaphore, #tpu.memory_space<semaphore_mem>>
      %dma_start3A_163 = arith.constant 0 : i32
      %dma_start3A_164 = tpu.memref_slice %arg13[%add3A_21, %dma_start3A_163] : memref<10240x32xf32, #tpu.memory_space<vmem_shared>> -> memref<128x32xf32, #tpu.memory_space<vmem_shared>>
      %dma_start3A_165 = arith.constant 0 : i32
      %dma_start3A_166 = tpu.memref_slice %arg13[%add3A_21, %dma_start3A_165] : memref<10240x32xf32, #tpu.memory_space<vmem_shared>> -> memref<128x32xf32, #tpu.memory_space<vmem_shared>>
      tpu.enqueue_dma source(%arg12 : memref<128x32xf32, #tpu.memory_space<vmem>>) target(%dma_start3A_166 : memref<128x32xf32, #tpu.memory_space<vmem_shared>>) target_semaphore(%run_scoped3A_162 : memref<!tpu.dma_semaphore, #tpu.memory_space<semaphore_mem>>)
      %dma_wait3A_167 = arith.constant 0 : i32
      %dma_wait3A_168 = tpu.memref_slice %arg13[%add3A_21, %dma_wait3A_167] : memref<10240x32xf32, #tpu.memory_space<vmem_shared>> -> memref<128x32xf32, #tpu.memory_space<vmem_shared>>
      %dma_wait3A_169 = arith.constant 0 : i32
      %dma_wait3A_170 = tpu.memref_slice %arg13[%add3A_21, %dma_wait3A_169] : memref<10240x32xf32, #tpu.memory_space<vmem_shared>> -> memref<128x32xf32, #tpu.memory_space<vmem_shared>>
      tpu.wait_dma2 semaphore(%run_scoped3A_162 : memref<!tpu.dma_semaphore, #tpu.memory_space<semaphore_mem>>) src(%arg12 : memref<128x32xf32, #tpu.memory_space<vmem>>) dst(%dma_wait3A_170 : memref<128x32xf32, #tpu.memory_space<vmem_shared>>)
      tpu.yield
    }) : () -> ()
    %mul3A_22 = arith.constant 640 : i32
    %mul3A_23 = arith.muli %arg1, %mul3A_22 : i32
    %add3A_24 = arith.constant 256 : i32
    %add3A_25 = arith.addi %mul3A_23, %add3A_24 : i32
    "tpu.region"() ({
      %run_scoped3A_162 = tpu.sem_alloc : memref<!tpu.dma_semaphore, #tpu.memory_space<semaphore_mem>>
      %dma_start3A_163 = arith.constant 0 : i32
      %dma_start3A_164 = tpu.memref_slice %arg13[%add3A_25, %dma_start3A_163] : memref<10240x32xf32, #tpu.memory_space<vmem_shared>> -> memref<128x32xf32, #tpu.memory_space<vmem_shared>>
      %dma_start3A_165 = arith.constant 0 : i32
      %dma_start3A_166 = tpu.memref_slice %arg13[%add3A_25, %dma_start3A_165] : memref<10240x32xf32, #tpu.memory_space<vmem_shared>> -> memref<128x32xf32, #tpu.memory_space<vmem_shared>>
      tpu.enqueue_dma source(%arg12 : memref<128x32xf32, #tpu.memory_space<vmem>>) target(%dma_start3A_166 : memref<128x32xf32, #tpu.memory_space<vmem_shared>>) target_semaphore(%run_scoped3A_162 : memref<!tpu.dma_semaphore, #tpu.memory_space<semaphore_mem>>)
      %dma_wait3A_167 = arith.constant 0 : i32
      %dma_wait3A_168 = tpu.memref_slice %arg13[%add3A_25, %dma_wait3A_167] : memref<10240x32xf32, #tpu.memory_space<vmem_shared>> -> memref<128x32xf32, #tpu.memory_space<vmem_shared>>
      %dma_wait3A_169 = arith.constant 0 : i32
      %dma_wait3A_170 = tpu.memref_slice %arg13[%add3A_25, %dma_wait3A_169] : memref<10240x32xf32, #tpu.memory_space<vmem_shared>> -> memref<128x32xf32, #tpu.memory_space<vmem_shared>>
      tpu.wait_dma2 semaphore(%run_scoped3A_162 : memref<!tpu.dma_semaphore, #tpu.memory_space<semaphore_mem>>) src(%arg12 : memref<128x32xf32, #tpu.memory_space<vmem>>) dst(%dma_wait3A_170 : memref<128x32xf32, #tpu.memory_space<vmem_shared>>)
      tpu.yield
    }) : () -> ()
    %mul3A_26 = arith.constant 640 : i32
    %mul3A_27 = arith.muli %arg1, %mul3A_26 : i32
    %add3A_28 = arith.constant 384 : i32
    %add3A_29 = arith.addi %mul3A_27, %add3A_28 : i32
    "tpu.region"() ({
      %run_scoped3A_162 = tpu.sem_alloc : memref<!tpu.dma_semaphore, #tpu.memory_space<semaphore_mem>>
      %dma_start3A_163 = arith.constant 0 : i32
      %dma_start3A_164 = tpu.memref_slice %arg13[%add3A_29, %dma_start3A_163] : memref<10240x32xf32, #tpu.memory_space<vmem_shared>> -> memref<128x32xf32, #tpu.memory_space<vmem_shared>>
      %dma_start3A_165 = arith.constant 0 : i32
      %dma_start3A_166 = tpu.memref_slice %arg13[%add3A_29, %dma_start3A_165] : memref<10240x32xf32, #tpu.memory_space<vmem_shared>> -> memref<128x32xf32, #tpu.memory_space<vmem_shared>>
      tpu.enqueue_dma source(%arg12 : memref<128x32xf32, #tpu.memory_space<vmem>>) target(%dma_start3A_166 : memref<128x32xf32, #tpu.memory_space<vmem_shared>>) target_semaphore(%run_scoped3A_162 : memref<!tpu.dma_semaphore, #tpu.memory_space<semaphore_mem>>)
      %dma_wait3A_167 = arith.constant 0 : i32
      %dma_wait3A_168 = tpu.memref_slice %arg13[%add3A_29, %dma_wait3A_167] : memref<10240x32xf32, #tpu.memory_space<vmem_shared>> -> memref<128x32xf32, #tpu.memory_space<vmem_shared>>
      %dma_wait3A_169 = arith.constant 0 : i32
      %dma_wait3A_170 = tpu.memref_slice %arg13[%add3A_29, %dma_wait3A_169] : memref<10240x32xf32, #tpu.memory_space<vmem_shared>> -> memref<128x32xf32, #tpu.memory_space<vmem_shared>>
      tpu.wait_dma2 semaphore(%run_scoped3A_162 : memref<!tpu.dma_semaphore, #tpu.memory_space<semaphore_mem>>) src(%arg12 : memref<128x32xf32, #tpu.memory_space<vmem>>) dst(%dma_wait3A_170 : memref<128x32xf32, #tpu.memory_space<vmem_shared>>)
      tpu.yield
    }) : () -> ()
    %mul3A_30 = arith.constant 640 : i32
    %mul3A_31 = arith.muli %arg1, %mul3A_30 : i32
    %add3A_32 = arith.constant 512 : i32
    %add3A_33 = arith.addi %mul3A_31, %add3A_32 : i32
    "tpu.region"() ({
      %run_scoped3A_162 = tpu.sem_alloc : memref<!tpu.dma_semaphore, #tpu.memory_space<semaphore_mem>>
      %dma_start3A_163 = arith.constant 0 : i32
      %dma_start3A_164 = tpu.memref_slice %arg13[%add3A_33, %dma_start3A_163] : memref<10240x32xf32, #tpu.memory_space<vmem_shared>> -> memref<128x32xf32, #tpu.memory_space<vmem_shared>>
      %dma_start3A_165 = arith.constant 0 : i32
      %dma_start3A_166 = tpu.memref_slice %arg13[%add3A_33, %dma_start3A_165] : memref<10240x32xf32, #tpu.memory_space<vmem_shared>> -> memref<128x32xf32, #tpu.memory_space<vmem_shared>>
      tpu.enqueue_dma source(%arg12 : memref<128x32xf32, #tpu.memory_space<vmem>>) target(%dma_start3A_166 : memref<128x32xf32, #tpu.memory_space<vmem_shared>>) target_semaphore(%run_scoped3A_162 : memref<!tpu.dma_semaphore, #tpu.memory_space<semaphore_mem>>)
      %dma_wait3A_167 = arith.constant 0 : i32
      %dma_wait3A_168 = tpu.memref_slice %arg13[%add3A_33, %dma_wait3A_167] : memref<10240x32xf32, #tpu.memory_space<vmem_shared>> -> memref<128x32xf32, #tpu.memory_space<vmem_shared>>
      %dma_wait3A_169 = arith.constant 0 : i32
      %dma_wait3A_170 = tpu.memref_slice %arg13[%add3A_33, %dma_wait3A_169] : memref<10240x32xf32, #tpu.memory_space<vmem_shared>> -> memref<128x32xf32, #tpu.memory_space<vmem_shared>>
      tpu.wait_dma2 semaphore(%run_scoped3A_162 : memref<!tpu.dma_semaphore, #tpu.memory_space<semaphore_mem>>) src(%arg12 : memref<128x32xf32, #tpu.memory_space<vmem>>) dst(%dma_wait3A_170 : memref<128x32xf32, #tpu.memory_space<vmem_shared>>)
      tpu.yield
    }) : () -> ()
    %barrier3A = arith.constant 0 : index
    tpu.barrier barrier_id(%barrier3A)
    %dma_start3A = arith.constant 0 : i32
    %dma_start3A_34 = arith.constant 0 : i32
    %dma_start3A_35 = tpu.memref_slice %arg6[%dma_start3A, %dma_start3A_34] : memref<79x128xi32, #tpu.memory_space<vmem>> -> memref<1x128xi32, #tpu.memory_space<vmem>>
    %dma_start3A_36 = tpu.memref_squeeze %dma_start3A_35 : memref<1x128xi32, #tpu.memory_space<vmem>> -> memref<128xi32, #tpu.memory_space<vmem>>
    %dma_start3A_37 = arith.constant 0 : i32
    %dma_start3A_38 = arith.constant 0 : i32
    %dma_start3A_39 = tpu.memref_slice %arg14[%dma_start3A_37, %dma_start3A_38] : memref<10000x32xf32, #tpu.memory_space<vmem_shared>> -> memref<10000x32xf32, #tpu.memory_space<vmem_shared>>
    tpu.enqueue_indirect_dma source(%dma_start3A_39 : memref<10000x32xf32, #tpu.memory_space<vmem_shared>>) target(%arg8 : memref<128x32xf32, #tpu.memory_space<vmem>>) offsets(%dma_start3A_36 : memref<128xi32, #tpu.memory_space<vmem>>) semaphore(%arg15 : memref<!tpu.dma_semaphore, #tpu.memory_space<semaphore_mem>>)
    %dma_start3A_40 = arith.constant 1 : i32
    %dma_start3A_41 = arith.constant 0 : i32
    %dma_start3A_42 = tpu.memref_slice %arg6[%dma_start3A_40, %dma_start3A_41] : memref<79x128xi32, #tpu.memory_space<vmem>> -> memref<1x128xi32, #tpu.memory_space<vmem>>
    %dma_start3A_43 = tpu.memref_squeeze %dma_start3A_42 : memref<1x128xi32, #tpu.memory_space<vmem>> -> memref<128xi32, #tpu.memory_space<vmem>>
    %dma_start3A_44 = arith.constant 0 : i32
    %dma_start3A_45 = arith.constant 0 : i32
    %dma_start3A_46 = tpu.memref_slice %arg14[%dma_start3A_44, %dma_start3A_45] : memref<10000x32xf32, #tpu.memory_space<vmem_shared>> -> memref<10000x32xf32, #tpu.memory_space<vmem_shared>>
    tpu.enqueue_indirect_dma source(%dma_start3A_46 : memref<10000x32xf32, #tpu.memory_space<vmem_shared>>) target(%arg9 : memref<128x32xf32, #tpu.memory_space<vmem>>) offsets(%dma_start3A_43 : memref<128xi32, #tpu.memory_space<vmem>>) semaphore(%arg16 : memref<!tpu.dma_semaphore, #tpu.memory_space<semaphore_mem>>)
    %dma_start3A_47 = arith.constant 2 : i32
    %dma_start3A_48 = arith.constant 0 : i32
    %dma_start3A_49 = tpu.memref_slice %arg6[%dma_start3A_47, %dma_start3A_48] : memref<79x128xi32, #tpu.memory_space<vmem>> -> memref<1x128xi32, #tpu.memory_space<vmem>>
    %dma_start3A_50 = tpu.memref_squeeze %dma_start3A_49 : memref<1x128xi32, #tpu.memory_space<vmem>> -> memref<128xi32, #tpu.memory_space<vmem>>
    %dma_start3A_51 = arith.constant 0 : i32
    %dma_start3A_52 = arith.constant 0 : i32
    %dma_start3A_53 = tpu.memref_slice %arg14[%dma_start3A_51, %dma_start3A_52] : memref<10000x32xf32, #tpu.memory_space<vmem_shared>> -> memref<10000x32xf32, #tpu.memory_space<vmem_shared>>
    tpu.enqueue_indirect_dma source(%dma_start3A_53 : memref<10000x32xf32, #tpu.memory_space<vmem_shared>>) target(%arg10 : memref<128x32xf32, #tpu.memory_space<vmem>>) offsets(%dma_start3A_50 : memref<128xi32, #tpu.memory_space<vmem>>) semaphore(%arg17 : memref<!tpu.dma_semaphore, #tpu.memory_space<semaphore_mem>>)
    %dma_start3A_54 = arith.constant 3 : i32
    %dma_start3A_55 = arith.constant 0 : i32
    %dma_start3A_56 = tpu.memref_slice %arg6[%dma_start3A_54, %dma_start3A_55] : memref<79x128xi32, #tpu.memory_space<vmem>> -> memref<1x128xi32, #tpu.memory_space<vmem>>
    %dma_start3A_57 = tpu.memref_squeeze %dma_start3A_56 : memref<1x128xi32, #tpu.memory_space<vmem>> -> memref<128xi32, #tpu.memory_space<vmem>>
    %dma_start3A_58 = arith.constant 0 : i32
    %dma_start3A_59 = arith.constant 0 : i32
    %dma_start3A_60 = tpu.memref_slice %arg14[%dma_start3A_58, %dma_start3A_59] : memref<10000x32xf32, #tpu.memory_space<vmem_shared>> -> memref<10000x32xf32, #tpu.memory_space<vmem_shared>>
    tpu.enqueue_indirect_dma source(%dma_start3A_60 : memref<10000x32xf32, #tpu.memory_space<vmem_shared>>) target(%arg11 : memref<128x32xf32, #tpu.memory_space<vmem>>) offsets(%dma_start3A_57 : memref<128xi32, #tpu.memory_space<vmem>>) semaphore(%arg18 : memref<!tpu.dma_semaphore, #tpu.memory_space<semaphore_mem>>)
    %scan3A_61 = arith.constant 0 : i32
    %scan3A_62 = arith.constant 18 : i32
    %scan3A_63 = arith.addi %scan3A_61, %scan3A_62 : i32
    %scan3A_64 = arith.constant 1 : i32
    scf.for %scan3A_162 = %scan3A_61 to %scan3A_63 step %scan3A_64  : i32 {
      %mul3A_163 = arith.constant 1 : i32
      %mul3A_164 = arith.muli %scan3A_162, %mul3A_163 : i32
      %add3A_165 = arith.constant 0 : i32
      %add3A_166 = arith.addi %add3A_165, %mul3A_164 : i32
      %mul3A_167 = arith.constant 4 : i32
      %mul3A_168 = arith.muli %mul3A_167, %add3A_166 : i32
      %add3A_169 = arith.constant 0 : i32
      %add3A_170 = arith.addi %mul3A_168, %add3A_169 : i32
      %dma_wait3A_171 = arith.constant 0 : i32
      %dma_wait3A_172 = tpu.memref_slice %arg6[%add3A_170, %dma_wait3A_171] : memref<79x128xi32, #tpu.memory_space<vmem>> -> memref<1x128xi32, #tpu.memory_space<vmem>>
      %dma_wait3A_173 = tpu.memref_squeeze %dma_wait3A_172 : memref<1x128xi32, #tpu.memory_space<vmem>> -> memref<128xi32, #tpu.memory_space<vmem>>
      %dma_wait3A_174 = arith.constant 0 : i32
      %dma_wait3A_175 = arith.constant 0 : i32
      %dma_wait3A_176 = tpu.memref_slice %arg14[%dma_wait3A_174, %dma_wait3A_175] : memref<10000x32xf32, #tpu.memory_space<vmem_shared>> -> memref<10000x32xf32, #tpu.memory_space<vmem_shared>>
      tpu.wait_indirect_dma semaphore(%arg15 : memref<!tpu.dma_semaphore, #tpu.memory_space<semaphore_mem>>) src(%dma_wait3A_176 : memref<10000x32xf32, #tpu.memory_space<vmem_shared>>) dst(%arg8 : memref<128x32xf32, #tpu.memory_space<vmem>>)
      %add3A_177 = arith.constant 0 : i32
      %add3A_178 = arith.addi %mul3A_168, %add3A_177 : i32
      "tpu.region"() ({
        %run_scoped3A_249 = tpu.sem_alloc : memref<!tpu.dma_semaphore, #tpu.memory_space<semaphore_mem>>
        %dma_start3A_250 = arith.constant 0 : i32
        %dma_start3A_251 = tpu.memref_slice %arg7[%add3A_178, %dma_start3A_250] : memref<79x128xi32, #tpu.memory_space<vmem>> -> memref<1x128xi32, #tpu.memory_space<vmem>>
        %dma_start3A_252 = tpu.memref_squeeze %dma_start3A_251 : memref<1x128xi32, #tpu.memory_space<vmem>> -> memref<128xi32, #tpu.memory_space<vmem>>
        %dma_start3A_253 = arith.constant 0 : i32
        %dma_start3A_254 = arith.constant 0 : i32
        %dma_start3A_255 = tpu.memref_slice %arg13[%dma_start3A_253, %dma_start3A_254] : memref<10240x32xf32, #tpu.memory_space<vmem_shared>> -> memref<10240x32xf32, #tpu.memory_space<vmem_shared>>
        tpu.enqueue_indirect_dma source(%arg8 : memref<128x32xf32, #tpu.memory_space<vmem>>) target(%dma_start3A_255 : memref<10240x32xf32, #tpu.memory_space<vmem_shared>>) offsets(%dma_start3A_252 : memref<128xi32, #tpu.memory_space<vmem>>) semaphore(%run_scoped3A_249 : memref<!tpu.dma_semaphore, #tpu.memory_space<semaphore_mem>>) {add = true}
        %dma_wait3A_256 = arith.constant 0 : i32
        %dma_wait3A_257 = tpu.memref_slice %arg7[%add3A_178, %dma_wait3A_256] : memref<79x128xi32, #tpu.memory_space<vmem>> -> memref<1x128xi32, #tpu.memory_space<vmem>>
        %dma_wait3A_258 = tpu.memref_squeeze %dma_wait3A_257 : memref<1x128xi32, #tpu.memory_space<vmem>> -> memref<128xi32, #tpu.memory_space<vmem>>
        %dma_wait3A_259 = arith.constant 0 : i32
        %dma_wait3A_260 = arith.constant 0 : i32
        %dma_wait3A_261 = tpu.memref_slice %arg13[%dma_wait3A_259, %dma_wait3A_260] : memref<10240x32xf32, #tpu.memory_space<vmem_shared>> -> memref<10240x32xf32, #tpu.memory_space<vmem_shared>>
        tpu.wait_indirect_dma semaphore(%run_scoped3A_249 : memref<!tpu.dma_semaphore, #tpu.memory_space<semaphore_mem>>) src(%arg8 : memref<128x32xf32, #tpu.memory_space<vmem>>) dst(%dma_wait3A_261 : memref<10240x32xf32, #tpu.memory_space<vmem_shared>>)
        tpu.yield
      }) : () -> ()
      %add3A_179 = arith.constant 0 : i32
      %add3A_180 = arith.addi %mul3A_168, %add3A_179 : i32
      %add3A_181 = arith.constant 4 : i32
      %add3A_182 = arith.addi %add3A_180, %add3A_181 : i32
      %dma_start3A_183 = arith.constant 0 : i32
      %dma_start3A_184 = tpu.memref_slice %arg6[%add3A_182, %dma_start3A_183] : memref<79x128xi32, #tpu.memory_space<vmem>> -> memref<1x128xi32, #tpu.memory_space<vmem>>
      %dma_start3A_185 = tpu.memref_squeeze %dma_start3A_184 : memref<1x128xi32, #tpu.memory_space<vmem>> -> memref<128xi32, #tpu.memory_space<vmem>>
      %dma_start3A_186 = arith.constant 0 : i32
      %dma_start3A_187 = arith.constant 0 : i32
      %dma_start3A_188 = tpu.memref_slice %arg14[%dma_start3A_186, %dma_start3A_187] : memref<10000x32xf32, #tpu.memory_space<vmem_shared>> -> memref<10000x32xf32, #tpu.memory_space<vmem_shared>>
      tpu.enqueue_indirect_dma source(%dma_start3A_188 : memref<10000x32xf32, #tpu.memory_space<vmem_shared>>) target(%arg8 : memref<128x32xf32, #tpu.memory_space<vmem>>) offsets(%dma_start3A_185 : memref<128xi32, #tpu.memory_space<vmem>>) semaphore(%arg15 : memref<!tpu.dma_semaphore, #tpu.memory_space<semaphore_mem>>)
      %add3A_189 = arith.constant 1 : i32
      %add3A_190 = arith.addi %mul3A_168, %add3A_189 : i32
      %dma_wait3A_191 = arith.constant 0 : i32
      %dma_wait3A_192 = tpu.memref_slice %arg6[%add3A_190, %dma_wait3A_191] : memref<79x128xi32, #tpu.memory_space<vmem>> -> memref<1x128xi32, #tpu.memory_space<vmem>>
      %dma_wait3A_193 = tpu.memref_squeeze %dma_wait3A_192 : memref<1x128xi32, #tpu.memory_space<vmem>> -> memref<128xi32, #tpu.memory_space<vmem>>
      %dma_wait3A_194 = arith.constant 0 : i32
      %dma_wait3A_195 = arith.constant 0 : i32
      %dma_wait3A_196 = tpu.memref_slice %arg14[%dma_wait3A_194, %dma_wait3A_195] : memref<10000x32xf32, #tpu.memory_space<vmem_shared>> -> memref<10000x32xf32, #tpu.memory_space<vmem_shared>>
      tpu.wait_indirect_dma semaphore(%arg16 : memref<!tpu.dma_semaphore, #tpu.memory_space<semaphore_mem>>) src(%dma_wait3A_196 : memref<10000x32xf32, #tpu.memory_space<vmem_shared>>) dst(%arg9 : memref<128x32xf32, #tpu.memory_space<vmem>>)
      %add3A_197 = arith.constant 1 : i32
      %add3A_198 = arith.addi %mul3A_168, %add3A_197 : i32
      "tpu.region"() ({
        %run_scoped3A_249 = tpu.sem_alloc : memref<!tpu.dma_semaphore, #tpu.memory_space<semaphore_mem>>
        %dma_start3A_250 = arith.constant 0 : i32
        %dma_start3A_251 = tpu.memref_slice %arg7[%add3A_198, %dma_start3A_250] : memref<79x128xi32, #tpu.memory_space<vmem>> -> memref<1x128xi32, #tpu.memory_space<vmem>>
        %dma_start3A_252 = tpu.memref_squeeze %dma_start3A_251 : memref<1x128xi32, #tpu.memory_space<vmem>> -> memref<128xi32, #tpu.memory_space<vmem>>
        %dma_start3A_253 = arith.constant 0 : i32
        %dma_start3A_254 = arith.constant 0 : i32
        %dma_start3A_255 = tpu.memref_slice %arg13[%dma_start3A_253, %dma_start3A_254] : memref<10240x32xf32, #tpu.memory_space<vmem_shared>> -> memref<10240x32xf32, #tpu.memory_space<vmem_shared>>
        tpu.enqueue_indirect_dma source(%arg9 : memref<128x32xf32, #tpu.memory_space<vmem>>) target(%dma_start3A_255 : memref<10240x32xf32, #tpu.memory_space<vmem_shared>>) offsets(%dma_start3A_252 : memref<128xi32, #tpu.memory_space<vmem>>) semaphore(%run_scoped3A_249 : memref<!tpu.dma_semaphore, #tpu.memory_space<semaphore_mem>>) {add = true}
        %dma_wait3A_256 = arith.constant 0 : i32
        %dma_wait3A_257 = tpu.memref_slice %arg7[%add3A_198, %dma_wait3A_256] : memref<79x128xi32, #tpu.memory_space<vmem>> -> memref<1x128xi32, #tpu.memory_space<vmem>>
        %dma_wait3A_258 = tpu.memref_squeeze %dma_wait3A_257 : memref<1x128xi32, #tpu.memory_space<vmem>> -> memref<128xi32, #tpu.memory_space<vmem>>
        %dma_wait3A_259 = arith.constant 0 : i32
        %dma_wait3A_260 = arith.constant 0 : i32
        %dma_wait3A_261 = tpu.memref_slice %arg13[%dma_wait3A_259, %dma_wait3A_260] : memref<10240x32xf32, #tpu.memory_space<vmem_shared>> -> memref<10240x32xf32, #tpu.memory_space<vmem_shared>>
        tpu.wait_indirect_dma semaphore(%run_scoped3A_249 : memref<!tpu.dma_semaphore, #tpu.memory_space<semaphore_mem>>) src(%arg9 : memref<128x32xf32, #tpu.memory_space<vmem>>) dst(%dma_wait3A_261 : memref<10240x32xf32, #tpu.memory_space<vmem_shared>>)
        tpu.yield
      }) : () -> ()
      %add3A_199 = arith.constant 1 : i32
      %add3A_200 = arith.addi %mul3A_168, %add3A_199 : i32
      %add3A_201 = arith.constant 4 : i32
      %add3A_202 = arith.addi %add3A_200, %add3A_201 : i32
      %dma_start3A_203 = arith.constant 0 : i32
      %dma_start3A_204 = tpu.memref_slice %arg6[%add3A_202, %dma_start3A_203] : memref<79x128xi32, #tpu.memory_space<vmem>> -> memref<1x128xi32, #tpu.memory_space<vmem>>
      %dma_start3A_205 = tpu.memref_squeeze %dma_start3A_204 : memref<1x128xi32, #tpu.memory_space<vmem>> -> memref<128xi32, #tpu.memory_space<vmem>>
      %dma_start3A_206 = arith.constant 0 : i32
      %dma_start3A_207 = arith.constant 0 : i32
      %dma_start3A_208 = tpu.memref_slice %arg14[%dma_start3A_206, %dma_start3A_207] : memref<10000x32xf32, #tpu.memory_space<vmem_shared>> -> memref<10000x32xf32, #tpu.memory_space<vmem_shared>>
      tpu.enqueue_indirect_dma source(%dma_start3A_208 : memref<10000x32xf32, #tpu.memory_space<vmem_shared>>) target(%arg9 : memref<128x32xf32, #tpu.memory_space<vmem>>) offsets(%dma_start3A_205 : memref<128xi32, #tpu.memory_space<vmem>>) semaphore(%arg16 : memref<!tpu.dma_semaphore, #tpu.memory_space<semaphore_mem>>)
      %add3A_209 = arith.constant 2 : i32
      %add3A_210 = arith.addi %mul3A_168, %add3A_209 : i32
      %dma_wait3A_211 = arith.constant 0 : i32
      %dma_wait3A_212 = tpu.memref_slice %arg6[%add3A_210, %dma_wait3A_211] : memref<79x128xi32, #tpu.memory_space<vmem>> -> memref<1x128xi32, #tpu.memory_space<vmem>>
      %dma_wait3A_213 = tpu.memref_squeeze %dma_wait3A_212 : memref<1x128xi32, #tpu.memory_space<vmem>> -> memref<128xi32, #tpu.memory_space<vmem>>
      %dma_wait3A_214 = arith.constant 0 : i32
      %dma_wait3A_215 = arith.constant 0 : i32
      %dma_wait3A_216 = tpu.memref_slice %arg14[%dma_wait3A_214, %dma_wait3A_215] : memref<10000x32xf32, #tpu.memory_space<vmem_shared>> -> memref<10000x32xf32, #tpu.memory_space<vmem_shared>>
      tpu.wait_indirect_dma semaphore(%arg17 : memref<!tpu.dma_semaphore, #tpu.memory_space<semaphore_mem>>) src(%dma_wait3A_216 : memref<10000x32xf32, #tpu.memory_space<vmem_shared>>) dst(%arg10 : memref<128x32xf32, #tpu.memory_space<vmem>>)
      %add3A_217 = arith.constant 2 : i32
      %add3A_218 = arith.addi %mul3A_168, %add3A_217 : i32
      "tpu.region"() ({
        %run_scoped3A_249 = tpu.sem_alloc : memref<!tpu.dma_semaphore, #tpu.memory_space<semaphore_mem>>
        %dma_start3A_250 = arith.constant 0 : i32
        %dma_start3A_251 = tpu.memref_slice %arg7[%add3A_218, %dma_start3A_250] : memref<79x128xi32, #tpu.memory_space<vmem>> -> memref<1x128xi32, #tpu.memory_space<vmem>>
        %dma_start3A_252 = tpu.memref_squeeze %dma_start3A_251 : memref<1x128xi32, #tpu.memory_space<vmem>> -> memref<128xi32, #tpu.memory_space<vmem>>
        %dma_start3A_253 = arith.constant 0 : i32
        %dma_start3A_254 = arith.constant 0 : i32
        %dma_start3A_255 = tpu.memref_slice %arg13[%dma_start3A_253, %dma_start3A_254] : memref<10240x32xf32, #tpu.memory_space<vmem_shared>> -> memref<10240x32xf32, #tpu.memory_space<vmem_shared>>
        tpu.enqueue_indirect_dma source(%arg10 : memref<128x32xf32, #tpu.memory_space<vmem>>) target(%dma_start3A_255 : memref<10240x32xf32, #tpu.memory_space<vmem_shared>>) offsets(%dma_start3A_252 : memref<128xi32, #tpu.memory_space<vmem>>) semaphore(%run_scoped3A_249 : memref<!tpu.dma_semaphore, #tpu.memory_space<semaphore_mem>>) {add = true}
        %dma_wait3A_256 = arith.constant 0 : i32
        %dma_wait3A_257 = tpu.memref_slice %arg7[%add3A_218, %dma_wait3A_256] : memref<79x128xi32, #tpu.memory_space<vmem>> -> memref<1x128xi32, #tpu.memory_space<vmem>>
        %dma_wait3A_258 = tpu.memref_squeeze %dma_wait3A_257 : memref<1x128xi32, #tpu.memory_space<vmem>> -> memref<128xi32, #tpu.memory_space<vmem>>
        %dma_wait3A_259 = arith.constant 0 : i32
        %dma_wait3A_260 = arith.constant 0 : i32
        %dma_wait3A_261 = tpu.memref_slice %arg13[%dma_wait3A_259, %dma_wait3A_260] : memref<10240x32xf32, #tpu.memory_space<vmem_shared>> -> memref<10240x32xf32, #tpu.memory_space<vmem_shared>>
        tpu.wait_indirect_dma semaphore(%run_scoped3A_249 : memref<!tpu.dma_semaphore, #tpu.memory_space<semaphore_mem>>) src(%arg10 : memref<128x32xf32, #tpu.memory_space<vmem>>) dst(%dma_wait3A_261 : memref<10240x32xf32, #tpu.memory_space<vmem_shared>>)
        tpu.yield
      }) : () -> ()
      %add3A_219 = arith.constant 2 : i32
      %add3A_220 = arith.addi %mul3A_168, %add3A_219 : i32
      %add3A_221 = arith.constant 4 : i32
      %add3A_222 = arith.addi %add3A_220, %add3A_221 : i32
      %dma_start3A_223 = arith.constant 0 : i32
      %dma_start3A_224 = tpu.memref_slice %arg6[%add3A_222, %dma_start3A_223] : memref<79x128xi32, #tpu.memory_space<vmem>> -> memref<1x128xi32, #tpu.memory_space<vmem>>
      %dma_start3A_225 = tpu.memref_squeeze %dma_start3A_224 : memref<1x128xi32, #tpu.memory_space<vmem>> -> memref<128xi32, #tpu.memory_space<vmem>>
      %dma_start3A_226 = arith.constant 0 : i32
      %dma_start3A_227 = arith.constant 0 : i32
      %dma_start3A_228 = tpu.memref_slice %arg14[%dma_start3A_226, %dma_start3A_227] : memref<10000x32xf32, #tpu.memory_space<vmem_shared>> -> memref<10000x32xf32, #tpu.memory_space<vmem_shared>>
      tpu.enqueue_indirect_dma source(%dma_start3A_228 : memref<10000x32xf32, #tpu.memory_space<vmem_shared>>) target(%arg10 : memref<128x32xf32, #tpu.memory_space<vmem>>) offsets(%dma_start3A_225 : memref<128xi32, #tpu.memory_space<vmem>>) semaphore(%arg17 : memref<!tpu.dma_semaphore, #tpu.memory_space<semaphore_mem>>)
      %add3A_229 = arith.constant 3 : i32
      %add3A_230 = arith.addi %mul3A_168, %add3A_229 : i32
      %dma_wait3A_231 = arith.constant 0 : i32
      %dma_wait3A_232 = tpu.memref_slice %arg6[%add3A_230, %dma_wait3A_231] : memref<79x128xi32, #tpu.memory_space<vmem>> -> memref<1x128xi32, #tpu.memory_space<vmem>>
      %dma_wait3A_233 = tpu.memref_squeeze %dma_wait3A_232 : memref<1x128xi32, #tpu.memory_space<vmem>> -> memref<128xi32, #tpu.memory_space<vmem>>
      %dma_wait3A_234 = arith.constant 0 : i32
      %dma_wait3A_235 = arith.constant 0 : i32
      %dma_wait3A_236 = tpu.memref_slice %arg14[%dma_wait3A_234, %dma_wait3A_235] : memref<10000x32xf32, #tpu.memory_space<vmem_shared>> -> memref<10000x32xf32, #tpu.memory_space<vmem_shared>>
      tpu.wait_indirect_dma semaphore(%arg18 : memref<!tpu.dma_semaphore, #tpu.memory_space<semaphore_mem>>) src(%dma_wait3A_236 : memref<10000x32xf32, #tpu.memory_space<vmem_shared>>) dst(%arg11 : memref<128x32xf32, #tpu.memory_space<vmem>>)
      %add3A_237 = arith.constant 3 : i32
      %add3A_238 = arith.addi %mul3A_168, %add3A_237 : i32
      "tpu.region"() ({
        %run_scoped3A_249 = tpu.sem_alloc : memref<!tpu.dma_semaphore, #tpu.memory_space<semaphore_mem>>
        %dma_start3A_250 = arith.constant 0 : i32
        %dma_start3A_251 = tpu.memref_slice %arg7[%add3A_238, %dma_start3A_250] : memref<79x128xi32, #tpu.memory_space<vmem>> -> memref<1x128xi32, #tpu.memory_space<vmem>>
        %dma_start3A_252 = tpu.memref_squeeze %dma_start3A_251 : memref<1x128xi32, #tpu.memory_space<vmem>> -> memref<128xi32, #tpu.memory_space<vmem>>
        %dma_start3A_253 = arith.constant 0 : i32
        %dma_start3A_254 = arith.constant 0 : i32
        %dma_start3A_255 = tpu.memref_slice %arg13[%dma_start3A_253, %dma_start3A_254] : memref<10240x32xf32, #tpu.memory_space<vmem_shared>> -> memref<10240x32xf32, #tpu.memory_space<vmem_shared>>
        tpu.enqueue_indirect_dma source(%arg11 : memref<128x32xf32, #tpu.memory_space<vmem>>) target(%dma_start3A_255 : memref<10240x32xf32, #tpu.memory_space<vmem_shared>>) offsets(%dma_start3A_252 : memref<128xi32, #tpu.memory_space<vmem>>) semaphore(%run_scoped3A_249 : memref<!tpu.dma_semaphore, #tpu.memory_space<semaphore_mem>>) {add = true}
        %dma_wait3A_256 = arith.constant 0 : i32
        %dma_wait3A_257 = tpu.memref_slice %arg7[%add3A_238, %dma_wait3A_256] : memref<79x128xi32, #tpu.memory_space<vmem>> -> memref<1x128xi32, #tpu.memory_space<vmem>>
        %dma_wait3A_258 = tpu.memref_squeeze %dma_wait3A_257 : memref<1x128xi32, #tpu.memory_space<vmem>> -> memref<128xi32, #tpu.memory_space<vmem>>
        %dma_wait3A_259 = arith.constant 0 : i32
        %dma_wait3A_260 = arith.constant 0 : i32
        %dma_wait3A_261 = tpu.memref_slice %arg13[%dma_wait3A_259, %dma_wait3A_260] : memref<10240x32xf32, #tpu.memory_space<vmem_shared>> -> memref<10240x32xf32, #tpu.memory_space<vmem_shared>>
        tpu.wait_indirect_dma semaphore(%run_scoped3A_249 : memref<!tpu.dma_semaphore, #tpu.memory_space<semaphore_mem>>) src(%arg11 : memref<128x32xf32, #tpu.memory_space<vmem>>) dst(%dma_wait3A_261 : memref<10240x32xf32, #tpu.memory_space<vmem_shared>>)
        tpu.yield
      }) : () -> ()
      %add3A_239 = arith.constant 3 : i32
      %add3A_240 = arith.addi %mul3A_168, %add3A_239 : i32
      %add3A_241 = arith.constant 4 : i32
      %add3A_242 = arith.addi %add3A_240, %add3A_241 : i32
      %dma_start3A_243 = arith.constant 0 : i32
      %dma_start3A_244 = tpu.memref_slice %arg6[%add3A_242, %dma_start3A_243] : memref<79x128xi32, #tpu.memory_space<vmem>> -> memref<1x128xi32, #tpu.memory_space<vmem>>
      %dma_start3A_245 = tpu.memref_squeeze %dma_start3A_244 : memref<1x128xi32, #tpu.memory_space<vmem>> -> memref<128xi32, #tpu.memory_space<vmem>>
      %dma_start3A_246 = arith.constant 0 : i32
      %dma_start3A_247 = arith.constant 0 : i32
      %dma_start3A_248 = tpu.memref_slice %arg14[%dma_start3A_246, %dma_start3A_247] : memref<10000x32xf32, #tpu.memory_space<vmem_shared>> -> memref<10000x32xf32, #tpu.memory_space<vmem_shared>>
      tpu.enqueue_indirect_dma source(%dma_start3A_248 : memref<10000x32xf32, #tpu.memory_space<vmem_shared>>) target(%arg11 : memref<128x32xf32, #tpu.memory_space<vmem>>) offsets(%dma_start3A_245 : memref<128xi32, #tpu.memory_space<vmem>>) semaphore(%arg18 : memref<!tpu.dma_semaphore, #tpu.memory_space<semaphore_mem>>)
    }
    %scan3A_65 = arith.constant 18 : i32
    %dma_wait3A = arith.constant 72 : i32
    %dma_wait3A_66 = arith.constant 0 : i32
    %dma_wait3A_67 = tpu.memref_slice %arg6[%dma_wait3A, %dma_wait3A_66] : memref<79x128xi32, #tpu.memory_space<vmem>> -> memref<1x128xi32, #tpu.memory_space<vmem>>
    %dma_wait3A_68 = tpu.memref_squeeze %dma_wait3A_67 : memref<1x128xi32, #tpu.memory_space<vmem>> -> memref<128xi32, #tpu.memory_space<vmem>>
    %dma_wait3A_69 = arith.constant 0 : i32
    %dma_wait3A_70 = arith.constant 0 : i32
    %dma_wait3A_71 = tpu.memref_slice %arg14[%dma_wait3A_69, %dma_wait3A_70] : memref<10000x32xf32, #tpu.memory_space<vmem_shared>> -> memref<10000x32xf32, #tpu.memory_space<vmem_shared>>
    tpu.wait_indirect_dma semaphore(%arg15 : memref<!tpu.dma_semaphore, #tpu.memory_space<semaphore_mem>>) src(%dma_wait3A_71 : memref<10000x32xf32, #tpu.memory_space<vmem_shared>>) dst(%arg8 : memref<128x32xf32, #tpu.memory_space<vmem>>)
    %run_scoped3A = arith.constant 72 : i32
    "tpu.region"() ({
      %run_scoped3A_162 = tpu.sem_alloc : memref<!tpu.dma_semaphore, #tpu.memory_space<semaphore_mem>>
      %dma_start3A_163 = arith.constant 0 : i32
      %dma_start3A_164 = tpu.memref_slice %arg7[%run_scoped3A, %dma_start3A_163] : memref<79x128xi32, #tpu.memory_space<vmem>> -> memref<1x128xi32, #tpu.memory_space<vmem>>
      %dma_start3A_165 = tpu.memref_squeeze %dma_start3A_164 : memref<1x128xi32, #tpu.memory_space<vmem>> -> memref<128xi32, #tpu.memory_space<vmem>>
      %dma_start3A_166 = arith.constant 0 : i32
      %dma_start3A_167 = arith.constant 0 : i32
      %dma_start3A_168 = tpu.memref_slice %arg13[%dma_start3A_166, %dma_start3A_167] : memref<10240x32xf32, #tpu.memory_space<vmem_shared>> -> memref<10240x32xf32, #tpu.memory_space<vmem_shared>>
      tpu.enqueue_indirect_dma source(%arg8 : memref<128x32xf32, #tpu.memory_space<vmem>>) target(%dma_start3A_168 : memref<10240x32xf32, #tpu.memory_space<vmem_shared>>) offsets(%dma_start3A_165 : memref<128xi32, #tpu.memory_space<vmem>>) semaphore(%run_scoped3A_162 : memref<!tpu.dma_semaphore, #tpu.memory_space<semaphore_mem>>) {add = true}
      %dma_wait3A_169 = arith.constant 0 : i32
      %dma_wait3A_170 = tpu.memref_slice %arg7[%run_scoped3A, %dma_wait3A_169] : memref<79x128xi32, #tpu.memory_space<vmem>> -> memref<1x128xi32, #tpu.memory_space<vmem>>
      %dma_wait3A_171 = tpu.memref_squeeze %dma_wait3A_170 : memref<1x128xi32, #tpu.memory_space<vmem>> -> memref<128xi32, #tpu.memory_space<vmem>>
      %dma_wait3A_172 = arith.constant 0 : i32
      %dma_wait3A_173 = arith.constant 0 : i32
      %dma_wait3A_174 = tpu.memref_slice %arg13[%dma_wait3A_172, %dma_wait3A_173] : memref<10240x32xf32, #tpu.memory_space<vmem_shared>> -> memref<10240x32xf32, #tpu.memory_space<vmem_shared>>
      tpu.wait_indirect_dma semaphore(%run_scoped3A_162 : memref<!tpu.dma_semaphore, #tpu.memory_space<semaphore_mem>>) src(%arg8 : memref<128x32xf32, #tpu.memory_space<vmem>>) dst(%dma_wait3A_174 : memref<10240x32xf32, #tpu.memory_space<vmem_shared>>)
      tpu.yield
    }) : () -> ()
    %dma_start3A_72 = arith.constant 76 : i32
    %dma_start3A_73 = arith.constant 0 : i32
    %dma_start3A_74 = tpu.memref_slice %arg6[%dma_start3A_72, %dma_start3A_73] : memref<79x128xi32, #tpu.memory_space<vmem>> -> memref<1x128xi32, #tpu.memory_space<vmem>>
    %dma_start3A_75 = tpu.memref_squeeze %dma_start3A_74 : memref<1x128xi32, #tpu.memory_space<vmem>> -> memref<128xi32, #tpu.memory_space<vmem>>
    %dma_start3A_76 = arith.constant 0 : i32
    %dma_start3A_77 = arith.constant 0 : i32
    %dma_start3A_78 = tpu.memref_slice %arg14[%dma_start3A_76, %dma_start3A_77] : memref<10000x32xf32, #tpu.memory_space<vmem_shared>> -> memref<10000x32xf32, #tpu.memory_space<vmem_shared>>
    tpu.enqueue_indirect_dma source(%dma_start3A_78 : memref<10000x32xf32, #tpu.memory_space<vmem_shared>>) target(%arg8 : memref<128x32xf32, #tpu.memory_space<vmem>>) offsets(%dma_start3A_75 : memref<128xi32, #tpu.memory_space<vmem>>) semaphore(%arg15 : memref<!tpu.dma_semaphore, #tpu.memory_space<semaphore_mem>>)
    %dma_wait3A_79 = arith.constant 73 : i32
    %dma_wait3A_80 = arith.constant 0 : i32
    %dma_wait3A_81 = tpu.memref_slice %arg6[%dma_wait3A_79, %dma_wait3A_80] : memref<79x128xi32, #tpu.memory_space<vmem>> -> memref<1x128xi32, #tpu.memory_space<vmem>>
    %dma_wait3A_82 = tpu.memref_squeeze %dma_wait3A_81 : memref<1x128xi32, #tpu.memory_space<vmem>> -> memref<128xi32, #tpu.memory_space<vmem>>
    %dma_wait3A_83 = arith.constant 0 : i32
    %dma_wait3A_84 = arith.constant 0 : i32
    %dma_wait3A_85 = tpu.memref_slice %arg14[%dma_wait3A_83, %dma_wait3A_84] : memref<10000x32xf32, #tpu.memory_space<vmem_shared>> -> memref<10000x32xf32, #tpu.memory_space<vmem_shared>>
    tpu.wait_indirect_dma semaphore(%arg16 : memref<!tpu.dma_semaphore, #tpu.memory_space<semaphore_mem>>) src(%dma_wait3A_85 : memref<10000x32xf32, #tpu.memory_space<vmem_shared>>) dst(%arg9 : memref<128x32xf32, #tpu.memory_space<vmem>>)
    %run_scoped3A_86 = arith.constant 73 : i32
    "tpu.region"() ({
      %run_scoped3A_162 = tpu.sem_alloc : memref<!tpu.dma_semaphore, #tpu.memory_space<semaphore_mem>>
      %dma_start3A_163 = arith.constant 0 : i32
      %dma_start3A_164 = tpu.memref_slice %arg7[%run_scoped3A_86, %dma_start3A_163] : memref<79x128xi32, #tpu.memory_space<vmem>> -> memref<1x128xi32, #tpu.memory_space<vmem>>
      %dma_start3A_165 = tpu.memref_squeeze %dma_start3A_164 : memref<1x128xi32, #tpu.memory_space<vmem>> -> memref<128xi32, #tpu.memory_space<vmem>>
      %dma_start3A_166 = arith.constant 0 : i32
      %dma_start3A_167 = arith.constant 0 : i32
      %dma_start3A_168 = tpu.memref_slice %arg13[%dma_start3A_166, %dma_start3A_167] : memref<10240x32xf32, #tpu.memory_space<vmem_shared>> -> memref<10240x32xf32, #tpu.memory_space<vmem_shared>>
      tpu.enqueue_indirect_dma source(%arg9 : memref<128x32xf32, #tpu.memory_space<vmem>>) target(%dma_start3A_168 : memref<10240x32xf32, #tpu.memory_space<vmem_shared>>) offsets(%dma_start3A_165 : memref<128xi32, #tpu.memory_space<vmem>>) semaphore(%run_scoped3A_162 : memref<!tpu.dma_semaphore, #tpu.memory_space<semaphore_mem>>) {add = true}
      %dma_wait3A_169 = arith.constant 0 : i32
      %dma_wait3A_170 = tpu.memref_slice %arg7[%run_scoped3A_86, %dma_wait3A_169] : memref<79x128xi32, #tpu.memory_space<vmem>> -> memref<1x128xi32, #tpu.memory_space<vmem>>
      %dma_wait3A_171 = tpu.memref_squeeze %dma_wait3A_170 : memref<1x128xi32, #tpu.memory_space<vmem>> -> memref<128xi32, #tpu.memory_space<vmem>>
      %dma_wait3A_172 = arith.constant 0 : i32
      %dma_wait3A_173 = arith.constant 0 : i32
      %dma_wait3A_174 = tpu.memref_slice %arg13[%dma_wait3A_172, %dma_wait3A_173] : memref<10240x32xf32, #tpu.memory_space<vmem_shared>> -> memref<10240x32xf32, #tpu.memory_space<vmem_shared>>
      tpu.wait_indirect_dma semaphore(%run_scoped3A_162 : memref<!tpu.dma_semaphore, #tpu.memory_space<semaphore_mem>>) src(%arg9 : memref<128x32xf32, #tpu.memory_space<vmem>>) dst(%dma_wait3A_174 : memref<10240x32xf32, #tpu.memory_space<vmem_shared>>)
      tpu.yield
    }) : () -> ()
    %dma_start3A_87 = arith.constant 77 : i32
    %dma_start3A_88 = arith.constant 0 : i32
    %dma_start3A_89 = tpu.memref_slice %arg6[%dma_start3A_87, %dma_start3A_88] : memref<79x128xi32, #tpu.memory_space<vmem>> -> memref<1x128xi32, #tpu.memory_space<vmem>>
    %dma_start3A_90 = tpu.memref_squeeze %dma_start3A_89 : memref<1x128xi32, #tpu.memory_space<vmem>> -> memref<128xi32, #tpu.memory_space<vmem>>
    %dma_start3A_91 = arith.constant 0 : i32
    %dma_start3A_92 = arith.constant 0 : i32
    %dma_start3A_93 = tpu.memref_slice %arg14[%dma_start3A_91, %dma_start3A_92] : memref<10000x32xf32, #tpu.memory_space<vmem_shared>> -> memref<10000x32xf32, #tpu.memory_space<vmem_shared>>
    tpu.enqueue_indirect_dma source(%dma_start3A_93 : memref<10000x32xf32, #tpu.memory_space<vmem_shared>>) target(%arg9 : memref<128x32xf32, #tpu.memory_space<vmem>>) offsets(%dma_start3A_90 : memref<128xi32, #tpu.memory_space<vmem>>) semaphore(%arg16 : memref<!tpu.dma_semaphore, #tpu.memory_space<semaphore_mem>>)
    %dma_wait3A_94 = arith.constant 74 : i32
    %dma_wait3A_95 = arith.constant 0 : i32
    %dma_wait3A_96 = tpu.memref_slice %arg6[%dma_wait3A_94, %dma_wait3A_95] : memref<79x128xi32, #tpu.memory_space<vmem>> -> memref<1x128xi32, #tpu.memory_space<vmem>>
    %dma_wait3A_97 = tpu.memref_squeeze %dma_wait3A_96 : memref<1x128xi32, #tpu.memory_space<vmem>> -> memref<128xi32, #tpu.memory_space<vmem>>
    %dma_wait3A_98 = arith.constant 0 : i32
    %dma_wait3A_99 = arith.constant 0 : i32
    %dma_wait3A_100 = tpu.memref_slice %arg14[%dma_wait3A_98, %dma_wait3A_99] : memref<10000x32xf32, #tpu.memory_space<vmem_shared>> -> memref<10000x32xf32, #tpu.memory_space<vmem_shared>>
    tpu.wait_indirect_dma semaphore(%arg17 : memref<!tpu.dma_semaphore, #tpu.memory_space<semaphore_mem>>) src(%dma_wait3A_100 : memref<10000x32xf32, #tpu.memory_space<vmem_shared>>) dst(%arg10 : memref<128x32xf32, #tpu.memory_space<vmem>>)
    %run_scoped3A_101 = arith.constant 74 : i32
    "tpu.region"() ({
      %run_scoped3A_162 = tpu.sem_alloc : memref<!tpu.dma_semaphore, #tpu.memory_space<semaphore_mem>>
      %dma_start3A_163 = arith.constant 0 : i32
      %dma_start3A_164 = tpu.memref_slice %arg7[%run_scoped3A_101, %dma_start3A_163] : memref<79x128xi32, #tpu.memory_space<vmem>> -> memref<1x128xi32, #tpu.memory_space<vmem>>
      %dma_start3A_165 = tpu.memref_squeeze %dma_start3A_164 : memref<1x128xi32, #tpu.memory_space<vmem>> -> memref<128xi32, #tpu.memory_space<vmem>>
      %dma_start3A_166 = arith.constant 0 : i32
      %dma_start3A_167 = arith.constant 0 : i32
      %dma_start3A_168 = tpu.memref_slice %arg13[%dma_start3A_166, %dma_start3A_167] : memref<10240x32xf32, #tpu.memory_space<vmem_shared>> -> memref<10240x32xf32, #tpu.memory_space<vmem_shared>>
      tpu.enqueue_indirect_dma source(%arg10 : memref<128x32xf32, #tpu.memory_space<vmem>>) target(%dma_start3A_168 : memref<10240x32xf32, #tpu.memory_space<vmem_shared>>) offsets(%dma_start3A_165 : memref<128xi32, #tpu.memory_space<vmem>>) semaphore(%run_scoped3A_162 : memref<!tpu.dma_semaphore, #tpu.memory_space<semaphore_mem>>) {add = true}
      %dma_wait3A_169 = arith.constant 0 : i32
      %dma_wait3A_170 = tpu.memref_slice %arg7[%run_scoped3A_101, %dma_wait3A_169] : memref<79x128xi32, #tpu.memory_space<vmem>> -> memref<1x128xi32, #tpu.memory_space<vmem>>
      %dma_wait3A_171 = tpu.memref_squeeze %dma_wait3A_170 : memref<1x128xi32, #tpu.memory_space<vmem>> -> memref<128xi32, #tpu.memory_space<vmem>>
      %dma_wait3A_172 = arith.constant 0 : i32
      %dma_wait3A_173 = arith.constant 0 : i32
      %dma_wait3A_174 = tpu.memref_slice %arg13[%dma_wait3A_172, %dma_wait3A_173] : memref<10240x32xf32, #tpu.memory_space<vmem_shared>> -> memref<10240x32xf32, #tpu.memory_space<vmem_shared>>
      tpu.wait_indirect_dma semaphore(%run_scoped3A_162 : memref<!tpu.dma_semaphore, #tpu.memory_space<semaphore_mem>>) src(%arg10 : memref<128x32xf32, #tpu.memory_space<vmem>>) dst(%dma_wait3A_174 : memref<10240x32xf32, #tpu.memory_space<vmem_shared>>)
      tpu.yield
    }) : () -> ()
    %dma_start3A_102 = arith.constant 78 : i32
    %dma_start3A_103 = arith.constant 0 : i32
    %dma_start3A_104 = tpu.memref_slice %arg6[%dma_start3A_102, %dma_start3A_103] : memref<79x128xi32, #tpu.memory_space<vmem>> -> memref<1x128xi32, #tpu.memory_space<vmem>>
    %dma_start3A_105 = tpu.memref_squeeze %dma_start3A_104 : memref<1x128xi32, #tpu.memory_space<vmem>> -> memref<128xi32, #tpu.memory_space<vmem>>
    %dma_start3A_106 = arith.constant 0 : i32
    %dma_start3A_107 = arith.constant 0 : i32
    %dma_start3A_108 = tpu.memref_slice %arg14[%dma_start3A_106, %dma_start3A_107] : memref<10000x32xf32, #tpu.memory_space<vmem_shared>> -> memref<10000x32xf32, #tpu.memory_space<vmem_shared>>
    tpu.enqueue_indirect_dma source(%dma_start3A_108 : memref<10000x32xf32, #tpu.memory_space<vmem_shared>>) target(%arg10 : memref<128x32xf32, #tpu.memory_space<vmem>>) offsets(%dma_start3A_105 : memref<128xi32, #tpu.memory_space<vmem>>) semaphore(%arg17 : memref<!tpu.dma_semaphore, #tpu.memory_space<semaphore_mem>>)
    %dma_wait3A_109 = arith.constant 75 : i32
    %dma_wait3A_110 = arith.constant 0 : i32
    %dma_wait3A_111 = tpu.memref_slice %arg6[%dma_wait3A_109, %dma_wait3A_110] : memref<79x128xi32, #tpu.memory_space<vmem>> -> memref<1x128xi32, #tpu.memory_space<vmem>>
    %dma_wait3A_112 = tpu.memref_squeeze %dma_wait3A_111 : memref<1x128xi32, #tpu.memory_space<vmem>> -> memref<128xi32, #tpu.memory_space<vmem>>
    %dma_wait3A_113 = arith.constant 0 : i32
    %dma_wait3A_114 = arith.constant 0 : i32
    %dma_wait3A_115 = tpu.memref_slice %arg14[%dma_wait3A_113, %dma_wait3A_114] : memref<10000x32xf32, #tpu.memory_space<vmem_shared>> -> memref<10000x32xf32, #tpu.memory_space<vmem_shared>>
    tpu.wait_indirect_dma semaphore(%arg18 : memref<!tpu.dma_semaphore, #tpu.memory_space<semaphore_mem>>) src(%dma_wait3A_115 : memref<10000x32xf32, #tpu.memory_space<vmem_shared>>) dst(%arg11 : memref<128x32xf32, #tpu.memory_space<vmem>>)
    %run_scoped3A_116 = arith.constant 75 : i32
    "tpu.region"() ({
      %run_scoped3A_162 = tpu.sem_alloc : memref<!tpu.dma_semaphore, #tpu.memory_space<semaphore_mem>>
      %dma_start3A_163 = arith.constant 0 : i32
      %dma_start3A_164 = tpu.memref_slice %arg7[%run_scoped3A_116, %dma_start3A_163] : memref<79x128xi32, #tpu.memory_space<vmem>> -> memref<1x128xi32, #tpu.memory_space<vmem>>
      %dma_start3A_165 = tpu.memref_squeeze %dma_start3A_164 : memref<1x128xi32, #tpu.memory_space<vmem>> -> memref<128xi32, #tpu.memory_space<vmem>>
      %dma_start3A_166 = arith.constant 0 : i32
      %dma_start3A_167 = arith.constant 0 : i32
      %dma_start3A_168 = tpu.memref_slice %arg13[%dma_start3A_166, %dma_start3A_167] : memref<10240x32xf32, #tpu.memory_space<vmem_shared>> -> memref<10240x32xf32, #tpu.memory_space<vmem_shared>>
      tpu.enqueue_indirect_dma source(%arg11 : memref<128x32xf32, #tpu.memory_space<vmem>>) target(%dma_start3A_168 : memref<10240x32xf32, #tpu.memory_space<vmem_shared>>) offsets(%dma_start3A_165 : memref<128xi32, #tpu.memory_space<vmem>>) semaphore(%run_scoped3A_162 : memref<!tpu.dma_semaphore, #tpu.memory_space<semaphore_mem>>) {add = true}
      %dma_wait3A_169 = arith.constant 0 : i32
      %dma_wait3A_170 = tpu.memref_slice %arg7[%run_scoped3A_116, %dma_wait3A_169] : memref<79x128xi32, #tpu.memory_space<vmem>> -> memref<1x128xi32, #tpu.memory_space<vmem>>
      %dma_wait3A_171 = tpu.memref_squeeze %dma_wait3A_170 : memref<1x128xi32, #tpu.memory_space<vmem>> -> memref<128xi32, #tpu.memory_space<vmem>>
      %dma_wait3A_172 = arith.constant 0 : i32
      %dma_wait3A_173 = arith.constant 0 : i32
      %dma_wait3A_174 = tpu.memref_slice %arg13[%dma_wait3A_172, %dma_wait3A_173] : memref<10240x32xf32, #tpu.memory_space<vmem_shared>> -> memref<10240x32xf32, #tpu.memory_space<vmem_shared>>
      tpu.wait_indirect_dma semaphore(%run_scoped3A_162 : memref<!tpu.dma_semaphore, #tpu.memory_space<semaphore_mem>>) src(%arg11 : memref<128x32xf32, #tpu.memory_space<vmem>>) dst(%dma_wait3A_174 : memref<10240x32xf32, #tpu.memory_space<vmem_shared>>)
      tpu.yield
    }) : () -> ()
    %dma_wait3A_117 = arith.constant 76 : i32
    %dma_wait3A_118 = arith.constant 0 : i32
    %dma_wait3A_119 = tpu.memref_slice %arg6[%dma_wait3A_117, %dma_wait3A_118] : memref<79x128xi32, #tpu.memory_space<vmem>> -> memref<1x128xi32, #tpu.memory_space<vmem>>
    %dma_wait3A_120 = tpu.memref_squeeze %dma_wait3A_119 : memref<1x128xi32, #tpu.memory_space<vmem>> -> memref<128xi32, #tpu.memory_space<vmem>>
    %dma_wait3A_121 = arith.constant 0 : i32
    %dma_wait3A_122 = arith.constant 0 : i32
    %dma_wait3A_123 = tpu.memref_slice %arg14[%dma_wait3A_121, %dma_wait3A_122] : memref<10000x32xf32, #tpu.memory_space<vmem_shared>> -> memref<10000x32xf32, #tpu.memory_space<vmem_shared>>
    tpu.wait_indirect_dma semaphore(%arg15 : memref<!tpu.dma_semaphore, #tpu.memory_space<semaphore_mem>>) src(%dma_wait3A_123 : memref<10000x32xf32, #tpu.memory_space<vmem_shared>>) dst(%arg8 : memref<128x32xf32, #tpu.memory_space<vmem>>)
    %run_scoped3A_124 = arith.constant 76 : i32
    "tpu.region"() ({
      %run_scoped3A_162 = tpu.sem_alloc : memref<!tpu.dma_semaphore, #tpu.memory_space<semaphore_mem>>
      %dma_start3A_163 = arith.constant 0 : i32
      %dma_start3A_164 = tpu.memref_slice %arg7[%run_scoped3A_124, %dma_start3A_163] : memref<79x128xi32, #tpu.memory_space<vmem>> -> memref<1x128xi32, #tpu.memory_space<vmem>>
      %dma_start3A_165 = tpu.memref_squeeze %dma_start3A_164 : memref<1x128xi32, #tpu.memory_space<vmem>> -> memref<128xi32, #tpu.memory_space<vmem>>
      %dma_start3A_166 = arith.constant 0 : i32
      %dma_start3A_167 = arith.constant 0 : i32
      %dma_start3A_168 = tpu.memref_slice %arg13[%dma_start3A_166, %dma_start3A_167] : memref<10240x32xf32, #tpu.memory_space<vmem_shared>> -> memref<10240x32xf32, #tpu.memory_space<vmem_shared>>
      tpu.enqueue_indirect_dma source(%arg8 : memref<128x32xf32, #tpu.memory_space<vmem>>) target(%dma_start3A_168 : memref<10240x32xf32, #tpu.memory_space<vmem_shared>>) offsets(%dma_start3A_165 : memref<128xi32, #tpu.memory_space<vmem>>) semaphore(%run_scoped3A_162 : memref<!tpu.dma_semaphore, #tpu.memory_space<semaphore_mem>>) {add = true}
      %dma_wait3A_169 = arith.constant 0 : i32
      %dma_wait3A_170 = tpu.memref_slice %arg7[%run_scoped3A_124, %dma_wait3A_169] : memref<79x128xi32, #tpu.memory_space<vmem>> -> memref<1x128xi32, #tpu.memory_space<vmem>>
      %dma_wait3A_171 = tpu.memref_squeeze %dma_wait3A_170 : memref<1x128xi32, #tpu.memory_space<vmem>> -> memref<128xi32, #tpu.memory_space<vmem>>
      %dma_wait3A_172 = arith.constant 0 : i32
      %dma_wait3A_173 = arith.constant 0 : i32
      %dma_wait3A_174 = tpu.memref_slice %arg13[%dma_wait3A_172, %dma_wait3A_173] : memref<10240x32xf32, #tpu.memory_space<vmem_shared>> -> memref<10240x32xf32, #tpu.memory_space<vmem_shared>>
      tpu.wait_indirect_dma semaphore(%run_scoped3A_162 : memref<!tpu.dma_semaphore, #tpu.memory_space<semaphore_mem>>) src(%arg8 : memref<128x32xf32, #tpu.memory_space<vmem>>) dst(%dma_wait3A_174 : memref<10240x32xf32, #tpu.memory_space<vmem_shared>>)
      tpu.yield
    }) : () -> ()
    %dma_wait3A_125 = arith.constant 77 : i32
    %dma_wait3A_126 = arith.constant 0 : i32
    %dma_wait3A_127 = tpu.memref_slice %arg6[%dma_wait3A_125, %dma_wait3A_126] : memref<79x128xi32, #tpu.memory_space<vmem>> -> memref<1x128xi32, #tpu.memory_space<vmem>>
    %dma_wait3A_128 = tpu.memref_squeeze %dma_wait3A_127 : memref<1x128xi32, #tpu.memory_space<vmem>> -> memref<128xi32, #tpu.memory_space<vmem>>
    %dma_wait3A_129 = arith.constant 0 : i32
    %dma_wait3A_130 = arith.constant 0 : i32
    %dma_wait3A_131 = tpu.memref_slice %arg14[%dma_wait3A_129, %dma_wait3A_130] : memref<10000x32xf32, #tpu.memory_space<vmem_shared>> -> memref<10000x32xf32, #tpu.memory_space<vmem_shared>>
    tpu.wait_indirect_dma semaphore(%arg16 : memref<!tpu.dma_semaphore, #tpu.memory_space<semaphore_mem>>) src(%dma_wait3A_131 : memref<10000x32xf32, #tpu.memory_space<vmem_shared>>) dst(%arg9 : memref<128x32xf32, #tpu.memory_space<vmem>>)
    %run_scoped3A_132 = arith.constant 77 : i32
    "tpu.region"() ({
      %run_scoped3A_162 = tpu.sem_alloc : memref<!tpu.dma_semaphore, #tpu.memory_space<semaphore_mem>>
      %dma_start3A_163 = arith.constant 0 : i32
      %dma_start3A_164 = tpu.memref_slice %arg7[%run_scoped3A_132, %dma_start3A_163] : memref<79x128xi32, #tpu.memory_space<vmem>> -> memref<1x128xi32, #tpu.memory_space<vmem>>
      %dma_start3A_165 = tpu.memref_squeeze %dma_start3A_164 : memref<1x128xi32, #tpu.memory_space<vmem>> -> memref<128xi32, #tpu.memory_space<vmem>>
      %dma_start3A_166 = arith.constant 0 : i32
      %dma_start3A_167 = arith.constant 0 : i32
      %dma_start3A_168 = tpu.memref_slice %arg13[%dma_start3A_166, %dma_start3A_167] : memref<10240x32xf32, #tpu.memory_space<vmem_shared>> -> memref<10240x32xf32, #tpu.memory_space<vmem_shared>>
      tpu.enqueue_indirect_dma source(%arg9 : memref<128x32xf32, #tpu.memory_space<vmem>>) target(%dma_start3A_168 : memref<10240x32xf32, #tpu.memory_space<vmem_shared>>) offsets(%dma_start3A_165 : memref<128xi32, #tpu.memory_space<vmem>>) semaphore(%run_scoped3A_162 : memref<!tpu.dma_semaphore, #tpu.memory_space<semaphore_mem>>) {add = true}
      %dma_wait3A_169 = arith.constant 0 : i32
      %dma_wait3A_170 = tpu.memref_slice %arg7[%run_scoped3A_132, %dma_wait3A_169] : memref<79x128xi32, #tpu.memory_space<vmem>> -> memref<1x128xi32, #tpu.memory_space<vmem>>
      %dma_wait3A_171 = tpu.memref_squeeze %dma_wait3A_170 : memref<1x128xi32, #tpu.memory_space<vmem>> -> memref<128xi32, #tpu.memory_space<vmem>>
      %dma_wait3A_172 = arith.constant 0 : i32
      %dma_wait3A_173 = arith.constant 0 : i32
      %dma_wait3A_174 = tpu.memref_slice %arg13[%dma_wait3A_172, %dma_wait3A_173] : memref<10240x32xf32, #tpu.memory_space<vmem_shared>> -> memref<10240x32xf32, #tpu.memory_space<vmem_shared>>
      tpu.wait_indirect_dma semaphore(%run_scoped3A_162 : memref<!tpu.dma_semaphore, #tpu.memory_space<semaphore_mem>>) src(%arg9 : memref<128x32xf32, #tpu.memory_space<vmem>>) dst(%dma_wait3A_174 : memref<10240x32xf32, #tpu.memory_space<vmem_shared>>)
      tpu.yield
    }) : () -> ()
    %dma_wait3A_133 = arith.constant 78 : i32
    %dma_wait3A_134 = arith.constant 0 : i32
    %dma_wait3A_135 = tpu.memref_slice %arg6[%dma_wait3A_133, %dma_wait3A_134] : memref<79x128xi32, #tpu.memory_space<vmem>> -> memref<1x128xi32, #tpu.memory_space<vmem>>
    %dma_wait3A_136 = tpu.memref_squeeze %dma_wait3A_135 : memref<1x128xi32, #tpu.memory_space<vmem>> -> memref<128xi32, #tpu.memory_space<vmem>>
    %dma_wait3A_137 = arith.constant 0 : i32
    %dma_wait3A_138 = arith.constant 0 : i32
    %dma_wait3A_139 = tpu.memref_slice %arg14[%dma_wait3A_137, %dma_wait3A_138] : memref<10000x32xf32, #tpu.memory_space<vmem_shared>> -> memref<10000x32xf32, #tpu.memory_space<vmem_shared>>
    tpu.wait_indirect_dma semaphore(%arg17 : memref<!tpu.dma_semaphore, #tpu.memory_space<semaphore_mem>>) src(%dma_wait3A_139 : memref<10000x32xf32, #tpu.memory_space<vmem_shared>>) dst(%arg10 : memref<128x32xf32, #tpu.memory_space<vmem>>)
    %run_scoped3A_140 = arith.constant 78 : i32
    "tpu.region"() ({
      %run_scoped3A_162 = tpu.sem_alloc : memref<!tpu.dma_semaphore, #tpu.memory_space<semaphore_mem>>
      %dma_start3A_163 = arith.constant 0 : i32
      %dma_start3A_164 = tpu.memref_slice %arg7[%run_scoped3A_140, %dma_start3A_163] : memref<79x128xi32, #tpu.memory_space<vmem>> -> memref<1x128xi32, #tpu.memory_space<vmem>>
      %dma_start3A_165 = tpu.memref_squeeze %dma_start3A_164 : memref<1x128xi32, #tpu.memory_space<vmem>> -> memref<128xi32, #tpu.memory_space<vmem>>
      %dma_start3A_166 = arith.constant 0 : i32
      %dma_start3A_167 = arith.constant 0 : i32
      %dma_start3A_168 = tpu.memref_slice %arg13[%dma_start3A_166, %dma_start3A_167] : memref<10240x32xf32, #tpu.memory_space<vmem_shared>> -> memref<10240x32xf32, #tpu.memory_space<vmem_shared>>
      tpu.enqueue_indirect_dma source(%arg10 : memref<128x32xf32, #tpu.memory_space<vmem>>) target(%dma_start3A_168 : memref<10240x32xf32, #tpu.memory_space<vmem_shared>>) offsets(%dma_start3A_165 : memref<128xi32, #tpu.memory_space<vmem>>) semaphore(%run_scoped3A_162 : memref<!tpu.dma_semaphore, #tpu.memory_space<semaphore_mem>>) {add = true}
      %dma_wait3A_169 = arith.constant 0 : i32
      %dma_wait3A_170 = tpu.memref_slice %arg7[%run_scoped3A_140, %dma_wait3A_169] : memref<79x128xi32, #tpu.memory_space<vmem>> -> memref<1x128xi32, #tpu.memory_space<vmem>>
      %dma_wait3A_171 = tpu.memref_squeeze %dma_wait3A_170 : memref<1x128xi32, #tpu.memory_space<vmem>> -> memref<128xi32, #tpu.memory_space<vmem>>
      %dma_wait3A_172 = arith.constant 0 : i32
      %dma_wait3A_173 = arith.constant 0 : i32
      %dma_wait3A_174 = tpu.memref_slice %arg13[%dma_wait3A_172, %dma_wait3A_173] : memref<10240x32xf32, #tpu.memory_space<vmem_shared>> -> memref<10240x32xf32, #tpu.memory_space<vmem_shared>>
      tpu.wait_indirect_dma semaphore(%run_scoped3A_162 : memref<!tpu.dma_semaphore, #tpu.memory_space<semaphore_mem>>) src(%arg10 : memref<128x32xf32, #tpu.memory_space<vmem>>) dst(%dma_wait3A_174 : memref<10240x32xf32, #tpu.memory_space<vmem_shared>>)
      tpu.yield
    }) : () -> ()
    %barrier3A_141 = arith.constant 0 : index
    tpu.barrier barrier_id(%barrier3A_141)
    %mul3A_142 = arith.constant 640 : i32
    %mul3A_143 = arith.muli %arg1, %mul3A_142 : i32
    %add3A_144 = arith.constant 0 : i32
    %add3A_145 = arith.addi %mul3A_143, %add3A_144 : i32
    "tpu.region"() ({
      %run_scoped3A_162 = tpu.sem_alloc : memref<!tpu.dma_semaphore, #tpu.memory_space<semaphore_mem>>
      %dma_start3A_163 = arith.constant 0 : i32
      %dma_start3A_164 = tpu.memref_slice %arg13[%add3A_145, %dma_start3A_163] : memref<10240x32xf32, #tpu.memory_space<vmem_shared>> -> memref<128x32xf32, #tpu.memory_space<vmem_shared>>
      %dma_start3A_165 = arith.constant 0 : i32
      %dma_start3A_166 = tpu.memref_slice %arg13[%add3A_145, %dma_start3A_165] : memref<10240x32xf32, #tpu.memory_space<vmem_shared>> -> memref<128x32xf32, #tpu.memory_space<vmem_shared>>
      tpu.enqueue_dma source(%dma_start3A_166 : memref<128x32xf32, #tpu.memory_space<vmem_shared>>) target(%arg8 : memref<128x32xf32, #tpu.memory_space<vmem>>) target_semaphore(%run_scoped3A_162 : memref<!tpu.dma_semaphore, #tpu.memory_space<semaphore_mem>>)
      %dma_wait3A_167 = arith.constant 0 : i32
      %dma_wait3A_168 = tpu.memref_slice %arg13[%add3A_145, %dma_wait3A_167] : memref<10240x32xf32, #tpu.memory_space<vmem_shared>> -> memref<128x32xf32, #tpu.memory_space<vmem_shared>>
      %dma_wait3A_169 = arith.constant 0 : i32
      %dma_wait3A_170 = tpu.memref_slice %arg13[%add3A_145, %dma_wait3A_169] : memref<10240x32xf32, #tpu.memory_space<vmem_shared>> -> memref<128x32xf32, #tpu.memory_space<vmem_shared>>
      tpu.wait_dma2 semaphore(%run_scoped3A_162 : memref<!tpu.dma_semaphore, #tpu.memory_space<semaphore_mem>>) src(%dma_wait3A_170 : memref<128x32xf32, #tpu.memory_space<vmem_shared>>) dst(%arg8 : memref<128x32xf32, #tpu.memory_space<vmem>>)
      tpu.yield
    }) : () -> ()
    "tpu.region"() ({
      %run_scoped3A_162 = tpu.sem_alloc : memref<!tpu.dma_semaphore, #tpu.memory_space<semaphore_mem>>
      %dma_start3A_163 = arith.constant 0 : i32
      %dma_start3A_164 = tpu.memref_slice %arg5[%arg0, %add3A_145, %dma_start3A_163] : memref<2x10240x32xf32, #tpu.memory_space<hbm>> -> memref<1x128x32xf32, #tpu.memory_space<hbm>>
      %dma_start3A_165 = tpu.memref_squeeze %dma_start3A_164 : memref<1x128x32xf32, #tpu.memory_space<hbm>> -> memref<128x32xf32, #tpu.memory_space<hbm>>
      %dma_start3A_166 = arith.constant 0 : i32
      %dma_start3A_167 = tpu.memref_slice %arg5[%arg0, %add3A_145, %dma_start3A_166] : memref<2x10240x32xf32, #tpu.memory_space<hbm>> -> memref<1x128x32xf32, #tpu.memory_space<hbm>>
      %dma_start3A_168 = tpu.memref_squeeze %dma_start3A_167 : memref<1x128x32xf32, #tpu.memory_space<hbm>> -> memref<128x32xf32, #tpu.memory_space<hbm>>
      tpu.enqueue_dma source(%arg8 : memref<128x32xf32, #tpu.memory_space<vmem>>) target(%dma_start3A_168 : memref<128x32xf32, #tpu.memory_space<hbm>>) target_semaphore(%run_scoped3A_162 : memref<!tpu.dma_semaphore, #tpu.memory_space<semaphore_mem>>)
      %dma_wait3A_169 = arith.constant 0 : i32
      %dma_wait3A_170 = tpu.memref_slice %arg5[%arg0, %add3A_145, %dma_wait3A_169] : memref<2x10240x32xf32, #tpu.memory_space<hbm>> -> memref<1x128x32xf32, #tpu.memory_space<hbm>>
      %dma_wait3A_171 = tpu.memref_squeeze %dma_wait3A_170 : memref<1x128x32xf32, #tpu.memory_space<hbm>> -> memref<128x32xf32, #tpu.memory_space<hbm>>
      %dma_wait3A_172 = arith.constant 0 : i32
      %dma_wait3A_173 = tpu.memref_slice %arg5[%arg0, %add3A_145, %dma_wait3A_172] : memref<2x10240x32xf32, #tpu.memory_space<hbm>> -> memref<1x128x32xf32, #tpu.memory_space<hbm>>
      %dma_wait3A_174 = tpu.memref_squeeze %dma_wait3A_173 : memref<1x128x32xf32, #tpu.memory_space<hbm>> -> memref<128x32xf32, #tpu.memory_space<hbm>>
      tpu.wait_dma2 semaphore(%run_scoped3A_162 : memref<!tpu.dma_semaphore, #tpu.memory_space<semaphore_mem>>) src(%arg8 : memref<128x32xf32, #tpu.memory_space<vmem>>) dst(%dma_wait3A_174 : memref<128x32xf32, #tpu.memory_space<hbm>>)
      tpu.yield
    }) : () -> ()
    %mul3A_146 = arith.constant 640 : i32
    %mul3A_147 = arith.muli %arg1, %mul3A_146 : i32
    %add3A_148 = arith.constant 128 : i32
    %add3A_149 = arith.addi %mul3A_147, %add3A_148 : i32
    "tpu.region"() ({
      %run_scoped3A_162 = tpu.sem_alloc : memref<!tpu.dma_semaphore, #tpu.memory_space<semaphore_mem>>
      %dma_start3A_163 = arith.constant 0 : i32
      %dma_start3A_164 = tpu.memref_slice %arg13[%add3A_149, %dma_start3A_163] : memref<10240x32xf32, #tpu.memory_space<vmem_shared>> -> memref<128x32xf32, #tpu.memory_space<vmem_shared>>
      %dma_start3A_165 = arith.constant 0 : i32
      %dma_start3A_166 = tpu.memref_slice %arg13[%add3A_149, %dma_start3A_165] : memref<10240x32xf32, #tpu.memory_space<vmem_shared>> -> memref<128x32xf32, #tpu.memory_space<vmem_shared>>
      tpu.enqueue_dma source(%dma_start3A_166 : memref<128x32xf32, #tpu.memory_space<vmem_shared>>) target(%arg8 : memref<128x32xf32, #tpu.memory_space<vmem>>) target_semaphore(%run_scoped3A_162 : memref<!tpu.dma_semaphore, #tpu.memory_space<semaphore_mem>>)
      %dma_wait3A_167 = arith.constant 0 : i32
      %dma_wait3A_168 = tpu.memref_slice %arg13[%add3A_149, %dma_wait3A_167] : memref<10240x32xf32, #tpu.memory_space<vmem_shared>> -> memref<128x32xf32, #tpu.memory_space<vmem_shared>>
      %dma_wait3A_169 = arith.constant 0 : i32
      %dma_wait3A_170 = tpu.memref_slice %arg13[%add3A_149, %dma_wait3A_169] : memref<10240x32xf32, #tpu.memory_space<vmem_shared>> -> memref<128x32xf32, #tpu.memory_space<vmem_shared>>
      tpu.wait_dma2 semaphore(%run_scoped3A_162 : memref<!tpu.dma_semaphore, #tpu.memory_space<semaphore_mem>>) src(%dma_wait3A_170 : memref<128x32xf32, #tpu.memory_space<vmem_shared>>) dst(%arg8 : memref<128x32xf32, #tpu.memory_space<vmem>>)
      tpu.yield
    }) : () -> ()
    "tpu.region"() ({
      %run_scoped3A_162 = tpu.sem_alloc : memref<!tpu.dma_semaphore, #tpu.memory_space<semaphore_mem>>
      %dma_start3A_163 = arith.constant 0 : i32
      %dma_start3A_164 = tpu.memref_slice %arg5[%arg0, %add3A_149, %dma_start3A_163] : memref<2x10240x32xf32, #tpu.memory_space<hbm>> -> memref<1x128x32xf32, #tpu.memory_space<hbm>>
      %dma_start3A_165 = tpu.memref_squeeze %dma_start3A_164 : memref<1x128x32xf32, #tpu.memory_space<hbm>> -> memref<128x32xf32, #tpu.memory_space<hbm>>
      %dma_start3A_166 = arith.constant 0 : i32
      %dma_start3A_167 = tpu.memref_slice %arg5[%arg0, %add3A_149, %dma_start3A_166] : memref<2x10240x32xf32, #tpu.memory_space<hbm>> -> memref<1x128x32xf32, #tpu.memory_space<hbm>>
      %dma_start3A_168 = tpu.memref_squeeze %dma_start3A_167 : memref<1x128x32xf32, #tpu.memory_space<hbm>> -> memref<128x32xf32, #tpu.memory_space<hbm>>
      tpu.enqueue_dma source(%arg8 : memref<128x32xf32, #tpu.memory_space<vmem>>) target(%dma_start3A_168 : memref<128x32xf32, #tpu.memory_space<hbm>>) target_semaphore(%run_scoped3A_162 : memref<!tpu.dma_semaphore, #tpu.memory_space<semaphore_mem>>)
      %dma_wait3A_169 = arith.constant 0 : i32
      %dma_wait3A_170 = tpu.memref_slice %arg5[%arg0, %add3A_149, %dma_wait3A_169] : memref<2x10240x32xf32, #tpu.memory_space<hbm>> -> memref<1x128x32xf32, #tpu.memory_space<hbm>>
      %dma_wait3A_171 = tpu.memref_squeeze %dma_wait3A_170 : memref<1x128x32xf32, #tpu.memory_space<hbm>> -> memref<128x32xf32, #tpu.memory_space<hbm>>
      %dma_wait3A_172 = arith.constant 0 : i32
      %dma_wait3A_173 = tpu.memref_slice %arg5[%arg0, %add3A_149, %dma_wait3A_172] : memref<2x10240x32xf32, #tpu.memory_space<hbm>> -> memref<1x128x32xf32, #tpu.memory_space<hbm>>
      %dma_wait3A_174 = tpu.memref_squeeze %dma_wait3A_173 : memref<1x128x32xf32, #tpu.memory_space<hbm>> -> memref<128x32xf32, #tpu.memory_space<hbm>>
      tpu.wait_dma2 semaphore(%run_scoped3A_162 : memref<!tpu.dma_semaphore, #tpu.memory_space<semaphore_mem>>) src(%arg8 : memref<128x32xf32, #tpu.memory_space<vmem>>) dst(%dma_wait3A_174 : memref<128x32xf32, #tpu.memory_space<hbm>>)
      tpu.yield
    }) : () -> ()
    %mul3A_150 = arith.constant 640 : i32
    %mul3A_151 = arith.muli %arg1, %mul3A_150 : i32
    %add3A_152 = arith.constant 256 : i32
    %add3A_153 = arith.addi %mul3A_151, %add3A_152 : i32
    "tpu.region"() ({
      %run_scoped3A_162 = tpu.sem_alloc : memref<!tpu.dma_semaphore, #tpu.memory_space<semaphore_mem>>
      %dma_start3A_163 = arith.constant 0 : i32
      %dma_start3A_164 = tpu.memref_slice %arg13[%add3A_153, %dma_start3A_163] : memref<10240x32xf32, #tpu.memory_space<vmem_shared>> -> memref<128x32xf32, #tpu.memory_space<vmem_shared>>
      %dma_start3A_165 = arith.constant 0 : i32
      %dma_start3A_166 = tpu.memref_slice %arg13[%add3A_153, %dma_start3A_165] : memref<10240x32xf32, #tpu.memory_space<vmem_shared>> -> memref<128x32xf32, #tpu.memory_space<vmem_shared>>
      tpu.enqueue_dma source(%dma_start3A_166 : memref<128x32xf32, #tpu.memory_space<vmem_shared>>) target(%arg8 : memref<128x32xf32, #tpu.memory_space<vmem>>) target_semaphore(%run_scoped3A_162 : memref<!tpu.dma_semaphore, #tpu.memory_space<semaphore_mem>>)
      %dma_wait3A_167 = arith.constant 0 : i32
      %dma_wait3A_168 = tpu.memref_slice %arg13[%add3A_153, %dma_wait3A_167] : memref<10240x32xf32, #tpu.memory_space<vmem_shared>> -> memref<128x32xf32, #tpu.memory_space<vmem_shared>>
      %dma_wait3A_169 = arith.constant 0 : i32
      %dma_wait3A_170 = tpu.memref_slice %arg13[%add3A_153, %dma_wait3A_169] : memref<10240x32xf32, #tpu.memory_space<vmem_shared>> -> memref<128x32xf32, #tpu.memory_space<vmem_shared>>
      tpu.wait_dma2 semaphore(%run_scoped3A_162 : memref<!tpu.dma_semaphore, #tpu.memory_space<semaphore_mem>>) src(%dma_wait3A_170 : memref<128x32xf32, #tpu.memory_space<vmem_shared>>) dst(%arg8 : memref<128x32xf32, #tpu.memory_space<vmem>>)
      tpu.yield
    }) : () -> ()
    "tpu.region"() ({
      %run_scoped3A_162 = tpu.sem_alloc : memref<!tpu.dma_semaphore, #tpu.memory_space<semaphore_mem>>
      %dma_start3A_163 = arith.constant 0 : i32
      %dma_start3A_164 = tpu.memref_slice %arg5[%arg0, %add3A_153, %dma_start3A_163] : memref<2x10240x32xf32, #tpu.memory_space<hbm>> -> memref<1x128x32xf32, #tpu.memory_space<hbm>>
      %dma_start3A_165 = tpu.memref_squeeze %dma_start3A_164 : memref<1x128x32xf32, #tpu.memory_space<hbm>> -> memref<128x32xf32, #tpu.memory_space<hbm>>
      %dma_start3A_166 = arith.constant 0 : i32
      %dma_start3A_167 = tpu.memref_slice %arg5[%arg0, %add3A_153, %dma_start3A_166] : memref<2x10240x32xf32, #tpu.memory_space<hbm>> -> memref<1x128x32xf32, #tpu.memory_space<hbm>>
      %dma_start3A_168 = tpu.memref_squeeze %dma_start3A_167 : memref<1x128x32xf32, #tpu.memory_space<hbm>> -> memref<128x32xf32, #tpu.memory_space<hbm>>
      tpu.enqueue_dma source(%arg8 : memref<128x32xf32, #tpu.memory_space<vmem>>) target(%dma_start3A_168 : memref<128x32xf32, #tpu.memory_space<hbm>>) target_semaphore(%run_scoped3A_162 : memref<!tpu.dma_semaphore, #tpu.memory_space<semaphore_mem>>)
      %dma_wait3A_169 = arith.constant 0 : i32
      %dma_wait3A_170 = tpu.memref_slice %arg5[%arg0, %add3A_153, %dma_wait3A_169] : memref<2x10240x32xf32, #tpu.memory_space<hbm>> -> memref<1x128x32xf32, #tpu.memory_space<hbm>>
      %dma_wait3A_171 = tpu.memref_squeeze %dma_wait3A_170 : memref<1x128x32xf32, #tpu.memory_space<hbm>> -> memref<128x32xf32, #tpu.memory_space<hbm>>
      %dma_wait3A_172 = arith.constant 0 : i32
      %dma_wait3A_173 = tpu.memref_slice %arg5[%arg0, %add3A_153, %dma_wait3A_172] : memref<2x10240x32xf32, #tpu.memory_space<hbm>> -> memref<1x128x32xf32, #tpu.memory_space<hbm>>
      %dma_wait3A_174 = tpu.memref_squeeze %dma_wait3A_173 : memref<1x128x32xf32, #tpu.memory_space<hbm>> -> memref<128x32xf32, #tpu.memory_space<hbm>>
      tpu.wait_dma2 semaphore(%run_scoped3A_162 : memref<!tpu.dma_semaphore, #tpu.memory_space<semaphore_mem>>) src(%arg8 : memref<128x32xf32, #tpu.memory_space<vmem>>) dst(%dma_wait3A_174 : memref<128x32xf32, #tpu.memory_space<hbm>>)
      tpu.yield
    }) : () -> ()
    %mul3A_154 = arith.constant 640 : i32
    %mul3A_155 = arith.muli %arg1, %mul3A_154 : i32
    %add3A_156 = arith.constant 384 : i32
    %add3A_157 = arith.addi %mul3A_155, %add3A_156 : i32
    "tpu.region"() ({
      %run_scoped3A_162 = tpu.sem_alloc : memref<!tpu.dma_semaphore, #tpu.memory_space<semaphore_mem>>
      %dma_start3A_163 = arith.constant 0 : i32
      %dma_start3A_164 = tpu.memref_slice %arg13[%add3A_157, %dma_start3A_163] : memref<10240x32xf32, #tpu.memory_space<vmem_shared>> -> memref<128x32xf32, #tpu.memory_space<vmem_shared>>
      %dma_start3A_165 = arith.constant 0 : i32
      %dma_start3A_166 = tpu.memref_slice %arg13[%add3A_157, %dma_start3A_165] : memref<10240x32xf32, #tpu.memory_space<vmem_shared>> -> memref<128x32xf32, #tpu.memory_space<vmem_shared>>
      tpu.enqueue_dma source(%dma_start3A_166 : memref<128x32xf32, #tpu.memory_space<vmem_shared>>) target(%arg8 : memref<128x32xf32, #tpu.memory_space<vmem>>) target_semaphore(%run_scoped3A_162 : memref<!tpu.dma_semaphore, #tpu.memory_space<semaphore_mem>>)
      %dma_wait3A_167 = arith.constant 0 : i32
      %dma_wait3A_168 = tpu.memref_slice %arg13[%add3A_157, %dma_wait3A_167] : memref<10240x32xf32, #tpu.memory_space<vmem_shared>> -> memref<128x32xf32, #tpu.memory_space<vmem_shared>>
      %dma_wait3A_169 = arith.constant 0 : i32
      %dma_wait3A_170 = tpu.memref_slice %arg13[%add3A_157, %dma_wait3A_169] : memref<10240x32xf32, #tpu.memory_space<vmem_shared>> -> memref<128x32xf32, #tpu.memory_space<vmem_shared>>
      tpu.wait_dma2 semaphore(%run_scoped3A_162 : memref<!tpu.dma_semaphore, #tpu.memory_space<semaphore_mem>>) src(%dma_wait3A_170 : memref<128x32xf32, #tpu.memory_space<vmem_shared>>) dst(%arg8 : memref<128x32xf32, #tpu.memory_space<vmem>>)
      tpu.yield
    }) : () -> ()
    "tpu.region"() ({
      %run_scoped3A_162 = tpu.sem_alloc : memref<!tpu.dma_semaphore, #tpu.memory_space<semaphore_mem>>
      %dma_start3A_163 = arith.constant 0 : i32
      %dma_start3A_164 = tpu.memref_slice %arg5[%arg0, %add3A_157, %dma_start3A_163] : memref<2x10240x32xf32, #tpu.memory_space<hbm>> -> memref<1x128x32xf32, #tpu.memory_space<hbm>>
      %dma_start3A_165 = tpu.memref_squeeze %dma_start3A_164 : memref<1x128x32xf32, #tpu.memory_space<hbm>> -> memref<128x32xf32, #tpu.memory_space<hbm>>
      %dma_start3A_166 = arith.constant 0 : i32
      %dma_start3A_167 = tpu.memref_slice %arg5[%arg0, %add3A_157, %dma_start3A_166] : memref<2x10240x32xf32, #tpu.memory_space<hbm>> -> memref<1x128x32xf32, #tpu.memory_space<hbm>>
      %dma_start3A_168 = tpu.memref_squeeze %dma_start3A_167 : memref<1x128x32xf32, #tpu.memory_space<hbm>> -> memref<128x32xf32, #tpu.memory_space<hbm>>
      tpu.enqueue_dma source(%arg8 : memref<128x32xf32, #tpu.memory_space<vmem>>) target(%dma_start3A_168 : memref<128x32xf32, #tpu.memory_space<hbm>>) target_semaphore(%run_scoped3A_162 : memref<!tpu.dma_semaphore, #tpu.memory_space<semaphore_mem>>)
      %dma_wait3A_169 = arith.constant 0 : i32
      %dma_wait3A_170 = tpu.memref_slice %arg5[%arg0, %add3A_157, %dma_wait3A_169] : memref<2x10240x32xf32, #tpu.memory_space<hbm>> -> memref<1x128x32xf32, #tpu.memory_space<hbm>>
      %dma_wait3A_171 = tpu.memref_squeeze %dma_wait3A_170 : memref<1x128x32xf32, #tpu.memory_space<hbm>> -> memref<128x32xf32, #tpu.memory_space<hbm>>
      %dma_wait3A_172 = arith.constant 0 : i32
      %dma_wait3A_173 = tpu.memref_slice %arg5[%arg0, %add3A_157, %dma_wait3A_172] : memref<2x10240x32xf32, #tpu.memory_space<hbm>> -> memref<1x128x32xf32, #tpu.memory_space<hbm>>
      %dma_wait3A_174 = tpu.memref_squeeze %dma_wait3A_173 : memref<1x128x32xf32, #tpu.memory_space<hbm>> -> memref<128x32xf32, #tpu.memory_space<hbm>>
      tpu.wait_dma2 semaphore(%run_scoped3A_162 : memref<!tpu.dma_semaphore, #tpu.memory_space<semaphore_mem>>) src(%arg8 : memref<128x32xf32, #tpu.memory_space<vmem>>) dst(%dma_wait3A_174 : memref<128x32xf32, #tpu.memory_space<hbm>>)
      tpu.yield
    }) : () -> ()
    %mul3A_158 = arith.constant 640 : i32
    %mul3A_159 = arith.muli %arg1, %mul3A_158 : i32
    %add3A_160 = arith.constant 512 : i32
    %add3A_161 = arith.addi %mul3A_159, %add3A_160 : i32
    "tpu.region"() ({
      %run_scoped3A_162 = tpu.sem_alloc : memref<!tpu.dma_semaphore, #tpu.memory_space<semaphore_mem>>
      %dma_start3A_163 = arith.constant 0 : i32
      %dma_start3A_164 = tpu.memref_slice %arg13[%add3A_161, %dma_start3A_163] : memref<10240x32xf32, #tpu.memory_space<vmem_shared>> -> memref<128x32xf32, #tpu.memory_space<vmem_shared>>
      %dma_start3A_165 = arith.constant 0 : i32
      %dma_start3A_166 = tpu.memref_slice %arg13[%add3A_161, %dma_start3A_165] : memref<10240x32xf32, #tpu.memory_space<vmem_shared>> -> memref<128x32xf32, #tpu.memory_space<vmem_shared>>
      tpu.enqueue_dma source(%dma_start3A_166 : memref<128x32xf32, #tpu.memory_space<vmem_shared>>) target(%arg8 : memref<128x32xf32, #tpu.memory_space<vmem>>) target_semaphore(%run_scoped3A_162 : memref<!tpu.dma_semaphore, #tpu.memory_space<semaphore_mem>>)
      %dma_wait3A_167 = arith.constant 0 : i32
      %dma_wait3A_168 = tpu.memref_slice %arg13[%add3A_161, %dma_wait3A_167] : memref<10240x32xf32, #tpu.memory_space<vmem_shared>> -> memref<128x32xf32, #tpu.memory_space<vmem_shared>>
      %dma_wait3A_169 = arith.constant 0 : i32
      %dma_wait3A_170 = tpu.memref_slice %arg13[%add3A_161, %dma_wait3A_169] : memref<10240x32xf32, #tpu.memory_space<vmem_shared>> -> memref<128x32xf32, #tpu.memory_space<vmem_shared>>
      tpu.wait_dma2 semaphore(%run_scoped3A_162 : memref<!tpu.dma_semaphore, #tpu.memory_space<semaphore_mem>>) src(%dma_wait3A_170 : memref<128x32xf32, #tpu.memory_space<vmem_shared>>) dst(%arg8 : memref<128x32xf32, #tpu.memory_space<vmem>>)
      tpu.yield
    }) : () -> ()
    "tpu.region"() ({
      %run_scoped3A_162 = tpu.sem_alloc : memref<!tpu.dma_semaphore, #tpu.memory_space<semaphore_mem>>
      %dma_start3A_163 = arith.constant 0 : i32
      %dma_start3A_164 = tpu.memref_slice %arg5[%arg0, %add3A_161, %dma_start3A_163] : memref<2x10240x32xf32, #tpu.memory_space<hbm>> -> memref<1x128x32xf32, #tpu.memory_space<hbm>>
      %dma_start3A_165 = tpu.memref_squeeze %dma_start3A_164 : memref<1x128x32xf32, #tpu.memory_space<hbm>> -> memref<128x32xf32, #tpu.memory_space<hbm>>
      %dma_start3A_166 = arith.constant 0 : i32
      %dma_start3A_167 = tpu.memref_slice %arg5[%arg0, %add3A_161, %dma_start3A_166] : memref<2x10240x32xf32, #tpu.memory_space<hbm>> -> memref<1x128x32xf32, #tpu.memory_space<hbm>>
      %dma_start3A_168 = tpu.memref_squeeze %dma_start3A_167 : memref<1x128x32xf32, #tpu.memory_space<hbm>> -> memref<128x32xf32, #tpu.memory_space<hbm>>
      tpu.enqueue_dma source(%arg8 : memref<128x32xf32, #tpu.memory_space<vmem>>) target(%dma_start3A_168 : memref<128x32xf32, #tpu.memory_space<hbm>>) target_semaphore(%run_scoped3A_162 : memref<!tpu.dma_semaphore, #tpu.memory_space<semaphore_mem>>)
      %dma_wait3A_169 = arith.constant 0 : i32
      %dma_wait3A_170 = tpu.memref_slice %arg5[%arg0, %add3A_161, %dma_wait3A_169] : memref<2x10240x32xf32, #tpu.memory_space<hbm>> -> memref<1x128x32xf32, #tpu.memory_space<hbm>>
      %dma_wait3A_171 = tpu.memref_squeeze %dma_wait3A_170 : memref<1x128x32xf32, #tpu.memory_space<hbm>> -> memref<128x32xf32, #tpu.memory_space<hbm>>
      %dma_wait3A_172 = arith.constant 0 : i32
      %dma_wait3A_173 = tpu.memref_slice %arg5[%arg0, %add3A_161, %dma_wait3A_172] : memref<2x10240x32xf32, #tpu.memory_space<hbm>> -> memref<1x128x32xf32, #tpu.memory_space<hbm>>
      %dma_wait3A_174 = tpu.memref_squeeze %dma_wait3A_173 : memref<1x128x32xf32, #tpu.memory_space<hbm>> -> memref<128x32xf32, #tpu.memory_space<hbm>>
      tpu.wait_dma2 semaphore(%run_scoped3A_162 : memref<!tpu.dma_semaphore, #tpu.memory_space<semaphore_mem>>) src(%arg8 : memref<128x32xf32, #tpu.memory_space<vmem>>) dst(%dma_wait3A_174 : memref<128x32xf32, #tpu.memory_space<hbm>>)
      tpu.yield
    }) : () -> ()
    return
  }
}

#map = affine_map<(d0, d1) -> (0, 0)>
module attributes {stable_mosaic.version = 14 : i64} {
  func.func @_sc_degree(%arg0: i32, %arg1: i32, %arg2: memref<2528x128xi32, #tpu.memory_space<hbm>>, %arg3: memref<32x10240xf32, #tpu.memory_space<hbm>>, %arg4: memref<79x128xi32, #tpu.memory_space<vmem>>, %arg5: memref<10240xf32, #tpu.memory_space<vmem>>) attributes {dimension_semantics = [#tpu.dimension_semantics<core_parallel>, #tpu.dimension_semantics<subcore_parallel>], iteration_bounds = array<i64: 2, 16>, scalar_prefetch = 0 : i64, scratch_operands = 2 : i64, tpu.core_type = #tpu.core_type<sc_vector_subcore>, window_params = [{transform_indices = #map}, {transform_indices = #map}]} {
    %mul3A = arith.constant 16 : i32
    %mul3A_0 = arith.muli %arg0, %mul3A : i32
    %add3A = arith.addi %mul3A_0, %arg1 : i32
    %mul3A_1 = arith.constant 79 : i32
    %mul3A_2 = arith.muli %add3A, %mul3A_1 : i32
    "tpu.region"() ({
      %run_scoped3A = tpu.sem_alloc : memref<!tpu.dma_semaphore, #tpu.memory_space<semaphore_mem>>
      %dma_start3A = arith.constant 0 : i32
      %dma_start3A_15 = tpu.memref_slice %arg2[%mul3A_2, %dma_start3A] : memref<2528x128xi32, #tpu.memory_space<hbm>> -> memref<79x128xi32, #tpu.memory_space<hbm>>
      %dma_start3A_16 = arith.constant 0 : i32
      %dma_start3A_17 = tpu.memref_slice %arg2[%mul3A_2, %dma_start3A_16] : memref<2528x128xi32, #tpu.memory_space<hbm>> -> memref<79x128xi32, #tpu.memory_space<hbm>>
      tpu.enqueue_dma source(%dma_start3A_17 : memref<79x128xi32, #tpu.memory_space<hbm>>) target(%arg4 : memref<79x128xi32, #tpu.memory_space<vmem>>) target_semaphore(%run_scoped3A : memref<!tpu.dma_semaphore, #tpu.memory_space<semaphore_mem>>)
      %dma_wait3A = arith.constant 0 : i32
      %dma_wait3A_18 = tpu.memref_slice %arg2[%mul3A_2, %dma_wait3A] : memref<2528x128xi32, #tpu.memory_space<hbm>> -> memref<79x128xi32, #tpu.memory_space<hbm>>
      %dma_wait3A_19 = arith.constant 0 : i32
      %dma_wait3A_20 = tpu.memref_slice %arg2[%mul3A_2, %dma_wait3A_19] : memref<2528x128xi32, #tpu.memory_space<hbm>> -> memref<79x128xi32, #tpu.memory_space<hbm>>
      tpu.wait_dma2 semaphore(%run_scoped3A : memref<!tpu.dma_semaphore, #tpu.memory_space<semaphore_mem>>) src(%dma_wait3A_20 : memref<79x128xi32, #tpu.memory_space<hbm>>) dst(%arg4 : memref<79x128xi32, #tpu.memory_space<vmem>>)
      tpu.yield
    }) : () -> ()
    %broadcast_in_dim3A = arith.constant 0.000000e+00 : f32
    %broadcast_in_dim3A_3 = vector.broadcast %broadcast_in_dim3A : f32 to vector<16xf32>
    %scan3A = arith.constant 0 : i32
    %scan3A_4 = arith.constant 640 : i32
    %scan3A_5 = arith.addi %scan3A, %scan3A_4 : i32
    %scan3A_6 = arith.constant 1 : i32
    scf.for %scan3A_15 = %scan3A to %scan3A_5 step %scan3A_6  : i32 {
      %mul3A_16 = arith.constant 1 : i32
      %mul3A_17 = arith.muli %scan3A_15, %mul3A_16 : i32
      %add3A_18 = arith.constant 0 : i32
      %add3A_19 = arith.addi %add3A_18, %mul3A_17 : i32
      %mul3A_20 = arith.constant 16 : i32
      %mul3A_21 = arith.muli %add3A_19, %mul3A_20 : i32
      %swap3A = arith.index_cast %mul3A_21 : i32 to index
      %swap3A_22 = tpu.vector_load %arg5[%swap3A] {strides = array<i32>} : memref<10240xf32, #tpu.memory_space<vmem>>, vector<16xf32>,
      tpu.vector_store %arg5[%swap3A], %broadcast_in_dim3A_3 {strides = array<i32>} : memref<10240xf32, #tpu.memory_space<vmem>>, vector<16xf32>,
    }
    %scan3A_7 = arith.constant 640 : i32
    %broadcast_in_dim3A_8 = arith.constant 1.000000e+00 : f32
    %broadcast_in_dim3A_9 = vector.broadcast %broadcast_in_dim3A_8 : f32 to vector<16xf32>
    %scan3A_10 = arith.constant 0 : i32
    %scan3A_11 = arith.constant 79 : i32
    %scan3A_12 = arith.addi %scan3A_10, %scan3A_11 : i32
    %scan3A_13 = arith.constant 1 : i32
    scf.for %scan3A_15 = %scan3A_10 to %scan3A_12 step %scan3A_13  : i32 {
      %mul3A_16 = arith.constant 1 : i32
      %mul3A_17 = arith.muli %scan3A_15, %mul3A_16 : i32
      %add3A_18 = arith.constant 0 : i32
      %add3A_19 = arith.addi %add3A_18, %mul3A_17 : i32
      %get3A = arith.index_cast %add3A_19 : i32 to index
      %get3A_20 = arith.constant 0 : index
      %get3A_21 = tpu.vector_load %arg4[%get3A, %get3A_20] {strides = array<i32>} : memref<79x128xi32, #tpu.memory_space<vmem>>, vector<16xi32>,
      tpu.vector_store_idx %arg5[%get3A_21], %broadcast_in_dim3A_9 {add = true} : memref<10240xf32, #tpu.memory_space<vmem>>[vector<16xi32>], vector<16xf32>,
      %get3A_22 = arith.index_cast %add3A_19 : i32 to index
      %get3A_23 = arith.constant 16 : index
      %get3A_24 = tpu.vector_load %arg4[%get3A_22, %get3A_23] {strides = array<i32>} : memref<79x128xi32, #tpu.memory_space<vmem>>, vector<16xi32>,
      tpu.vector_store_idx %arg5[%get3A_24], %broadcast_in_dim3A_9 {add = true} : memref<10240xf32, #tpu.memory_space<vmem>>[vector<16xi32>], vector<16xf32>,
      %get3A_25 = arith.index_cast %add3A_19 : i32 to index
      %get3A_26 = arith.constant 32 : index
      %get3A_27 = tpu.vector_load %arg4[%get3A_25, %get3A_26] {strides = array<i32>} : memref<79x128xi32, #tpu.memory_space<vmem>>, vector<16xi32>,
      tpu.vector_store_idx %arg5[%get3A_27], %broadcast_in_dim3A_9 {add = true} : memref<10240xf32, #tpu.memory_space<vmem>>[vector<16xi32>], vector<16xf32>,
      %get3A_28 = arith.index_cast %add3A_19 : i32 to index
      %get3A_29 = arith.constant 48 : index
      %get3A_30 = tpu.vector_load %arg4[%get3A_28, %get3A_29] {strides = array<i32>} : memref<79x128xi32, #tpu.memory_space<vmem>>, vector<16xi32>,
      tpu.vector_store_idx %arg5[%get3A_30], %broadcast_in_dim3A_9 {add = true} : memref<10240xf32, #tpu.memory_space<vmem>>[vector<16xi32>], vector<16xf32>,
      %get3A_31 = arith.index_cast %add3A_19 : i32 to index
      %get3A_32 = arith.constant 64 : index
      %get3A_33 = tpu.vector_load %arg4[%get3A_31, %get3A_32] {strides = array<i32>} : memref<79x128xi32, #tpu.memory_space<vmem>>, vector<16xi32>,
      tpu.vector_store_idx %arg5[%get3A_33], %broadcast_in_dim3A_9 {add = true} : memref<10240xf32, #tpu.memory_space<vmem>>[vector<16xi32>], vector<16xf32>,
      %get3A_34 = arith.index_cast %add3A_19 : i32 to index
      %get3A_35 = arith.constant 80 : index
      %get3A_36 = tpu.vector_load %arg4[%get3A_34, %get3A_35] {strides = array<i32>} : memref<79x128xi32, #tpu.memory_space<vmem>>, vector<16xi32>,
      tpu.vector_store_idx %arg5[%get3A_36], %broadcast_in_dim3A_9 {add = true} : memref<10240xf32, #tpu.memory_space<vmem>>[vector<16xi32>], vector<16xf32>,
      %get3A_37 = arith.index_cast %add3A_19 : i32 to index
      %get3A_38 = arith.constant 96 : index
      %get3A_39 = tpu.vector_load %arg4[%get3A_37, %get3A_38] {strides = array<i32>} : memref<79x128xi32, #tpu.memory_space<vmem>>, vector<16xi32>,
      tpu.vector_store_idx %arg5[%get3A_39], %broadcast_in_dim3A_9 {add = true} : memref<10240xf32, #tpu.memory_space<vmem>>[vector<16xi32>], vector<16xf32>,
      %get3A_40 = arith.index_cast %add3A_19 : i32 to index
      %get3A_41 = arith.constant 112 : index
      %get3A_42 = tpu.vector_load %arg4[%get3A_40, %get3A_41] {strides = array<i32>} : memref<79x128xi32, #tpu.memory_space<vmem>>, vector<16xi32>,
      tpu.vector_store_idx %arg5[%get3A_42], %broadcast_in_dim3A_9 {add = true} : memref<10240xf32, #tpu.memory_space<vmem>>[vector<16xi32>], vector<16xf32>,
    }
    %scan3A_14 = arith.constant 79 : i32
    "tpu.region"() ({
      %run_scoped3A = tpu.sem_alloc : memref<!tpu.dma_semaphore, #tpu.memory_space<semaphore_mem>>
      %dma_start3A = arith.constant 0 : i32
      %dma_start3A_15 = tpu.memref_slice %arg3[%add3A, %dma_start3A] : memref<32x10240xf32, #tpu.memory_space<hbm>> -> memref<1x10240xf32, #tpu.memory_space<hbm>>
      %dma_start3A_16 = tpu.memref_squeeze %dma_start3A_15 : memref<1x10240xf32, #tpu.memory_space<hbm>> -> memref<10240xf32, #tpu.memory_space<hbm>>
      %dma_start3A_17 = arith.constant 0 : i32
      %dma_start3A_18 = tpu.memref_slice %arg3[%add3A, %dma_start3A_17] : memref<32x10240xf32, #tpu.memory_space<hbm>> -> memref<1x10240xf32, #tpu.memory_space<hbm>>
      %dma_start3A_19 = tpu.memref_squeeze %dma_start3A_18 : memref<1x10240xf32, #tpu.memory_space<hbm>> -> memref<10240xf32, #tpu.memory_space<hbm>>
      tpu.enqueue_dma source(%arg5 : memref<10240xf32, #tpu.memory_space<vmem>>) target(%dma_start3A_19 : memref<10240xf32, #tpu.memory_space<hbm>>) target_semaphore(%run_scoped3A : memref<!tpu.dma_semaphore, #tpu.memory_space<semaphore_mem>>)
      %dma_wait3A = arith.constant 0 : i32
      %dma_wait3A_20 = tpu.memref_slice %arg3[%add3A, %dma_wait3A] : memref<32x10240xf32, #tpu.memory_space<hbm>> -> memref<1x10240xf32, #tpu.memory_space<hbm>>
      %dma_wait3A_21 = tpu.memref_squeeze %dma_wait3A_20 : memref<1x10240xf32, #tpu.memory_space<hbm>> -> memref<10240xf32, #tpu.memory_space<hbm>>
      %dma_wait3A_22 = arith.constant 0 : i32
      %dma_wait3A_23 = tpu.memref_slice %arg3[%add3A, %dma_wait3A_22] : memref<32x10240xf32, #tpu.memory_space<hbm>> -> memref<1x10240xf32, #tpu.memory_space<hbm>>
      %dma_wait3A_24 = tpu.memref_squeeze %dma_wait3A_23 : memref<1x10240xf32, #tpu.memory_space<hbm>> -> memref<10240xf32, #tpu.memory_space<hbm>>
      tpu.wait_dma2 semaphore(%run_scoped3A : memref<!tpu.dma_semaphore, #tpu.memory_space<semaphore_mem>>) src(%arg5 : memref<10240xf32, #tpu.memory_space<vmem>>) dst(%dma_wait3A_24 : memref<10240xf32, #tpu.memory_space<hbm>>)
      tpu.yield
    }) : () -> ()
    return
  }
}

module attributes {stable_mosaic.version = 14 : i64} {
  func.func @_tc_a_body(%arg0: memref<32x10240xf32, #tpu.memory_space<vmem>>, %arg1: memref<10000x128xf32, #tpu.memory_space<vmem>>, %arg2: memref<128x32xf32, #tpu.memory_space<vmem>>, %arg3: memref<10240x1xf32, #tpu.memory_space<vmem>>, %arg4: memref<10000x32xf32, #tpu.memory_space<vmem>>) attributes {dimension_semantics = [], scalar_prefetch = 0 : i64, scratch_operands = 0 : i64, tpu.core_type = #tpu.core_type<tc>} {
    %get3A = arith.constant 0 : index
    %get3A_0 = arith.constant 0 : index
    %get3A_1 = vector.load %arg0[%get3A, %get3A_0] : memref<32x10240xf32, #tpu.memory_space<vmem>>, vector<32x10240xf32>
    %reduce_sum3A = arith.constant dense<0.000000e+00> : vector<10240xf32>
    %reduce_sum3A_2 = vector.multi_reduction <add>, %get3A_1, %reduce_sum3A [0] : vector<32x10240xf32> to vector<10240xf32>
    %broadcast_in_dim3A = vector.shape_cast %reduce_sum3A_2 : vector<10240xf32> to vector<1x10240xf32>
    %add3A = arith.constant 1.000000e+00 : f32
    %add3A_3 = vector.broadcast %add3A : f32 to vector<1x10240xf32>
    %add3A_4 = arith.addf %broadcast_in_dim3A, %add3A_3 : vector<1x10240xf32>
    %rsqrt3A = math.rsqrt %add3A_4 : vector<1x10240xf32>
    %transpose3A = tpu.transpose %rsqrt3A, [1, 0] : vector<1x10240xf32> -> vector<10240x1xf32>
    %swap3A = arith.constant 0 : index
    %swap3A_5 = arith.constant 0 : index
    %swap3A_6 = vector.load %arg3[%swap3A, %swap3A_5] : memref<10240x1xf32, #tpu.memory_space<vmem>>, vector<10240x1xf32>
    tpu.vector_store %arg3[%swap3A, %swap3A_5], %transpose3A {strides = array<i32>} : memref<10240x1xf32, #tpu.memory_space<vmem>>, vector<10240x1xf32>,
    %get3A_7 = arith.constant 0 : index
    %get3A_8 = arith.constant 0 : index
    %get3A_9 = vector.load %arg1[%get3A_7, %get3A_8] : memref<10000x128xf32, #tpu.memory_space<vmem>>, vector<10000x128xf32>
    %get3A_10 = arith.constant 0 : index
    %get3A_11 = arith.constant 0 : index
    %get3A_12 = vector.load %arg2[%get3A_10, %get3A_11] : memref<128x32xf32, #tpu.memory_space<vmem>>, vector<128x32xf32>
    %dot_general3A = arith.constant dense<0.000000e+00> : vector<10000x32xf32>
    %dot_general3A_13 = tpu.matmul %get3A_9, %get3A_12, %dot_general3A {dimension_numbers = #tpu.dot_dimension_numbers<[1], [0], [0], [1], [0, 0, 1, 1], [], []>, transpose_lhs_hint = false} : vector<10000x128xf32>, vector<128x32xf32>, vector<10000x32xf32> -> vector<10000x32xf32>
    %slice3A = vector.extract_strided_slice %transpose3A {offsets = [0, 0], sizes = [10000, 1], strides = [1, 1]} : vector<10240x1xf32> to vector<10000x1xf32>
    %mul3A = vector.broadcast %slice3A : vector<10000x1xf32> to vector<10000x32xf32>
    %mul3A_14 = arith.mulf %dot_general3A_13, %mul3A : vector<10000x32xf32>
    %swap3A_15 = arith.constant 0 : index
    %swap3A_16 = arith.constant 0 : index
    %swap3A_17 = vector.load %arg4[%swap3A_15, %swap3A_16] : memref<10000x32xf32, #tpu.memory_space<vmem>>, vector<10000x32xf32>
    tpu.vector_store %arg4[%swap3A_15, %swap3A_16], %mul3A_14 {strides = array<i32>} : memref<10000x32xf32, #tpu.memory_space<vmem>>, vector<10000x32xf32>,
    return
  }
}

module attributes {stable_mosaic.version = 14 : i64} {
  func.func @_tc_mid_body(%arg0: memref<2x10240x32xf32, #tpu.memory_space<vmem>>, %arg1: memref<10000x32xf32, #tpu.memory_space<vmem>>, %arg2: memref<10240x1xf32, #tpu.memory_space<vmem>>, %arg3: memref<1x32xf32, #tpu.memory_space<vmem>>, %arg4: memref<1x32xf32, #tpu.memory_space<vmem>>, %arg5: memref<1x32xf32, #tpu.memory_space<vmem>>, %arg6: memref<32x32xf32, #tpu.memory_space<vmem>>, %arg7: memref<10000x32xf32, #tpu.memory_space<vmem>>) attributes {dimension_semantics = [], scalar_prefetch = 0 : i64, scratch_operands = 0 : i64, tpu.core_type = #tpu.core_type<tc>} {
    %get3A = arith.constant 0 : index
    %get3A_0 = arith.constant 0 : index
    %get3A_1 = vector.load %arg2[%get3A, %get3A_0] : memref<10240x1xf32, #tpu.memory_space<vmem>>, vector<10240x1xf32>
    %slice3A = vector.extract_strided_slice %get3A_1 {offsets = [0, 0], sizes = [10000, 1], strides = [1, 1]} : vector<10240x1xf32> to vector<10000x1xf32>
    %get3A_2 = arith.constant 0 : index
    %get3A_3 = arith.constant 0 : index
    %get3A_4 = arith.constant 0 : index
    %get3A_5 = vector.load %arg0[%get3A_2, %get3A_3, %get3A_4] : memref<2x10240x32xf32, #tpu.memory_space<vmem>>, vector<2x10240x32xf32>
    %slice3A_6 = vector.extract_strided_slice %get3A_5 {offsets = [0, 0, 0], sizes = [1, 10000, 32], strides = [1, 1, 1]} : vector<2x10240x32xf32> to vector<1x10000x32xf32>
    %squeeze3A = vector.shape_cast %slice3A_6 : vector<1x10000x32xf32> to vector<10000x32xf32>
    %slice3A_7 = vector.extract_strided_slice %get3A_5 {offsets = [1, 0, 0], sizes = [1, 10000, 32], strides = [1, 1, 1]} : vector<2x10240x32xf32> to vector<1x10000x32xf32>
    %squeeze3A_8 = vector.shape_cast %slice3A_7 : vector<1x10000x32xf32> to vector<10000x32xf32>
    %add3A = arith.addf %squeeze3A, %squeeze3A_8 : vector<10000x32xf32>
    %get3A_9 = arith.constant 0 : index
    %get3A_10 = arith.constant 0 : index
    %get3A_11 = vector.load %arg1[%get3A_9, %get3A_10] : memref<10000x32xf32, #tpu.memory_space<vmem>>, vector<10000x32xf32>
    %add3A_12 = arith.addf %add3A, %get3A_11 : vector<10000x32xf32>
    %mul3A = vector.broadcast %slice3A : vector<10000x1xf32> to vector<10000x32xf32>
    %mul3A_13 = arith.mulf %mul3A, %add3A_12 : vector<10000x32xf32>
    %get3A_14 = arith.constant 0 : index
    %get3A_15 = arith.constant 0 : index
    %get3A_16 = vector.load %arg3[%get3A_14, %get3A_15] : memref<1x32xf32, #tpu.memory_space<vmem>>, vector<1x32xf32>
    %add3A_17 = vector.broadcast %get3A_16 : vector<1x32xf32> to vector<10000x32xf32>
    %add3A_18 = arith.addf %mul3A_13, %add3A_17 : vector<10000x32xf32>
    %reduce_sum3A = arith.constant dense<0.000000e+00> : vector<32xf32>
    %reduce_sum3A_19 = vector.multi_reduction <add>, %add3A_18, %reduce_sum3A [0] : vector<10000x32xf32> to vector<32xf32>
    %broadcast_in_dim3A = vector.shape_cast %reduce_sum3A_19 : vector<32xf32> to vector<1x32xf32>
    %div3A = arith.constant 1.000000e+04 : f32
    %div3A_20 = vector.broadcast %div3A : f32 to vector<1x32xf32>
    %div3A_21 = arith.divf %broadcast_in_dim3A, %div3A_20 : vector<1x32xf32>
    %sub3A = vector.broadcast %div3A_21 : vector<1x32xf32> to vector<10000x32xf32>
    %sub3A_22 = arith.subf %add3A_18, %sub3A : vector<10000x32xf32>
    %mul3A_23 = arith.mulf %sub3A_22, %sub3A_22 : vector<10000x32xf32>
    %reduce_sum3A_24 = arith.constant dense<0.000000e+00> : vector<32xf32>
    %reduce_sum3A_25 = vector.multi_reduction <add>, %mul3A_23, %reduce_sum3A_24 [0] : vector<10000x32xf32> to vector<32xf32>
    %broadcast_in_dim3A_26 = vector.shape_cast %reduce_sum3A_25 : vector<32xf32> to vector<1x32xf32>
    %div3A_27 = arith.constant 1.000000e+04 : f32
    %div3A_28 = vector.broadcast %div3A_27 : f32 to vector<1x32xf32>
    %div3A_29 = arith.divf %broadcast_in_dim3A_26, %div3A_28 : vector<1x32xf32>
    %get3A_30 = arith.constant 0 : index
    %get3A_31 = arith.constant 0 : index
    %get3A_32 = vector.load %arg4[%get3A_30, %get3A_31] : memref<1x32xf32, #tpu.memory_space<vmem>>, vector<1x32xf32>
    %mul3A_33 = vector.broadcast %get3A_32 : vector<1x32xf32> to vector<10000x32xf32>
    %mul3A_34 = arith.mulf %mul3A_33, %sub3A_22 : vector<10000x32xf32>
    %add3A_35 = arith.constant 9.99999974E-6 : f32
    %add3A_36 = vector.broadcast %add3A_35 : f32 to vector<1x32xf32>
    %add3A_37 = arith.addf %div3A_29, %add3A_36 : vector<1x32xf32>
    %rsqrt3A = math.rsqrt %add3A_37 : vector<1x32xf32>
    %mul3A_38 = vector.broadcast %rsqrt3A : vector<1x32xf32> to vector<10000x32xf32>
    %mul3A_39 = arith.mulf %mul3A_34, %mul3A_38 : vector<10000x32xf32>
    %get3A_40 = arith.constant 0 : index
    %get3A_41 = arith.constant 0 : index
    %get3A_42 = vector.load %arg5[%get3A_40, %get3A_41] : memref<1x32xf32, #tpu.memory_space<vmem>>, vector<1x32xf32>
    %add3A_43 = vector.broadcast %get3A_42 : vector<1x32xf32> to vector<10000x32xf32>
    %add3A_44 = arith.addf %mul3A_39, %add3A_43 : vector<10000x32xf32>
    %max3A = arith.constant 0.000000e+00 : f32
    %max3A_45 = vector.broadcast %max3A : f32 to vector<10000x32xf32>
    %max3A_46 = arith.maximumf %add3A_44, %max3A_45 : vector<10000x32xf32>
    %get3A_47 = arith.constant 0 : index
    %get3A_48 = arith.constant 0 : index
    %get3A_49 = vector.load %arg6[%get3A_47, %get3A_48] : memref<32x32xf32, #tpu.memory_space<vmem>>, vector<32x32xf32>
    %dot_general3A = arith.constant dense<0.000000e+00> : vector<10000x32xf32>
    %dot_general3A_50 = tpu.matmul %max3A_46, %get3A_49, %dot_general3A {dimension_numbers = #tpu.dot_dimension_numbers<[1], [0], [0], [1], [0, 0, 1, 1], [], []>, transpose_lhs_hint = false} : vector<10000x32xf32>, vector<32x32xf32>, vector<10000x32xf32> -> vector<10000x32xf32>
    %mul3A_51 = vector.broadcast %slice3A : vector<10000x1xf32> to vector<10000x32xf32>
    %mul3A_52 = arith.mulf %dot_general3A_50, %mul3A_51 : vector<10000x32xf32>
    %swap3A = arith.constant 0 : index
    %swap3A_53 = arith.constant 0 : index
    %swap3A_54 = vector.load %arg7[%swap3A, %swap3A_53] : memref<10000x32xf32, #tpu.memory_space<vmem>>, vector<10000x32xf32>
    tpu.vector_store %arg7[%swap3A, %swap3A_53], %mul3A_52 {strides = array<i32>} : memref<10000x32xf32, #tpu.memory_space<vmem>>, vector<10000x32xf32>,
    return
  }
}

module attributes {stable_mosaic.version = 14 : i64} {
  func.func @_tc_mid_body(%arg0: memref<2x10240x32xf32, #tpu.memory_space<vmem>>, %arg1: memref<10000x32xf32, #tpu.memory_space<vmem>>, %arg2: memref<10240x1xf32, #tpu.memory_space<vmem>>, %arg3: memref<1x32xf32, #tpu.memory_space<vmem>>, %arg4: memref<1x32xf32, #tpu.memory_space<vmem>>, %arg5: memref<1x32xf32, #tpu.memory_space<vmem>>, %arg6: memref<32x1xf32, #tpu.memory_space<vmem>>, %arg7: memref<10000x1xf32, #tpu.memory_space<vmem>>) attributes {dimension_semantics = [], scalar_prefetch = 0 : i64, scratch_operands = 0 : i64, tpu.core_type = #tpu.core_type<tc>} {
    %get3A = arith.constant 0 : index
    %get3A_0 = arith.constant 0 : index
    %get3A_1 = vector.load %arg2[%get3A, %get3A_0] : memref<10240x1xf32, #tpu.memory_space<vmem>>, vector<10240x1xf32>
    %slice3A = vector.extract_strided_slice %get3A_1 {offsets = [0, 0], sizes = [10000, 1], strides = [1, 1]} : vector<10240x1xf32> to vector<10000x1xf32>
    %get3A_2 = arith.constant 0 : index
    %get3A_3 = arith.constant 0 : index
    %get3A_4 = arith.constant 0 : index
    %get3A_5 = vector.load %arg0[%get3A_2, %get3A_3, %get3A_4] : memref<2x10240x32xf32, #tpu.memory_space<vmem>>, vector<2x10240x32xf32>
    %slice3A_6 = vector.extract_strided_slice %get3A_5 {offsets = [0, 0, 0], sizes = [1, 10000, 32], strides = [1, 1, 1]} : vector<2x10240x32xf32> to vector<1x10000x32xf32>
    %squeeze3A = vector.shape_cast %slice3A_6 : vector<1x10000x32xf32> to vector<10000x32xf32>
    %slice3A_7 = vector.extract_strided_slice %get3A_5 {offsets = [1, 0, 0], sizes = [1, 10000, 32], strides = [1, 1, 1]} : vector<2x10240x32xf32> to vector<1x10000x32xf32>
    %squeeze3A_8 = vector.shape_cast %slice3A_7 : vector<1x10000x32xf32> to vector<10000x32xf32>
    %add3A = arith.addf %squeeze3A, %squeeze3A_8 : vector<10000x32xf32>
    %get3A_9 = arith.constant 0 : index
    %get3A_10 = arith.constant 0 : index
    %get3A_11 = vector.load %arg1[%get3A_9, %get3A_10] : memref<10000x32xf32, #tpu.memory_space<vmem>>, vector<10000x32xf32>
    %add3A_12 = arith.addf %add3A, %get3A_11 : vector<10000x32xf32>
    %mul3A = vector.broadcast %slice3A : vector<10000x1xf32> to vector<10000x32xf32>
    %mul3A_13 = arith.mulf %mul3A, %add3A_12 : vector<10000x32xf32>
    %get3A_14 = arith.constant 0 : index
    %get3A_15 = arith.constant 0 : index
    %get3A_16 = vector.load %arg3[%get3A_14, %get3A_15] : memref<1x32xf32, #tpu.memory_space<vmem>>, vector<1x32xf32>
    %add3A_17 = vector.broadcast %get3A_16 : vector<1x32xf32> to vector<10000x32xf32>
    %add3A_18 = arith.addf %mul3A_13, %add3A_17 : vector<10000x32xf32>
    %reduce_sum3A = arith.constant dense<0.000000e+00> : vector<32xf32>
    %reduce_sum3A_19 = vector.multi_reduction <add>, %add3A_18, %reduce_sum3A [0] : vector<10000x32xf32> to vector<32xf32>
    %broadcast_in_dim3A = vector.shape_cast %reduce_sum3A_19 : vector<32xf32> to vector<1x32xf32>
    %div3A = arith.constant 1.000000e+04 : f32
    %div3A_20 = vector.broadcast %div3A : f32 to vector<1x32xf32>
    %div3A_21 = arith.divf %broadcast_in_dim3A, %div3A_20 : vector<1x32xf32>
    %sub3A = vector.broadcast %div3A_21 : vector<1x32xf32> to vector<10000x32xf32>
    %sub3A_22 = arith.subf %add3A_18, %sub3A : vector<10000x32xf32>
    %mul3A_23 = arith.mulf %sub3A_22, %sub3A_22 : vector<10000x32xf32>
    %reduce_sum3A_24 = arith.constant dense<0.000000e+00> : vector<32xf32>
    %reduce_sum3A_25 = vector.multi_reduction <add>, %mul3A_23, %reduce_sum3A_24 [0] : vector<10000x32xf32> to vector<32xf32>
    %broadcast_in_dim3A_26 = vector.shape_cast %reduce_sum3A_25 : vector<32xf32> to vector<1x32xf32>
    %div3A_27 = arith.constant 1.000000e+04 : f32
    %div3A_28 = vector.broadcast %div3A_27 : f32 to vector<1x32xf32>
    %div3A_29 = arith.divf %broadcast_in_dim3A_26, %div3A_28 : vector<1x32xf32>
    %get3A_30 = arith.constant 0 : index
    %get3A_31 = arith.constant 0 : index
    %get3A_32 = vector.load %arg4[%get3A_30, %get3A_31] : memref<1x32xf32, #tpu.memory_space<vmem>>, vector<1x32xf32>
    %mul3A_33 = vector.broadcast %get3A_32 : vector<1x32xf32> to vector<10000x32xf32>
    %mul3A_34 = arith.mulf %mul3A_33, %sub3A_22 : vector<10000x32xf32>
    %add3A_35 = arith.constant 9.99999974E-6 : f32
    %add3A_36 = vector.broadcast %add3A_35 : f32 to vector<1x32xf32>
    %add3A_37 = arith.addf %div3A_29, %add3A_36 : vector<1x32xf32>
    %rsqrt3A = math.rsqrt %add3A_37 : vector<1x32xf32>
    %mul3A_38 = vector.broadcast %rsqrt3A : vector<1x32xf32> to vector<10000x32xf32>
    %mul3A_39 = arith.mulf %mul3A_34, %mul3A_38 : vector<10000x32xf32>
    %get3A_40 = arith.constant 0 : index
    %get3A_41 = arith.constant 0 : index
    %get3A_42 = vector.load %arg5[%get3A_40, %get3A_41] : memref<1x32xf32, #tpu.memory_space<vmem>>, vector<1x32xf32>
    %add3A_43 = vector.broadcast %get3A_42 : vector<1x32xf32> to vector<10000x32xf32>
    %add3A_44 = arith.addf %mul3A_39, %add3A_43 : vector<10000x32xf32>
    %max3A = arith.constant 0.000000e+00 : f32
    %max3A_45 = vector.broadcast %max3A : f32 to vector<10000x32xf32>
    %max3A_46 = arith.maximumf %add3A_44, %max3A_45 : vector<10000x32xf32>
    %get3A_47 = arith.constant 0 : index
    %get3A_48 = arith.constant 0 : index
    %get3A_49 = vector.load %arg6[%get3A_47, %get3A_48] : memref<32x1xf32, #tpu.memory_space<vmem>>, vector<32x1xf32>
    %dot_general3A = arith.constant dense<0.000000e+00> : vector<10000x1xf32>
    %dot_general3A_50 = tpu.matmul %max3A_46, %get3A_49, %dot_general3A {dimension_numbers = #tpu.dot_dimension_numbers<[1], [0], [0], [1], [0, 0, 1, 1], [], []>, transpose_lhs_hint = false} : vector<10000x32xf32>, vector<32x1xf32>, vector<10000x1xf32> -> vector<10000x1xf32>
    %mul3A_51 = arith.mulf %dot_general3A_50, %slice3A : vector<10000x1xf32>
    %swap3A = arith.constant 0 : index
    %swap3A_52 = arith.constant 0 : index
    %swap3A_53 = vector.load %arg7[%swap3A, %swap3A_52] : memref<10000x1xf32, #tpu.memory_space<vmem>>, vector<10000x1xf32>
    tpu.vector_store %arg7[%swap3A, %swap3A_52], %mul3A_51 {strides = array<i32>} : memref<10000x1xf32, #tpu.memory_space<vmem>>, vector<10000x1xf32>,
    return
  }
}

module attributes {stable_mosaic.version = 14 : i64} {
  func.func @_tc_d_body(%arg0: memref<32x10240xf32, #tpu.memory_space<vmem>>, %arg1: memref<10000x1xf32, #tpu.memory_space<vmem>>, %arg2: memref<10240x1xf32, #tpu.memory_space<vmem>>, %arg3: memref<1x1xf32, #tpu.memory_space<vmem>>, %arg4: memref<10000x1xf32, #tpu.memory_space<vmem>>) attributes {dimension_semantics = [], scalar_prefetch = 0 : i64, scratch_operands = 0 : i64, tpu.core_type = #tpu.core_type<tc>} {
    %get3A = arith.constant 0 : index
    %get3A_0 = arith.constant 0 : index
    %get3A_1 = vector.load %arg2[%get3A, %get3A_0] : memref<10240x1xf32, #tpu.memory_space<vmem>>, vector<10240x1xf32>
    %slice3A = vector.extract_strided_slice %get3A_1 {offsets = [0, 0], sizes = [10000, 1], strides = [1, 1]} : vector<10240x1xf32> to vector<10000x1xf32>
    %get3A_2 = arith.constant 0 : index
    %get3A_3 = arith.constant 0 : index
    %get3A_4 = vector.load %arg0[%get3A_2, %get3A_3] : memref<32x10240xf32, #tpu.memory_space<vmem>>, vector<32x10240xf32>
    %reduce_sum3A = arith.constant dense<0.000000e+00> : vector<10240xf32>
    %reduce_sum3A_5 = vector.multi_reduction <add>, %get3A_4, %reduce_sum3A [0] : vector<32x10240xf32> to vector<10240xf32>
    %broadcast_in_dim3A = vector.shape_cast %reduce_sum3A_5 : vector<10240xf32> to vector<1x10240xf32>
    %transpose3A = tpu.transpose %broadcast_in_dim3A, [1, 0] : vector<1x10240xf32> -> vector<10240x1xf32>
    %slice3A_6 = vector.extract_strided_slice %transpose3A {offsets = [0, 0], sizes = [10000, 1], strides = [1, 1]} : vector<10240x1xf32> to vector<10000x1xf32>
    %get3A_7 = arith.constant 0 : index
    %get3A_8 = arith.constant 0 : index
    %get3A_9 = vector.load %arg1[%get3A_7, %get3A_8] : memref<10000x1xf32, #tpu.memory_space<vmem>>, vector<10000x1xf32>
    %add3A = arith.addf %slice3A_6, %get3A_9 : vector<10000x1xf32>
    %mul3A = arith.mulf %slice3A, %add3A : vector<10000x1xf32>
    %get3A_10 = arith.constant 0 : index
    %get3A_11 = arith.constant 0 : index
    %get3A_12 = vector.load %arg3[%get3A_10, %get3A_11] : memref<1x1xf32, #tpu.memory_space<vmem>>, vector<1x1xf32>
    %add3A_13 = vector.broadcast %get3A_12 : vector<1x1xf32> to vector<10000x1xf32>
    %add3A_14 = arith.addf %mul3A, %add3A_13 : vector<10000x1xf32>
    %logistic3A = arith.negf %add3A_14 : vector<10000x1xf32>
    %logistic3A_15 = math.exp %logistic3A : vector<10000x1xf32>
    %logistic3A_16 = arith.constant 1.000000e+00 : f32
    %logistic3A_17 = vector.broadcast %logistic3A_16 : f32 to vector<10000x1xf32>
    %logistic3A_18 = arith.addf %logistic3A_17, %logistic3A_15 : vector<10000x1xf32>
    %logistic3A_19 = arith.divf %logistic3A_17, %logistic3A_18 : vector<10000x1xf32>
    %swap3A = arith.constant 0 : index
    %swap3A_20 = arith.constant 0 : index
    %swap3A_21 = vector.load %arg4[%swap3A, %swap3A_20] : memref<10000x1xf32, #tpu.memory_space<vmem>>, vector<10000x1xf32>
    tpu.vector_store %arg4[%swap3A, %swap3A_20], %logistic3A_19 {strides = array<i32>} : memref<10000x1xf32, #tpu.memory_space<vmem>>, vector<10000x1xf32>,
    return
  }
}

</mosaic_0001>

<sc_bundles>
// kernel: kernel.10.cloned.1.call-start
scs
__scs_entry_jumppad:
0x0: {  	(pc) =	sbr.rel $0x88, $3  }
0x1: {  	(tag) =	ssettag $0x0;
	lr =	simm.s32 $0x1  }
0x2: {  	[smem:$0x3F95] =	sst lr;
	_ =	strace $0xD0000000  }
0x3: {  	_ = 	snop  }
0x4: {  	_ = 	snop  }
0x5: {  	_ = 	snop  }
0x6: {  	_ = 	snop  }
0x7: {  	_ = 	snop  }
__scs_overlays_trampoline_lowered:
0x8: {  	[smem:$0x3FA4] =	sst s0  }
0x9: {  	[smem:$0x3FA5] =	sst s1  }
0xa: {  	[smem:$0x3FA6] =	sst s2  }
0xb: {  	[smem:$0x3FA7] =	sst s3  }
0xc: {  	[smem:$0x3FA8] =	sst s4  }
0xd: {  	[smem:$0x3FA9] =	sst s5  }
0xe: {  	[smem:$0x3FAA] =	sst s6  }
0xf: {  	[smem:$0x3FAB] =	sst s7  }
0x10: {  	[smem:$0x3FAC] =	sst s8  }
0x11: {  	[smem:$0x3FAD] =	sst s9;
	s0 =	simm.s32 @!p0 $0x0  }
0x12: {  	s1 =	sld [smem:$0x3F93];
	s0 =	simm.s32 @p0 $0x1  }
0x13: {  	[smem:$0x3FAE] =	sst s0;
	s0 =	simm.s32 @!p1 $0x0  }
0x14: {  	s2 =	sld [smem:$0x3F92];
	s0 =	simm.s32 @p1 $0x1  }
0x15: {  	[smem:$0x3FAF] =	sst s0;
	s0 =	simm.s32 @!p2 $0x0  }
0x16: {  	s3 =	sld [smem:$0x3FDB];
	s0 =	simm.s32 @p2 $0x1  }
0x17: {  	s4 =	simm.s32 $0x1BF5;
	[smem:$0x3FB1] =	sst s0  }
0x18: {  	s0 =	sld [smem:$0x3F94];
	_ =	swait.ge [sflag:s4], $0x0  }
0x19: {  	s7 =	sld [smem:$0x3F95]  }
0x1a: {  	s8 =	sadd.s32 $0xFFFFE003, lr  }
0x1b: {  	s9 =	sadd.s32 $0xFFFFFEF7, lr;
	s5 =	simm.s32 $0xFFFFFFFF;
	p2 =	slt.u32 s8, $0xFFFFF086  }
0x1c: {  	p1 =	slt.u32 s9, $0xF7A;
	s5 =	simm.s32 @!p2 $0x0  }
0x1d: {  	s5 =	simm.s32 @p1 $0x1;
	p0 =	seq.s32 s7, s2  }
0x1e: {  	s7 =	smul.u32 @!p0 $0xF7A, s2;
	p2 =	seq.s32 @!p0 s5, $0x0  }
0x1f: {  	s9 =	smul.u32 $0xF7A, s1;
	s8 =	simm.s32 @!p0 $0x1BF5;
	p2 =	por !p2, p0  }
0x20: {  	[sflag:s8] =	ssyncset.s32 @!p0 $0xFFFFF086;
	s6 =	sadd.s32 @!p0 s3, s7;
	s7 =	simm.s32 @!p0 $0x108  }
0x21: {  	s3 =	sadd.s32 s3, s9;
	s6 =	sadd.s32 @!p0 $0x88, s6;
	s7 =	simm.s32 @p2 $0x1082  }
0x22: {  	[simem:s7], [sflag:s8] =	dma.local @!p0 [hbm:s6], $0xF7A  }
0x23: {  	s9 =	sor.u32 $0xD0000000, s2;
	s6 =	simm.s32 $0x108;
	_ =	swait.ge @!p0 [sflag:s8], $0x0  }
0x24: {  	s3 =	sadd.s32 $0x88, s3;
	s6 =	simm.s32 @!p1 $0x1082;
	[sflag:s4] =	ssyncset.s32 $0xFFFFF086  }
0x25: {  	[simem:s6], [sflag:s4] =	dma.local [hbm:s3], $0xF7A  }
0x26: {  	[smem:$0x3F95] =	sst s1;
	(tag) =	ssettag s2;
	_ =	strace s9  }
0x27: {  	s1 =	sld [smem:$0x3FA5]  }
0x28: {  	s2 =	sld [smem:$0x3FA6]  }
0x29: {  	s4 =	sld [smem:$0x3FA8]  }
0x2a: {  	p0 =	seq.s32 s5, $0x0;
	s5 =	sld [smem:$0x3FA9]  }
0x2b: {  	s6 =	sld [smem:$0x3FAA]  }
0x2c: {  	s7 =	sld [smem:$0x3FAB]  }
0x2d: {  	s3 =	simm.s32 $0x108;
	s8 =	sld [smem:$0x3FAC]  }
0x2e: {  	s3 =	simm.s32 @!p0 $0x1082;
	s9 =	sld [smem:$0x3FAD]  }
0x2f: {  	lr =	sadd.s32 s0, s3;
	s0 =	sld [smem:$0x3FA4]  }
0x30: {  	s3 =	sld [smem:$0x3FA7]  }
0x31: {  	[smem:$0x3FB0] =	sst s10  }
0x32: {  	s10 =	sld [smem:$0x3FAE];
	_ =	sdelay $0x3  }
0x33: {  	p0 =	seq.s32 s10, $0x1;
	s10 =	sld [smem:$0x3FB0];
	_ =	sdelay $0x3  }
0x34: {  	[smem:$0x3FB0] =	sst s10  }
0x35: {  	s10 =	sld [smem:$0x3FAF];
	_ =	sdelay $0x3  }
0x36: {  	p1 =	seq.s32 s10, $0x1;
	s10 =	sld [smem:$0x3FB0];
	_ =	sdelay $0x3  }
0x37: {  	[smem:$0x3FB0] =	sst s10  }
0x38: {  	s10 =	sld [smem:$0x3FB1]  }
0x39: {  	_ = 	snop;
	(pc) =	sbr.ind lr, $3  }
0x3a: {  	_ = 	snop  }
0x3b: {  	_ = 	snop  }
0x3c: {  	p2 =	seq.s32 s10, $0x1;
	s10 =	sld [smem:$0x3FB0]  }
0x3d: {  	_ =	shalt  }
0x3e: {  	_ =	shalt  }
0x3f: {  	_ =	shalt  }
0x40: {  	_ =	shalt  }
0x41: {  	_ =	shalt  }
0x42: {  	_ =	shalt  }
0x43: {  	_ =	shalt  }
0x44: {  	_ =	shalt  }
0x45: {  	_ =	shalt  }
0x46: {  	_ =	shalt  }
0x47: {  	_ =	shalt  }
0x48: {  	_ =	shalt  }
0x49: {  	_ =	shalt  }
0x4a: {  	_ =	shalt  }
0x4b: {  	_ =	shalt  }
0x4c: {  	_ =	shalt  }
0x4d: {  	_ =	shalt  }
0x4e: {  	_ =	shalt  }
0x4f: {  	_ =	shalt  }
0x50: {  	_ =	shalt  }
0x51: {  	_ =	shalt  }
0x52: {  	_ =	shalt  }
0x53: {  	_ =	shalt  }
0x54: {  	_ =	shalt  }
0x55: {  	_ =	shalt  }
0x56: {  	_ =	shalt  }
0x57: {  	_ =	shalt  }
0x58: {  	_ =	shalt  }
0x59: {  	_ =	shalt  }
0x5a: {  	_ =	shalt  }
0x5b: {  	_ =	shalt  }
0x5c: {  	_ =	shalt  }
0x5d: {  	_ =	shalt  }
0x5e: {  	_ =	shalt  }
0x5f: {  	_ =	shalt  }
0x60: {  	_ =	shalt  }
0x61: {  	_ =	shalt  }
0x62: {  	_ =	shalt  }
0x63: {  	_ =	shalt  }
0x64: {  	_ =	shalt  }
0x65: {  	_ =	shalt  }
0x66: {  	_ =	shalt  }
0x67: {  	_ =	shalt  }
0x68: {  	_ =	shalt  }
0x69: {  	_ =	shalt  }
0x6a: {  	_ =	shalt  }
0x6b: {  	_ =	shalt  }
0x6c: {  	_ =	shalt  }
0x6d: {  	_ =	shalt  }
0x6e: {  	_ =	shalt  }
0x6f: {  	_ =	shalt  }
0x70: {  	_ =	shalt  }
0x71: {  	_ =	shalt  }
0x72: {  	_ =	shalt  }
0x73: {  	_ =	shalt  }
0x74: {  	_ =	shalt  }
0x75: {  	_ =	shalt  }
0x76: {  	_ =	shalt  }
0x77: {  	_ =	shalt  }
0x78: {  	_ =	shalt  }
0x79: {  	_ =	shalt  }
0x7a: {  	_ =	shalt  }
0x7b: {  	_ =	shalt  }
0x7c: {  	_ =	shalt  }
0x7d: {  	_ =	shalt  }
0x7e: {  	_ =	shalt  }
0x7f: {  	_ =	shalt  }
0x80: {  	_ =	shalt  }
0x81: {  	_ =	shalt  }
0x82: {  	_ =	shalt  }
0x83: {  	_ =	shalt  }
0x84: {  	_ =	shalt  }
0x85: {  	_ =	shalt  }
0x86: {  	_ =	shalt  }
0x87: {  	_ =	shalt  }
.Lfunc_end0:
.L_simem_size_0:
called_computation_lowered:
.L_overlay_start_0:
0x88: {  	s2 =	sld [smem:$0x3FD9]  }
0x89: {  	s3 =	sld [smem:$0x3FFE];
	_ =	sdelay $0x1  }
0x8a: {  	s1 =	srdreg.scid  }
0x8b: {  	s0 =	sand.u32 $0x1, s1  }
0x8c: {  	s16 =	sshll.u32 s0, $0xA;
	s2 =	sadd.s32 s3, s2  }
0x8d: {  	s2 =	sadd.s32 s2, s16  }
0x8e: {  	[smem:$0x3FBC] =	sst s2  }
0x8f: {  	_ = 	snop  }
0x90: {  	(tm) =	ssettm $0x1  }
0x91: {  	s17 =	sld [smem:$0x3FFB];
	_ =	sdelay $0x3  }
0x92: {  	_ =	strace s17  }
0x93: {  	s2 =	sld [smem:$0x3FFC];
	_ =	sdelay $0x3  }
0x94: {  	_ =	strace s2  }
0x95: {  	s2 =	sld [smem:$0x3FFD];
	_ =	sdelay $0x3  }
0x96: {  	_ =	strace s2  }
0x97: {  	_ =	strace $0x8FFFFFFF  }
0x98: {  	s18 =	sld [smem:$0x3FDB];
	_ =	sdelay $0x1  }
0x99: {  	s19 =	simm.s32 $_scs_section_size  }
0x9a: {  	s4 =	simm.s32 $_size__tile_overlayer_lowered;
	s5 =	simm.s32 $_tile_overlayer_lowered  }
0x9b: {  	s22 =	simm.s32 $0x1BFF;
	s21 =	sshll.u32 s5, $0x1;
	s2 =	sadd.s32 s19, s18  }
0x9c: {  	s6 =	simm.s32 $0x0;
	s20 =	sshll.u32 s4, $0x1;
	s4 =	sadd.s32 s21, s2  }
0x9d: {  	[timem:s6], [sflag:s22] =	dma.local [hbm:s4], s20  }
0x9e: {  	_ =	swait.ge [sflag:s22], s20  }
0x9f: {  	s3 =	ssub.s32 $0x0, s20;
	[sflag:s22] =	ssyncset.done $0x0  }
0xa0: {  	[sflag:s22] =	ssyncadd.s32 s3;
	_ =	sdelay $0x1  }
0xa1: {  	s23 =	simm.s32 $0x1B8B  }
0xa2: {  	_ =	swait.ge [sflag:s23], $0x1  }
0xa3: {  	[sflag:s23] =	ssyncset.done $0x0  }
0xa4: {  	s25 =	simm.s32 $0x1B8E;
	s24 =	sld [smem:$0x3FFE];
	[sflag:s23] =	ssyncadd.s32 $0xFFFFFFFF  }
0xa5: {  	s26 =	simm.s32 $execute0_lowered;
	[smem:$0x3FD2] =	sst s25  }
0xa6: {  	s4 =	sshll.u32 s26, $0x1;
	_ =	strace $0x80000046;
	[dreg:$0x1] =	wrdreg $0xFFFFFFFF  }
0xa7: {  	s28 =	simm.s32 $_size_execute0_lowered;
	s2 =	sadd.s32 s2, s4;
	[dreg:$0x0] =	wrdreg $0x0  }
0xa8: {  	s4 =	sshll.u32 s28, $0x1;
	[dreg:$0x2] =	wrdreg s2  }
0xa9: {  	[dreg:$0x3] =	wrdreg s4  }
0xaa: {  	[dreg:$0x4] =	wrdreg $0xC0  }
0xab: {  	_ =	task [dreg:s6], $0x5FFFF  }
0xac: {  	[dreg:$0x1] =	wrdreg $0xFFFFFFFF  }
0xad: {  	[dreg:$0x0] =	wrdreg $0x60  }
0xae: {  	[dreg:$0x2] =	wrdreg s24  }
0xaf: {  	[dreg:$0x3] =	wrdreg $0x9  }
0xb0: {  	_ =	task.clear_ibuf [dreg:s6], $0x4FFFF;
	_ =	strace $0x90000046  }
0xb1: {  	s29 =	simm.s32 $0x9;
	_ =	strace $0x80000048  }
0xb2: {  	_ =	swait.ge [sflag:s29], $0x1  }
0xb3: {  	[sflag:s29] =	ssyncadd.s32 $0xFFFFFFFF  }
0xb4: {  	_ =	strace $0x90000048  }
0xb5: {  	_ =	sfence  }
0xb6: {  	s30 =	sld [smem:$0x0];
	_ =	sdelay $0x2  }
0xb7: {  	s31 =	sshll.u32 s1, $0xD;
	s1 =	sshrl.u32 s1, $0x2  }
0xb8: {  	s3 =	sand.u32 $0x4000, s31;
	s1 =	sadd.s32 s1, s30  }
0xb9: {  	s0 =	sor.u32 s3, s0;
	s1 =	sshll.u32 s1, $0x11  }
0xba: {  	s0 =	sor.u32 s1, s0  }
0xbb: {  	s0 =	sadd.s32 $0x8F2B, s0  }
0xbc: {  	[sflag:s0] =	ssyncadd.remote.s32 $0x1  }
0xbd: {  	_ =	sfence.sel $0xFFFF  }
0xbe: {  	[dreg:$0x0] =	wrdreg $0xFFFFFFFF;
	(pc) =	sbr.abs _section_cstart, $3  }
0xbf: {  	[dreg:$0x1] =	wrdreg $0xFFFFFFFF  }
0xc0: {  	_ =	task.clear_ibuf [dreg:s6], $0x2FFFF;
	_ =	strace $0x9FFFFFFF  }
0xc1: {  	(tm) =	ssettm $0x7FFFFFFF  }
tec
execute0_lowered:
.L_overlay_start_1:
0x0: {  	(tag) =	ssettag $0x1  }
0x1: {  	s0 =	srdreg.scid  }
0x2: {  	s3 =	sand.u32 $0x1, s0  }
0x3: {  	s4 =	rddreg [dreg:$0x0];
	s0 =	stileid.u32;
	s1 =	sshll.u32 s3, $0x4  }
0x4: {  	s2 =	simm.s32 $0x0;
	s8 =	simm.s32 $0x0;
	s5 =	sor.u32 s0, s1  }
0x5: {  	[smem:$0x7FF] =	sst s2;
	s3 =	ssub.s32 $0x2, s3;
	s6 =	smul.u32 $0x4F0, s5  }
0x6: {  	s1 =	rddreg [dreg:$0x1];
	s7 =	sshrl.u32 s3, $0x1;
	s5 =	smul.u32 $0x500, s5  }
0x7: {  	_ =	strace $0x80000047;
	s31 =	ssub.s32 s3, s7;
	s7 =	simm.s32 $0x2780  }
0x8: {  	s6 =	sadd.s32 s6, s4;
	s4 =	sadd.s32 s5, s4;
	s5 =	smax.u32 s31, $0x1  }
0x9: {  	v0 =	vimm.f32 $0.0e+00;
	v1 =	vimm.f32 $1.000000000e+00;
	s3 =	sadd.s32 $0x1E00, s6;
	s4 =	sadd.s32 $0xBC00, s4;
	s6 =	simm.s32 $0x1  }
.LBB2_1:
0xa: {  	[tilespmem:s2], [sflag:$0x1] =	stream.linear.gather [hbm4b:s3+s2], $0x2780, $0x38;
	[tilespmem:$0x4F80] =	vst v63  }
0xb: {  	_ =	swait.ge [sflag:s6], $0x2780  }
0xc: {  	[sflag:s6] =	ssyncset.done $0x0  }
0xd: {  	s9 =	simm.s32 $0x0;
	[sflag:s6] =	ssyncadd.s32 $0xFFFFD880  }
.LBB2_2:
0xe: {  	p0 =	sne.s32 s9, $0x9FC0  }
.Ltmp0:
0xf: {  	_ = 	snop;
	(pc) =	sbr.rel @p0 .LBB2_2-.Ltmp0, $3  }
0x10: {  	_ =	sdelay $0x1  }
0x11: {  	s10 =	sshra.s32 s9, $0x2  }
0x12: {  	s9 =	sadd.s32 $0x40, s9;
	[tilespmem:s10+$0x2780] =	vst v0  }
0x13: {  	s9 =	simm.s32 $0x0  }
.LBB2_4:
0x14: {  	s10 =	sshra.s32 s9, $0x2  }
0x15: {  	v2 =	vld [tilespmem:s10+$0x0];
	_ =	sdelay $0x7  }
0x16: {  	[tilespmem:v2+s7+$0x0] =	vst.idx.add.f32.msk $0xffff, v1  }
0x17: {  	v2 =	vld [tilespmem:s10+$0x10];
	_ =	sdelay $0x7  }
0x18: {  	[tilespmem:v2+s7+$0x0] =	vst.idx.add.f32.msk $0xffff, v1  }
0x19: {  	v2 =	vld [tilespmem:s10+$0x20];
	_ =	sdelay $0x7  }
0x1a: {  	[tilespmem:v2+s7+$0x0] =	vst.idx.add.f32.msk $0xffff, v1  }
0x1b: {  	v2 =	vld [tilespmem:s10+$0x30];
	_ =	sdelay $0x7  }
0x1c: {  	[tilespmem:v2+s7+$0x0] =	vst.idx.add.f32.msk $0xffff, v1  }
0x1d: {  	v2 =	vld [tilespmem:s10+$0x40];
	_ =	sdelay $0x7  }
0x1e: {  	[tilespmem:v2+s7+$0x0] =	vst.idx.add.f32.msk $0xffff, v1  }
0x1f: {  	v2 =	vld [tilespmem:s10+$0x50];
	_ =	sdelay $0x7  }
0x20: {  	[tilespmem:v2+s7+$0x0] =	vst.idx.add.f32.msk $0xffff, v1  }
0x21: {  	v2 =	vld [tilespmem:s10+$0x60];
	_ =	sdelay $0x7  }
0x22: {  	[tilespmem:v2+s7+$0x0] =	vst.idx.add.f32.msk $0xffff, v1  }
0x23: {  	v2 =	vld [tilespmem:s10+$0x70];
	_ =	sdelay $0x2  }
0x24: {  	p0 =	sne.s32 s9, $0x9C00  }
.Ltmp1:
0x25: {  	_ = 	snop;
	(pc) =	sbr.rel @p0 .LBB2_4-.Ltmp1, $2  }
0x26: {  	_ =	sdelay $0x2  }
0x27: {  	s9 =	sadd.s32 $0x200, s9;
	[tilespmem:v2+s7+$0x0] =	vst.idx.add.f32.msk $0xffff, v1  }
0x28: {  	s8 =	sadd.s32 $0x1, s8  }
0x29: {  	p0 =	sne.s32 s8, s5  }
.Ltmp2:
0x2a: {  	_ = 	snop;
	(pc) =	sbr.rel @p0 .LBB2_1-.Ltmp2, $4  }
0x2b: {  	[hbm4b:s4+s2] =	stream.linear.scatter [tilespmem:s7], [sflag:$0x1], $0x2800, $0x38;
	[tilespmem:$0x4F80] =	vst v63  }
0x2c: {  	_ =	swait.ge [sflag:s6], $0x2800  }
0x2d: {  	[sflag:s6] =	ssyncset.done $0x0  }
0x2e: {  	[sflag:s6] =	ssyncadd.s32 $0xFFFFD800  }
0x2f: {  	_ =	sfence.sel $0x180000  }
0x30: {  	[bflag:$0x0] =	sbarrier.arrive $0xFFFF  }
0x31: {  	p0 =	sne.s32 s0, $0x0;
	_ =	strace $0x90000047  }
0x32: {  	s0 =	sadd.s32 @!p0 $0x100000, s1;
	[bflag:$0x2] =	sbarrier.arrive $0xFFFF  }
0x33: {  	[sflag:s0] =	ssyncadd.tile.s32 @!p0 $0x1;
	_ =	shalt  }
.Lfunc_end2:
_tile_overlayer_lowered:
.L_overlay_start_2:
0x34: {  	(tag) =	ssettag $0x2  }
0x35: {  	s0 =	rddreg [dreg:$0x0];
	s2 =	stileid.u32  }
0x36: {  	s1 =	rddreg [dreg:$0x1];
	p0 =	sne.s32 s2, $0x0  }
0x37: {  	s3 =	rddreg [dreg:$0x2];
	[bflag:$0x3] =	sbarrier.arrive $0xFFFF;
	s2 =	simm.s32 @!p0 $0x1C01  }
0x38: {  	[timem:s3], [sflag:s2] =	dma.local @!p0 [hbm:s0], s1  }
0x39: {  	s0 =	simm.s32 @!p0 $0x1  }
0x3a: {  	_ =	swait.ge @!p0 [sflag:s0], s1  }
0x3b: {  	s1 =	ssub.s32 @!p0 $0x0, s1;
	[sflag:s0] =	ssyncset.done @!p0 $0x0  }
0x3c: {  	[sflag:s0] =	ssyncadd.s32 @!p0 s1  }
0x3d: {  	[bflag:$0x3] =	sbarrier.arrive $0xFFFF  }
0x3e: {  	_ =	shalt  }

// kernel: kernel.13.cloned.1.call-start
scs
__scs_entry_jumppad:
0x0: {  	(pc) =	sbr.rel $0x88, $3  }
0x1: {  	(tag) =	ssettag $0x0;
	lr =	simm.s32 $0x1  }
0x2: {  	[smem:$0x3F95] =	sst lr;
	_ =	strace $0xD0000000  }
0x3: {  	_ = 	snop  }
0x4: {  	_ = 	snop  }
0x5: {  	_ = 	snop  }
0x6: {  	_ = 	snop  }
0x7: {  	_ = 	snop  }
__scs_overlays_trampoline_lowered:
0x8: {  	[smem:$0x3FA4] =	sst s0  }
0x9: {  	[smem:$0x3FA5] =	sst s1  }
0xa: {  	[smem:$0x3FA6] =	sst s2  }
0xb: {  	[smem:$0x3FA7] =	sst s3  }
0xc: {  	[smem:$0x3FA8] =	sst s4  }
0xd: {  	[smem:$0x3FA9] =	sst s5  }
0xe: {  	[smem:$0x3FAA] =	sst s6  }
0xf: {  	[smem:$0x3FAB] =	sst s7  }
0x10: {  	[smem:$0x3FAC] =	sst s8  }
0x11: {  	[smem:$0x3FAD] =	sst s9;
	s0 =	simm.s32 @!p0 $0x0  }
0x12: {  	s1 =	sld [smem:$0x3F93];
	s0 =	simm.s32 @p0 $0x1  }
0x13: {  	[smem:$0x3FAE] =	sst s0;
	s0 =	simm.s32 @!p1 $0x0  }
0x14: {  	s2 =	sld [smem:$0x3F92];
	s0 =	simm.s32 @p1 $0x1  }
0x15: {  	[smem:$0x3FAF] =	sst s0;
	s0 =	simm.s32 @!p2 $0x0  }
0x16: {  	s3 =	sld [smem:$0x3FDB];
	s0 =	simm.s32 @p2 $0x1  }
0x17: {  	s4 =	simm.s32 $0x1BF5;
	[smem:$0x3FB1] =	sst s0  }
0x18: {  	s0 =	sld [smem:$0x3F94];
	_ =	swait.ge [sflag:s4], $0x0  }
0x19: {  	s7 =	sld [smem:$0x3F95]  }
0x1a: {  	s8 =	sadd.s32 $0xFFFFE003, lr  }
0x1b: {  	s9 =	sadd.s32 $0xFFFFFEF7, lr;
	s5 =	simm.s32 $0xFFFFFFFF;
	p2 =	slt.u32 s8, $0xFFFFF086  }
0x1c: {  	p1 =	slt.u32 s9, $0xF7A;
	s5 =	simm.s32 @!p2 $0x0  }
0x1d: {  	s5 =	simm.s32 @p1 $0x1;
	p0 =	seq.s32 s7, s2  }
0x1e: {  	s7 =	smul.u32 @!p0 $0xF7A, s2;
	p2 =	seq.s32 @!p0 s5, $0x0  }
0x1f: {  	s9 =	smul.u32 $0xF7A, s1;
	s8 =	simm.s32 @!p0 $0x1BF5;
	p2 =	por !p2, p0  }
0x20: {  	[sflag:s8] =	ssyncset.s32 @!p0 $0xFFFFF086;
	s6 =	sadd.s32 @!p0 s3, s7;
	s7 =	simm.s32 @!p0 $0x108  }
0x21: {  	s3 =	sadd.s32 s3, s9;
	s6 =	sadd.s32 @!p0 $0x88, s6;
	s7 =	simm.s32 @p2 $0x1082  }
0x22: {  	[simem:s7], [sflag:s8] =	dma.local @!p0 [hbm:s6], $0xF7A  }
0x23: {  	s9 =	sor.u32 $0xD0000000, s2;
	s6 =	simm.s32 $0x108;
	_ =	swait.ge @!p0 [sflag:s8], $0x0  }
0x24: {  	s3 =	sadd.s32 $0x88, s3;
	s6 =	simm.s32 @!p1 $0x1082;
	[sflag:s4] =	ssyncset.s32 $0xFFFFF086  }
0x25: {  	[simem:s6], [sflag:s4] =	dma.local [hbm:s3], $0xF7A  }
0x26: {  	[smem:$0x3F95] =	sst s1;
	(tag) =	ssettag s2;
	_ =	strace s9  }
0x27: {  	s1 =	sld [smem:$0x3FA5]  }
0x28: {  	s2 =	sld [smem:$0x3FA6]  }
0x29: {  	s4 =	sld [smem:$0x3FA8]  }
0x2a: {  	p0 =	seq.s32 s5, $0x0;
	s5 =	sld [smem:$0x3FA9]  }
0x2b: {  	s6 =	sld [smem:$0x3FAA]  }
0x2c: {  	s7 =	sld [smem:$0x3FAB]  }
0x2d: {  	s3 =	simm.s32 $0x108;
	s8 =	sld [smem:$0x3FAC]  }
0x2e: {  	s3 =	simm.s32 @!p0 $0x1082;
	s9 =	sld [smem:$0x3FAD]  }
0x2f: {  	lr =	sadd.s32 s0, s3;
	s0 =	sld [smem:$0x3FA4]  }
0x30: {  	s3 =	sld [smem:$0x3FA7]  }
0x31: {  	[smem:$0x3FB0] =	sst s10  }
0x32: {  	s10 =	sld [smem:$0x3FAE];
	_ =	sdelay $0x3  }
0x33: {  	p0 =	seq.s32 s10, $0x1;
	s10 =	sld [smem:$0x3FB0];
	_ =	sdelay $0x3  }
0x34: {  	[smem:$0x3FB0] =	sst s10  }
0x35: {  	s10 =	sld [smem:$0x3FAF];
	_ =	sdelay $0x3  }
0x36: {  	p1 =	seq.s32 s10, $0x1;
	s10 =	sld [smem:$0x3FB0];
	_ =	sdelay $0x3  }
0x37: {  	[smem:$0x3FB0] =	sst s10  }
0x38: {  	s10 =	sld [smem:$0x3FB1]  }
0x39: {  	_ = 	snop;
	(pc) =	sbr.ind lr, $3  }
0x3a: {  	_ = 	snop  }
0x3b: {  	_ = 	snop  }
0x3c: {  	p2 =	seq.s32 s10, $0x1;
	s10 =	sld [smem:$0x3FB0]  }
0x3d: {  	_ =	shalt  }
0x3e: {  	_ =	shalt  }
0x3f: {  	_ =	shalt  }
0x40: {  	_ =	shalt  }
0x41: {  	_ =	shalt  }
0x42: {  	_ =	shalt  }
0x43: {  	_ =	shalt  }
0x44: {  	_ =	shalt  }
0x45: {  	_ =	shalt  }
0x46: {  	_ =	shalt  }
0x47: {  	_ =	shalt  }
0x48: {  	_ =	shalt  }
0x49: {  	_ =	shalt  }
0x4a: {  	_ =	shalt  }
0x4b: {  	_ =	shalt  }
0x4c: {  	_ =	shalt  }
0x4d: {  	_ =	shalt  }
0x4e: {  	_ =	shalt  }
0x4f: {  	_ =	shalt  }
0x50: {  	_ =	shalt  }
0x51: {  	_ =	shalt  }
0x52: {  	_ =	shalt  }
0x53: {  	_ =	shalt  }
0x54: {  	_ =	shalt  }
0x55: {  	_ =	shalt  }
0x56: {  	_ =	shalt  }
0x57: {  	_ =	shalt  }
0x58: {  	_ =	shalt  }
0x59: {  	_ =	shalt  }
0x5a: {  	_ =	shalt  }
0x5b: {  	_ =	shalt  }
0x5c: {  	_ =	shalt  }
0x5d: {  	_ =	shalt  }
0x5e: {  	_ =	shalt  }
0x5f: {  	_ =	shalt  }
0x60: {  	_ =	shalt  }
0x61: {  	_ =	shalt  }
0x62: {  	_ =	shalt  }
0x63: {  	_ =	shalt  }
0x64: {  	_ =	shalt  }
0x65: {  	_ =	shalt  }
0x66: {  	_ =	shalt  }
0x67: {  	_ =	shalt  }
0x68: {  	_ =	shalt  }
0x69: {  	_ =	shalt  }
0x6a: {  	_ =	shalt  }
0x6b: {  	_ =	shalt  }
0x6c: {  	_ =	shalt  }
0x6d: {  	_ =	shalt  }
0x6e: {  	_ =	shalt  }
0x6f: {  	_ =	shalt  }
0x70: {  	_ =	shalt  }
0x71: {  	_ =	shalt  }
0x72: {  	_ =	shalt  }
0x73: {  	_ =	shalt  }
0x74: {  	_ =	shalt  }
0x75: {  	_ =	shalt  }
0x76: {  	_ =	shalt  }
0x77: {  	_ =	shalt  }
0x78: {  	_ =	shalt  }
0x79: {  	_ =	shalt  }
0x7a: {  	_ =	shalt  }
0x7b: {  	_ =	shalt  }
0x7c: {  	_ =	shalt  }
0x7d: {  	_ =	shalt  }
0x7e: {  	_ =	shalt  }
0x7f: {  	_ =	shalt  }
0x80: {  	_ =	shalt  }
0x81: {  	_ =	shalt  }
0x82: {  	_ =	shalt  }
0x83: {  	_ =	shalt  }
0x84: {  	_ =	shalt  }
0x85: {  	_ =	shalt  }
0x86: {  	_ =	shalt  }
0x87: {  	_ =	shalt  }
.Lfunc_end0:
.L_simem_size_0:
called_computation.1_lowered:
.L_overlay_start_0:
0x88: {  	s2 =	sld [smem:$0x3FD9]  }
0x89: {  	s3 =	sld [smem:$0x3FFE];
	_ =	sdelay $0x1  }
0x8a: {  	s1 =	srdreg.scid  }
0x8b: {  	s0 =	sand.u32 $0x1, s1  }
0x8c: {  	s16 =	sshll.u32 s0, $0xA;
	s2 =	sadd.s32 s3, s2  }
0x8d: {  	s2 =	sadd.s32 s2, s16  }
0x8e: {  	[smem:$0x3FBC] =	sst s2  }
0x8f: {  	_ = 	snop  }
0x90: {  	(tm) =	ssettm $0x1  }
0x91: {  	s17 =	sld [smem:$0x3FFB];
	_ =	sdelay $0x3  }
0x92: {  	_ =	strace s17  }
0x93: {  	s2 =	sld [smem:$0x3FFC];
	_ =	sdelay $0x3  }
0x94: {  	_ =	strace s2  }
0x95: {  	s2 =	sld [smem:$0x3FFD];
	_ =	sdelay $0x3  }
0x96: {  	_ =	strace s2  }
0x97: {  	_ =	strace $0x8FFFFFFF  }
0x98: {  	s18 =	sld [smem:$0x3FDB];
	_ =	sdelay $0x1  }
0x99: {  	s19 =	simm.s32 $_scs_section_size  }
0x9a: {  	s4 =	simm.s32 $_size__tile_overlayer_lowered;
	s5 =	simm.s32 $_tile_overlayer_lowered  }
0x9b: {  	s22 =	simm.s32 $0x1BFF;
	s21 =	sshll.u32 s5, $0x1;
	s2 =	sadd.s32 s19, s18  }
0x9c: {  	s6 =	simm.s32 $0x0;
	s20 =	sshll.u32 s4, $0x1;
	s4 =	sadd.s32 s21, s2  }
0x9d: {  	[timem:s6], [sflag:s22] =	dma.local [hbm:s4], s20  }
0x9e: {  	_ =	swait.ge [sflag:s22], s20  }
0x9f: {  	s3 =	ssub.s32 $0x0, s20;
	[sflag:s22] =	ssyncset.done $0x0  }
0xa0: {  	[sflag:s22] =	ssyncadd.s32 s3;
	_ =	sdelay $0x1  }
0xa1: {  	s23 =	simm.s32 $0x1B8B  }
0xa2: {  	_ =	swait.ge [sflag:s23], $0x1  }
0xa3: {  	[sflag:s23] =	ssyncset.done $0x0  }
0xa4: {  	s25 =	simm.s32 $0x1B8E;
	s24 =	sld [smem:$0x3FFE];
	[sflag:s23] =	ssyncadd.s32 $0xFFFFFFFF  }
0xa5: {  	s26 =	simm.s32 $execute0_lowered;
	[smem:$0x3FD2] =	sst s25  }
0xa6: {  	s4 =	sshll.u32 s26, $0x1;
	_ =	strace $0x80000049;
	[dreg:$0x1] =	wrdreg $0xFFFFFFFF  }
0xa7: {  	s28 =	simm.s32 $_size_execute0_lowered;
	s2 =	sadd.s32 s2, s4;
	[dreg:$0x0] =	wrdreg $0x0  }
0xa8: {  	s4 =	sshll.u32 s28, $0x1;
	[dreg:$0x2] =	wrdreg s2  }
0xa9: {  	[dreg:$0x3] =	wrdreg s4  }
0xaa: {  	[dreg:$0x4] =	wrdreg $0xC0  }
0xab: {  	_ =	task [dreg:s6], $0x5FFFF  }
0xac: {  	[dreg:$0x1] =	wrdreg $0xFFFFFFFF  }
0xad: {  	[dreg:$0x0] =	wrdreg $0x60  }
0xae: {  	[dreg:$0x2] =	wrdreg s24  }
0xaf: {  	[dreg:$0x3] =	wrdreg $0xEF000  }
0xb0: {  	[dreg:$0x4] =	wrdreg $0x9F000  }
0xb1: {  	[dreg:$0x5] =	wrdreg $0x9  }
0xb2: {  	_ =	task.clear_ibuf [dreg:s6], $0x6FFFF;
	_ =	strace $0x90000049  }
0xb3: {  	s29 =	simm.s32 $0x9;
	_ =	strace $0x8000004B  }
0xb4: {  	_ =	swait.ge [sflag:s29], $0x1  }
0xb5: {  	[sflag:s29] =	ssyncadd.s32 $0xFFFFFFFF  }
0xb6: {  	_ =	strace $0x9000004B  }
0xb7: {  	_ =	sfence  }
0xb8: {  	s30 =	sld [smem:$0x0];
	_ =	sdelay $0x2  }
0xb9: {  	s31 =	sshll.u32 s1, $0xD;
	s1 =	sshrl.u32 s1, $0x2  }
0xba: {  	s3 =	sand.u32 $0x4000, s31;
	s1 =	sadd.s32 s1, s30  }
0xbb: {  	s0 =	sor.u32 s3, s0;
	s1 =	sshll.u32 s1, $0x11  }
0xbc: {  	s0 =	sor.u32 s1, s0  }
0xbd: {  	s0 =	sadd.s32 $0x8F2B, s0  }
0xbe: {  	[sflag:s0] =	ssyncadd.remote.s32 $0x1  }
0xbf: {  	_ =	sfence.sel $0xFFFF  }
0xc0: {  	[dreg:$0x0] =	wrdreg $0xFFFFFFFF;
	(pc) =	sbr.abs _section_cstart, $3  }
0xc1: {  	[dreg:$0x1] =	wrdreg $0xFFFFFFFF  }
0xc2: {  	_ =	task.clear_ibuf [dreg:s6], $0x2FFFF;
	_ =	strace $0x9FFFFFFF  }
0xc3: {  	(tm) =	ssettm $0x7FFFFFFF  }
tec
execute0_lowered:
.L_overlay_start_1:
0x0: {  	(tag) =	ssettag $0x1  }
0x1: {  	s0 =	rddreg [dreg:$0x0]  }
0x2: {  	s1 =	rddreg [dreg:$0x1];
	s2 =	srdreg.scid  }
0x3: {  	s3 =	rddreg [dreg:$0x2];
	s10 =	stileid.u32;
	s4 =	simm.s32 $0x0  }
0x4: {  	s22 =	simm.s32 $0x8F00;
	s23 =	simm.s32 $0x80;
	s24 =	simm.s32 $0x4F00  }
0x5: {  	s28 =	simm.s32 $0x6F00;
	s30 =	simm.s32 $0x7F00;
	s31 =	simm.s32 $0x1  }
0x6: {  	s20 =	simm.s32 $0x4;
	s2 =	sand.u32 $0x1, s2;
	s7 =	smul.u32 $0x4E20, s10  }
0x7: {  	[smem:$0x7FF] =	sst s4;
	s12 =	smul.u32 $0x5000, s10;
	s5 =	sshll.u32 s2, $0x4  }
0x8: {  	_ =	strace $0x8000004A;
	s25 =	ssub.s32 $0x2, s2;
	s2 =	smul.u32 $0x50000, s2  }
0x9: {  	s5 =	sor.u32 s10, s5;
	s6 =	sshrl.u32 s7, $0x3;
	s9 =	sshrl.u32 s25, $0x1  }
0xa: {  	s29 =	sadd.s32 s7, s1;
	s13 =	sadd.s32 $0x1000, s12;
	s15 =	sadd.s32 $0x2000, s12  }
0xb: {  	s16 =	sadd.s32 $0x3000, s12;
	s17 =	sadd.s32 $0x4000, s12;
	s5 =	smul.u32 $0x4F0, s5  }
0xc: {  	s8 =	sadd.s32 s6, s0;
	s18 =	ssub.s32 s25, s9;
	s9 =	sadd.s32 s13, s3  }
0xd: {  	s10 =	sadd.s32 s15, s3;
	s11 =	sadd.s32 s16, s3;
	s14 =	sadd.s32 s12, s2  }
0xe: {  	s13 =	sadd.s32 s2, s13;
	s15 =	sadd.s32 s2, s15;
	s16 =	sadd.s32 s2, s16  }
0xf: {  	s2 =	sadd.s32 s2, s17;
	s21 =	sshrl.u32 s29, $0x3;
	s25 =	simm.s32 $0x5F00  }
0x10: {  	s7 =	sadd.s32 $0xBC00, s8;
	s8 =	sadd.s32 s12, s3;
	s14 =	sshrl.u32 s14, $0x3  }
0x11: {  	s19 =	sshrl.u32 s13, $0x3;
	s12 =	sadd.s32 s17, s3;
	s15 =	sshrl.u32 s15, $0x3  }
0x12: {  	s16 =	sshrl.u32 s16, $0x3;
	s2 =	sshrl.u32 s2, $0x3;
	s5 =	sadd.s32 s5, s0  }
0x13: {  	s18 =	smax.u32 s18, $0x1;
	s0 =	sadd.s32 $0x1FA00, s0;
	s26 =	sadd.s32 $0x15C00, s5  }
0x14: {  	s5 =	sadd.s32 $0x1E00, s5;
	s13 =	sadd.s32 s0, s14;
	s14 =	sadd.s32 s0, s19  }
0x15: {  	s15 =	sadd.s32 s0, s15;
	s16 =	sadd.s32 s0, s16;
	s17 =	sadd.s32 s0, s2  }
0x16: {  	s19 =	simm.s32 $0x5;
	s0 =	simm.s32 $0x2;
	[dreg:$0x4] =	wrdreg s26  }
0x17: {  	v0 =	vimm.f32 $0.0e+00;
	s2 =	simm.s32 $0x3;
	[dreg:$0x5] =	wrdreg s5;
	s26 =	simm.s32 $0x0  }
.LBB2_1:
0x18: {  	s5 =	rddreg [dreg:$0x4]  }
0x19: {  	[tilespmem:s4], [sflag:$0x5] =	stream.linear.gather [hbm4b:s5+s4], $0x2780, $0x38;
	[tilespmem:$0x13D20] =	vst v63  }
0x1a: {  	_ =	swait.ge [sflag:s19], $0x2780  }
0x1b: {  	[sflag:s19] =	ssyncset.done $0x0  }
0x1c: {  	s6 =	simm.s32 $0x2780;
	s5 =	rddreg [dreg:$0x5];
	[sflag:s19] =	ssyncadd.s32 $0xFFFFD880  }
0x1d: {  	[tilespmem:s6], [sflag:$0x5] =	stream.linear.gather [hbm4b:s5+s4], $0x2780, $0x38;
	[tilespmem:$0x13D20] =	vst v63  }
0x1e: {  	s6 =	stileid.u32;
	_ =	swait.ge [sflag:s19], $0x2780  }
0x1f: {  	s5 =	sshll.u32 s6, $0x6;
	[sflag:s19] =	ssyncset.done $0x0  }
0x20: {  	s5 =	sor.u32 $0x1C05, s5;
	[sflag:s19] =	ssyncadd.s32 $0xFFFFD880  }
0x21: {  	[spmem:s21], [sflag:s5] =	dma.local [hbm:s7], $0x9C4  }
0x22: {  	_ =	swait.ge [sflag:s19], $0x9C4  }
0x23: {  	[sflag:s19] =	ssyncset.done $0x0  }
0x24: {  	s29 =	simm.s32 $0x0;
	s5 =	simm.s32 $0x80;
	[sflag:s19] =	ssyncadd.s32 $0xFFFFF63C  }
.LBB2_2:
0x25: {  	p0 =	sne.s32 s5, $0x3F80;
	[tilespmem:s29+$0x8F00] =	vst v0;
	s6 =	smov.u32 s5;
	s5 =	sadd.s32 $0x80, s5  }
.Ltmp0:
0x26: {  	[tilespmem:s29+$0x8F10] =	vst v0;
	(pc) =	sbr.rel @p0 .LBB2_2-.Ltmp0, $2  }
0x27: {  	_ =	sdelay $0x2  }
0x28: {  	s29 =	sshra.s32 s6, $0x2  }
0x29: {  	[tilespmem:s29+$0x8F00] =	vst v0  }
0x2a: {  	[tilespmem:s29+$0x8F10] =	vst v0  }
0x2b: {  	[spmem:s8] =	stream.linear.scatter [tilespmem:s22], [sflag:$0x5], $0x1000, $0x38;
	[tilespmem:$0x13D20] =	vst v63  }
0x2c: {  	_ =	swait.ge [sflag:s19], $0x1000  }
0x2d: {  	[sflag:s19] =	ssyncset.done $0x0  }
0x2e: {  	[sflag:s19] =	ssyncadd.s32 $0xFFFFF000  }
0x2f: {  	[spmem:s9] =	stream.linear.scatter [tilespmem:s22], [sflag:$0x5], $0x1000, $0x38;
	[tilespmem:$0x13D20] =	vst v63  }
0x30: {  	_ =	swait.ge [sflag:s19], $0x1000  }
0x31: {  	[sflag:s19] =	ssyncset.done $0x0  }
0x32: {  	[sflag:s19] =	ssyncadd.s32 $0xFFFFF000  }
0x33: {  	[spmem:s10] =	stream.linear.scatter [tilespmem:s22], [sflag:$0x5], $0x1000, $0x38;
	[tilespmem:$0x13D20] =	vst v63  }
0x34: {  	_ =	swait.ge [sflag:s19], $0x1000  }
0x35: {  	[sflag:s19] =	ssyncset.done $0x0  }
0x36: {  	[sflag:s19] =	ssyncadd.s32 $0xFFFFF000  }
0x37: {  	[spmem:s11] =	stream.linear.scatter [tilespmem:s22], [sflag:$0x5], $0x1000, $0x38;
	[tilespmem:$0x13D20] =	vst v63  }
0x38: {  	_ =	swait.ge [sflag:s19], $0x1000  }
0x39: {  	[sflag:s19] =	ssyncset.done $0x0  }
0x3a: {  	[sflag:s19] =	ssyncadd.s32 $0xFFFFF000  }
0x3b: {  	[spmem:s12] =	stream.linear.scatter [tilespmem:s22], [sflag:$0x5], $0x1000, $0x38;
	[tilespmem:$0x13D20] =	vst v63  }
0x3c: {  	_ =	swait.ge [sflag:s19], $0x1000  }
0x3d: {  	[sflag:s19] =	ssyncset.done $0x0  }
0x3e: {  	[sflag:s19] =	ssyncadd.s32 $0xFFFFF000  }
0x3f: {  	s5 =	simm.s32 $0x0;
	[bflag:$0x0] =	sbarrier.arrive $0xFFFF  }
0x40: {  	[tilespmem:s24], [sflag:$0x1] =	stream.indirect.gather [spmem:s1], $0x20, s5, s23, $0xb8;
	[tilespmem:$0x13D20] =	vst v63  }
0x41: {  	_ = 	snop  }
0x42: {  	[tilespmem:s25], [sflag:$0x2] =	stream.indirect.gather [spmem:s1], $0x20, s23, s23, $0xb8;
	[tilespmem:$0x13D20] =	vst v63  }
0x43: {  	s6 =	simm.s32 $0x100  }
0x44: {  	[tilespmem:s28], [sflag:$0x3] =	stream.indirect.gather [spmem:s1], $0x20, s6, s23, $0xb8;
	[tilespmem:$0x13D20] =	vst v63  }
0x45: {  	s6 =	simm.s32 $0x180  }
0x46: {  	[tilespmem:s30], [sflag:$0x4] =	stream.indirect.gather [spmem:s1], $0x20, s6, s23, $0xb8;
	[tilespmem:$0x13D20] =	vst v63  }
0x47: {  	_ =	swait.ge [sflag:s31], $0x1000  }
0x48: {  	[sflag:s31] =	ssyncset.done $0x0  }
0x49: {  	s6 =	simm.s32 $0x2780;
	[sflag:s31] =	ssyncadd.s32 $0xFFFFF000  }
0x4a: {  	[spmem:s3] =	stream.indirect.scatter.add.f32 [tilespmem:s24], [sflag:$0x5], $0x20, s6, s23, $0xb8;
	[tilespmem:$0x13D20] =	vst v63  }
0x4b: {  	_ =	swait.ge [sflag:s19], $0x1000  }
0x4c: {  	[sflag:s19] =	ssyncset.done $0x0  }
0x4d: {  	s6 =	simm.s32 $0x200;
	[sflag:s19] =	ssyncadd.s32 $0xFFFFF000  }
0x4e: {  	[tilespmem:s24], [sflag:$0x1] =	stream.indirect.gather [spmem:s1], $0x20, s6, s23, $0xb8;
	[tilespmem:$0x13D20] =	vst v63  }
0x4f: {  	_ =	swait.ge [sflag:s0], $0x1000  }
0x50: {  	[sflag:s0] =	ssyncset.done $0x0  }
0x51: {  	s6 =	simm.s32 $0x2800;
	[sflag:s0] =	ssyncadd.s32 $0xFFFFF000  }
0x52: {  	[spmem:s3] =	stream.indirect.scatter.add.f32 [tilespmem:s25], [sflag:$0x5], $0x20, s6, s23, $0xb8;
	[tilespmem:$0x13D20] =	vst v63  }
0x53: {  	_ =	swait.ge [sflag:s19], $0x1000  }
0x54: {  	[sflag:s19] =	ssyncset.done $0x0  }
0x55: {  	s6 =	simm.s32 $0x280;
	[sflag:s19] =	ssyncadd.s32 $0xFFFFF000  }
0x56: {  	[tilespmem:s25], [sflag:$0x2] =	stream.indirect.gather [spmem:s1], $0x20, s6, s23, $0xb8;
	[tilespmem:$0x13D20] =	vst v63  }
0x57: {  	_ =	swait.ge [sflag:s2], $0x1000  }
0x58: {  	[sflag:s2] =	ssyncset.done $0x0  }
0x59: {  	s6 =	simm.s32 $0x2880;
	[sflag:s2] =	ssyncadd.s32 $0xFFFFF000  }
0x5a: {  	[spmem:s3] =	stream.indirect.scatter.add.f32 [tilespmem:s28], [sflag:$0x5], $0x20, s6, s23, $0xb8;
	[tilespmem:$0x13D20] =	vst v63  }
0x5b: {  	_ =	swait.ge [sflag:s19], $0x1000  }
0x5c: {  	[sflag:s19] =	ssyncset.done $0x0  }
0x5d: {  	s6 =	simm.s32 $0x300;
	[sflag:s19] =	ssyncadd.s32 $0xFFFFF000  }
0x5e: {  	[tilespmem:s28], [sflag:$0x3] =	stream.indirect.gather [spmem:s1], $0x20, s6, s23, $0xb8;
	[tilespmem:$0x13D20] =	vst v63  }
0x5f: {  	_ =	swait.ge [sflag:s20], $0x1000  }
0x60: {  	[sflag:s20] =	ssyncset.done $0x0  }
0x61: {  	s6 =	simm.s32 $0x2900;
	[sflag:s20] =	ssyncadd.s32 $0xFFFFF000  }
0x62: {  	[spmem:s3] =	stream.indirect.scatter.add.f32 [tilespmem:s30], [sflag:$0x5], $0x20, s6, s23, $0xb8;
	[tilespmem:$0x13D20] =	vst v63  }
0x63: {  	_ =	swait.ge [sflag:s19], $0x1000  }
0x64: {  	[sflag:s19] =	ssyncset.done $0x0  }
0x65: {  	s29 =	simm.s32 $0x800;
	s5 =	simm.s32 $0x380;
	[sflag:s19] =	ssyncadd.s32 $0xFFFFF000  }
.LBB2_4:
0x66: {  	[tilespmem:s30], [sflag:$0x4] =	stream.indirect.gather [spmem:s1], $0x20, s5, s23, $0xb8;
	[tilespmem:$0x13D20] =	vst v63  }
0x67: {  	s5 =	smov.u32 s29  }
0x68: {  	p0 =	sne.s32 s29, $0x8800;
	s29 =	sadd.s32 $0x800, s29;
	_ =	swait.ge [sflag:s31], $0x1000  }
0x69: {  	s5 =	sshra.s32 s5, $0x2;
	[sflag:s31] =	ssyncset.done $0x0  }
0x6a: {  	s6 =	sadd.s32 $0x2780, s5;
	[sflag:s31] =	ssyncadd.s32 $0xFFFFF000  }
0x6b: {  	[spmem:s3] =	stream.indirect.scatter.add.f32 [tilespmem:s24], [sflag:$0x5], $0x20, s6, s23, $0xb8;
	[tilespmem:$0x13D20] =	vst v63  }
0x6c: {  	_ =	swait.ge [sflag:s19], $0x1000  }
0x6d: {  	[sflag:s19] =	ssyncset.done $0x0  }
0x6e: {  	s6 =	sadd.s32 $0x200, s5;
	[sflag:s19] =	ssyncadd.s32 $0xFFFFF000  }
0x6f: {  	[tilespmem:s24], [sflag:$0x1] =	stream.indirect.gather [spmem:s1], $0x20, s6, s23, $0xb8;
	[tilespmem:$0x13D20] =	vst v63  }
0x70: {  	_ =	swait.ge [sflag:s0], $0x1000  }
0x71: {  	[sflag:s0] =	ssyncset.done $0x0  }
0x72: {  	s6 =	sadd.s32 $0x2800, s5;
	[sflag:s0] =	ssyncadd.s32 $0xFFFFF000  }
0x73: {  	[spmem:s3] =	stream.indirect.scatter.add.f32 [tilespmem:s25], [sflag:$0x5], $0x20, s6, s23, $0xb8;
	[tilespmem:$0x13D20] =	vst v63  }
0x74: {  	_ =	swait.ge [sflag:s19], $0x1000  }
0x75: {  	[sflag:s19] =	ssyncset.done $0x0  }
0x76: {  	s6 =	sadd.s32 $0x280, s5;
	[sflag:s19] =	ssyncadd.s32 $0xFFFFF000  }
0x77: {  	[tilespmem:s25], [sflag:$0x2] =	stream.indirect.gather [spmem:s1], $0x20, s6, s23, $0xb8;
	[tilespmem:$0x13D20] =	vst v63  }
0x78: {  	_ =	swait.ge [sflag:s2], $0x1000  }
0x79: {  	[sflag:s2] =	ssyncset.done $0x0  }
0x7a: {  	s6 =	sadd.s32 $0x2880, s5;
	[sflag:s2] =	ssyncadd.s32 $0xFFFFF000  }
0x7b: {  	[spmem:s3] =	stream.indirect.scatter.add.f32 [tilespmem:s28], [sflag:$0x5], $0x20, s6, s23, $0xb8;
	[tilespmem:$0x13D20] =	vst v63  }
0x7c: {  	_ =	swait.ge [sflag:s19], $0x1000  }
0x7d: {  	[sflag:s19] =	ssyncset.done $0x0  }
0x7e: {  	s6 =	sadd.s32 $0x300, s5;
	[sflag:s19] =	ssyncadd.s32 $0xFFFFF000  }
0x7f: {  	[tilespmem:s28], [sflag:$0x3] =	stream.indirect.gather [spmem:s1], $0x20, s6, s23, $0xb8;
	[tilespmem:$0x13D20] =	vst v63  }
0x80: {  	_ =	swait.ge [sflag:s20], $0x1000  }
0x81: {  	[sflag:s20] =	ssyncset.done $0x0  }
.Ltmp1:
0x82: {  	s6 =	sadd.s32 $0x2900, s5;
	[sflag:s20] =	ssyncadd.s32 $0xFFFFF000;
	(pc) =	sbr.rel @p0 .LBB2_4-.Ltmp1, $4  }
0x83: {  	[spmem:s3] =	stream.indirect.scatter.add.f32 [tilespmem:s30], [sflag:$0x5], $0x20, s6, s23, $0xb8;
	[tilespmem:$0x13D20] =	vst v63  }
0x84: {  	_ =	swait.ge [sflag:s19], $0x1000  }
0x85: {  	[sflag:s19] =	ssyncset.done $0x0  }
0x86: {  	s5 =	sadd.s32 $0x380, s5;
	[sflag:s19] =	ssyncadd.s32 $0xFFFFF000  }
0x87: {  	[tilespmem:s30], [sflag:$0x4] =	stream.indirect.gather [spmem:s1], $0x20, s5, s23, $0xb8;
	[tilespmem:$0x13D20] =	vst v63  }
0x88: {  	_ =	swait.ge [sflag:s31], $0x1000  }
0x89: {  	[sflag:s31] =	ssyncset.done $0x0  }
0x8a: {  	s6 =	simm.s32 $0x4B80;
	[sflag:s31] =	ssyncadd.s32 $0xFFFFF000  }
0x8b: {  	[spmem:s3] =	stream.indirect.scatter.add.f32 [tilespmem:s24], [sflag:$0x5], $0x20, s6, s23, $0xb8;
	[tilespmem:$0x13D20] =	vst v63  }
0x8c: {  	_ =	swait.ge [sflag:s19], $0x1000  }
0x8d: {  	[sflag:s19] =	ssyncset.done $0x0  }
0x8e: {  	s29 =	simm.s32 $0x2600;
	[sflag:s19] =	ssyncadd.s32 $0xFFFFF000  }
0x8f: {  	[tilespmem:s24], [sflag:$0x1] =	stream.indirect.gather [spmem:s1], $0x20, s29, s23, $0xb8;
	[tilespmem:$0x13D20] =	vst v63  }
0x90: {  	_ =	swait.ge [sflag:s0], $0x1000  }
0x91: {  	[sflag:s0] =	ssyncset.done $0x0  }
0x92: {  	s6 =	simm.s32 $0x4C00;
	[sflag:s0] =	ssyncadd.s32 $0xFFFFF000  }
0x93: {  	[spmem:s3] =	stream.indirect.scatter.add.f32 [tilespmem:s25], [sflag:$0x5], $0x20, s6, s23, $0xb8;
	[tilespmem:$0x13D20] =	vst v63  }
0x94: {  	_ =	swait.ge [sflag:s19], $0x1000  }
0x95: {  	[sflag:s19] =	ssyncset.done $0x0  }
0x96: {  	s29 =	simm.s32 $0x2680;
	[sflag:s19] =	ssyncadd.s32 $0xFFFFF000  }
0x97: {  	[tilespmem:s25], [sflag:$0x2] =	stream.indirect.gather [spmem:s1], $0x20, s29, s23, $0xb8;
	[tilespmem:$0x13D20] =	vst v63  }
0x98: {  	_ =	swait.ge [sflag:s2], $0x1000  }
0x99: {  	[sflag:s2] =	ssyncset.done $0x0  }
0x9a: {  	s6 =	simm.s32 $0x4C80;
	[sflag:s2] =	ssyncadd.s32 $0xFFFFF000  }
0x9b: {  	[spmem:s3] =	stream.indirect.scatter.add.f32 [tilespmem:s28], [sflag:$0x5], $0x20, s6, s23, $0xb8;
	[tilespmem:$0x13D20] =	vst v63  }
0x9c: {  	_ =	swait.ge [sflag:s19], $0x1000  }
0x9d: {  	[sflag:s19] =	ssyncset.done $0x0  }
0x9e: {  	s29 =	simm.s32 $0x2700;
	[sflag:s19] =	ssyncadd.s32 $0xFFFFF000  }
0x9f: {  	[tilespmem:s28], [sflag:$0x3] =	stream.indirect.gather [spmem:s1], $0x20, s29, s23, $0xb8;
	[tilespmem:$0x13D20] =	vst v63  }
0xa0: {  	_ =	swait.ge [sflag:s20], $0x1000  }
0xa1: {  	[sflag:s20] =	ssyncset.done $0x0  }
0xa2: {  	s6 =	simm.s32 $0x4D00;
	[sflag:s20] =	ssyncadd.s32 $0xFFFFF000  }
0xa3: {  	[spmem:s3] =	stream.indirect.scatter.add.f32 [tilespmem:s30], [sflag:$0x5], $0x20, s6, s23, $0xb8;
	[tilespmem:$0x13D20] =	vst v63  }
0xa4: {  	_ =	swait.ge [sflag:s19], $0x1000  }
0xa5: {  	[sflag:s19] =	ssyncset.done $0x0  }
0xa6: {  	[sflag:s19] =	ssyncadd.s32 $0xFFFFF000  }
0xa7: {  	_ =	swait.ge [sflag:s31], $0x1000  }
0xa8: {  	[sflag:s31] =	ssyncset.done $0x0  }
0xa9: {  	s29 =	simm.s32 $0x4D80;
	[sflag:s31] =	ssyncadd.s32 $0xFFFFF000  }
0xaa: {  	[spmem:s3] =	stream.indirect.scatter.add.f32 [tilespmem:s24], [sflag:$0x5], $0x20, s29, s23, $0xb8;
	[tilespmem:$0x13D20] =	vst v63  }
0xab: {  	_ =	swait.ge [sflag:s19], $0x1000  }
0xac: {  	[sflag:s19] =	ssyncset.done $0x0  }
0xad: {  	[sflag:s19] =	ssyncadd.s32 $0xFFFFF000  }
0xae: {  	_ =	swait.ge [sflag:s0], $0x1000  }
0xaf: {  	[sflag:s0] =	ssyncset.done $0x0  }
0xb0: {  	s6 =	simm.s32 $0x4E00;
	[sflag:s0] =	ssyncadd.s32 $0xFFFFF000  }
0xb1: {  	[spmem:s3] =	stream.indirect.scatter.add.f32 [tilespmem:s25], [sflag:$0x5], $0x20, s6, s23, $0xb8;
	[tilespmem:$0x13D20] =	vst v63  }
0xb2: {  	_ =	swait.ge [sflag:s19], $0x1000  }
0xb3: {  	[sflag:s19] =	ssyncset.done $0x0  }
0xb4: {  	[sflag:s19] =	ssyncadd.s32 $0xFFFFF000  }
0xb5: {  	_ =	swait.ge [sflag:s2], $0x1000  }
0xb6: {  	[sflag:s2] =	ssyncset.done $0x0  }
0xb7: {  	s29 =	simm.s32 $0x4E80;
	[sflag:s2] =	ssyncadd.s32 $0xFFFFF000  }
0xb8: {  	[spmem:s3] =	stream.indirect.scatter.add.f32 [tilespmem:s28], [sflag:$0x5], $0x20, s29, s23, $0xb8;
	[tilespmem:$0x13D20] =	vst v63  }
0xb9: {  	_ =	swait.ge [sflag:s19], $0x1000  }
0xba: {  	[sflag:s19] =	ssyncset.done $0x0  }
0xbb: {  	[sflag:s19] =	ssyncadd.s32 $0xFFFFF000  }
0xbc: {  	[bflag:$0x0] =	sbarrier.arrive $0xFFFF  }
0xbd: {  	[tilespmem:s24], [sflag:$0x5] =	stream.linear.gather [spmem:s8], $0x1000, $0x38;
	[tilespmem:$0x13D20] =	vst v63  }
0xbe: {  	_ =	swait.ge [sflag:s19], $0x1000  }
0xbf: {  	[sflag:s19] =	ssyncset.done $0x0  }
0xc0: {  	[sflag:s19] =	ssyncadd.s32 $0xFFFFF000  }
0xc1: {  	[hbm4b:s13+s4] =	stream.linear.scatter [tilespmem:s24], [sflag:$0x5], $0x1000, $0x38;
	[tilespmem:$0x13D20] =	vst v63  }
0xc2: {  	_ =	swait.ge [sflag:s19], $0x1000  }
0xc3: {  	[sflag:s19] =	ssyncset.done $0x0  }
0xc4: {  	[sflag:s19] =	ssyncadd.s32 $0xFFFFF000  }
0xc5: {  	[tilespmem:s24], [sflag:$0x5] =	stream.linear.gather [spmem:s9], $0x1000, $0x38;
	[tilespmem:$0x13D20] =	vst v63  }
0xc6: {  	_ =	swait.ge [sflag:s19], $0x1000  }
0xc7: {  	[sflag:s19] =	ssyncset.done $0x0  }
0xc8: {  	[sflag:s19] =	ssyncadd.s32 $0xFFFFF000  }
0xc9: {  	[hbm4b:s14+s4] =	stream.linear.scatter [tilespmem:s24], [sflag:$0x5], $0x1000, $0x38;
	[tilespmem:$0x13D20] =	vst v63  }
0xca: {  	_ =	swait.ge [sflag:s19], $0x1000  }
0xcb: {  	[sflag:s19] =	ssyncset.done $0x0  }
0xcc: {  	[sflag:s19] =	ssyncadd.s32 $0xFFFFF000  }
0xcd: {  	[tilespmem:s24], [sflag:$0x5] =	stream.linear.gather [spmem:s10], $0x1000, $0x38;
	[tilespmem:$0x13D20] =	vst v63  }
0xce: {  	_ =	swait.ge [sflag:s19], $0x1000  }
0xcf: {  	[sflag:s19] =	ssyncset.done $0x0  }
0xd0: {  	[sflag:s19] =	ssyncadd.s32 $0xFFFFF000  }
0xd1: {  	[hbm4b:s15+s4] =	stream.linear.scatter [tilespmem:s24], [sflag:$0x5], $0x1000, $0x38;
	[tilespmem:$0x13D20] =	vst v63  }
0xd2: {  	_ =	swait.ge [sflag:s19], $0x1000  }
0xd3: {  	[sflag:s19] =	ssyncset.done $0x0  }
0xd4: {  	[sflag:s19] =	ssyncadd.s32 $0xFFFFF000  }
0xd5: {  	[tilespmem:s24], [sflag:$0x5] =	stream.linear.gather [spmem:s11], $0x1000, $0x38;
	[tilespmem:$0x13D20] =	vst v63  }
0xd6: {  	_ =	swait.ge [sflag:s19], $0x1000  }
0xd7: {  	[sflag:s19] =	ssyncset.done $0x0  }
0xd8: {  	[sflag:s19] =	ssyncadd.s32 $0xFFFFF000  }
0xd9: {  	[hbm4b:s16+s4] =	stream.linear.scatter [tilespmem:s24], [sflag:$0x5], $0x1000, $0x38;
	[tilespmem:$0x13D20] =	vst v63  }
0xda: {  	_ =	swait.ge [sflag:s19], $0x1000  }
0xdb: {  	[sflag:s19] =	ssyncset.done $0x0  }
0xdc: {  	[sflag:s19] =	ssyncadd.s32 $0xFFFFF000  }
0xdd: {  	[tilespmem:s24], [sflag:$0x5] =	stream.linear.gather [spmem:s12], $0x1000, $0x38;
	[tilespmem:$0x13D20] =	vst v63  }
0xde: {  	s26 =	sadd.s32 $0x1, s26;
	_ =	swait.ge [sflag:s19], $0x1000  }
0xdf: {  	p0 =	sne.s32 s26, s18;
	[sflag:s19] =	ssyncset.done $0x0  }
.Ltmp2:
0xe0: {  	[sflag:s19] =	ssyncadd.s32 $0xFFFFF000;
	(pc) =	sbr.rel @p0 .LBB2_1-.Ltmp2, $4  }
0xe1: {  	[hbm4b:s17+s4] =	stream.linear.scatter [tilespmem:s24], [sflag:$0x5], $0x1000, $0x38;
	[tilespmem:$0x13D20] =	vst v63  }
0xe2: {  	_ =	swait.ge [sflag:s19], $0x1000  }
0xe3: {  	[sflag:s19] =	ssyncset.done $0x0  }
0xe4: {  	[sflag:s19] =	ssyncadd.s32 $0xFFFFF000  }
0xe5: {  	_ =	sfence.sel $0x180000  }
0xe6: {  	[bflag:$0x0] =	sbarrier.arrive $0xFFFF  }
0xe7: {  	_ =	strace $0x9000004A  }
0xe8: {  	s0 =	stileid.u32;
	[bflag:$0x2] =	sbarrier.arrive $0xFFFF  }
0xe9: {  	p0 =	sne.s32 s0, $0x0;
	s0 =	rddreg [dreg:$0x3]  }
0xea: {  	s0 =	sadd.s32 @!p0 $0x100000, s0  }
0xeb: {  	[sflag:s0] =	ssyncadd.tile.s32 @!p0 $0x1;
	_ =	shalt  }
.Lfunc_end2:
_tile_overlayer_lowered:
.L_overlay_start_2:
0xec: {  	(tag) =	ssettag $0x2  }
0xed: {  	s0 =	rddreg [dreg:$0x0];
	s2 =	stileid.u32  }
0xee: {  	s1 =	rddreg [dreg:$0x1];
	p0 =	sne.s32 s2, $0x0  }
0xef: {  	s3 =	rddreg [dreg:$0x2];
	[bflag:$0x3] =	sbarrier.arrive $0xFFFF;
	s2 =	simm.s32 @!p0 $0x1C05  }
0xf0: {  	[timem:s3], [sflag:s2] =	dma.local @!p0 [hbm:s0], s1  }
0xf1: {  	s0 =	simm.s32 @!p0 $0x5  }
0xf2: {  	_ =	swait.ge @!p0 [sflag:s0], s1  }
0xf3: {  	s1 =	ssub.s32 @!p0 $0x0, s1;
	[sflag:s0] =	ssyncset.done @!p0 $0x0  }
0xf4: {  	[sflag:s0] =	ssyncadd.s32 @!p0 s1  }
0xf5: {  	[bflag:$0x3] =	sbarrier.arrive $0xFFFF  }
0xf6: {  	_ =	shalt  }

// kernel: kernel.16.cloned.1.call-start
scs
__scs_entry_jumppad:
0x0: {  	(pc) =	sbr.rel $0x88, $3  }
0x1: {  	(tag) =	ssettag $0x0;
	lr =	simm.s32 $0x1  }
0x2: {  	[smem:$0x3F95] =	sst lr;
	_ =	strace $0xD0000000  }
0x3: {  	_ = 	snop  }
0x4: {  	_ = 	snop  }
0x5: {  	_ = 	snop  }
0x6: {  	_ = 	snop  }
0x7: {  	_ = 	snop  }
__scs_overlays_trampoline_lowered:
0x8: {  	[smem:$0x3FA4] =	sst s0  }
0x9: {  	[smem:$0x3FA5] =	sst s1  }
0xa: {  	[smem:$0x3FA6] =	sst s2  }
0xb: {  	[smem:$0x3FA7] =	sst s3  }
0xc: {  	[smem:$0x3FA8] =	sst s4  }
0xd: {  	[smem:$0x3FA9] =	sst s5  }
0xe: {  	[smem:$0x3FAA] =	sst s6  }
0xf: {  	[smem:$0x3FAB] =	sst s7  }
0x10: {  	[smem:$0x3FAC] =	sst s8  }
0x11: {  	[smem:$0x3FAD] =	sst s9;
	s0 =	simm.s32 @!p0 $0x0  }
0x12: {  	s1 =	sld [smem:$0x3F93];
	s0 =	simm.s32 @p0 $0x1  }
0x13: {  	[smem:$0x3FAE] =	sst s0;
	s0 =	simm.s32 @!p1 $0x0  }
0x14: {  	s2 =	sld [smem:$0x3F92];
	s0 =	simm.s32 @p1 $0x1  }
0x15: {  	[smem:$0x3FAF] =	sst s0;
	s0 =	simm.s32 @!p2 $0x0  }
0x16: {  	s3 =	sld [smem:$0x3FDB];
	s0 =	simm.s32 @p2 $0x1  }
0x17: {  	s4 =	simm.s32 $0x1BF5;
	[smem:$0x3FB1] =	sst s0  }
0x18: {  	s0 =	sld [smem:$0x3F94];
	_ =	swait.ge [sflag:s4], $0x0  }
0x19: {  	s7 =	sld [smem:$0x3F95]  }
0x1a: {  	s8 =	sadd.s32 $0xFFFFE003, lr  }
0x1b: {  	s9 =	sadd.s32 $0xFFFFFEF7, lr;
	s5 =	simm.s32 $0xFFFFFFFF;
	p2 =	slt.u32 s8, $0xFFFFF086  }
0x1c: {  	p1 =	slt.u32 s9, $0xF7A;
	s5 =	simm.s32 @!p2 $0x0  }
0x1d: {  	s5 =	simm.s32 @p1 $0x1;
	p0 =	seq.s32 s7, s2  }
0x1e: {  	s7 =	smul.u32 @!p0 $0xF7A, s2;
	p2 =	seq.s32 @!p0 s5, $0x0  }
0x1f: {  	s9 =	smul.u32 $0xF7A, s1;
	s8 =	simm.s32 @!p0 $0x1BF5;
	p2 =	por !p2, p0  }
0x20: {  	[sflag:s8] =	ssyncset.s32 @!p0 $0xFFFFF086;
	s6 =	sadd.s32 @!p0 s3, s7;
	s7 =	simm.s32 @!p0 $0x108  }
0x21: {  	s3 =	sadd.s32 s3, s9;
	s6 =	sadd.s32 @!p0 $0x88, s6;
	s7 =	simm.s32 @p2 $0x1082  }
0x22: {  	[simem:s7], [sflag:s8] =	dma.local @!p0 [hbm:s6], $0xF7A  }
0x23: {  	s9 =	sor.u32 $0xD0000000, s2;
	s6 =	simm.s32 $0x108;
	_ =	swait.ge @!p0 [sflag:s8], $0x0  }
0x24: {  	s3 =	sadd.s32 $0x88, s3;
	s6 =	simm.s32 @!p1 $0x1082;
	[sflag:s4] =	ssyncset.s32 $0xFFFFF086  }
0x25: {  	[simem:s6], [sflag:s4] =	dma.local [hbm:s3], $0xF7A  }
0x26: {  	[smem:$0x3F95] =	sst s1;
	(tag) =	ssettag s2;
	_ =	strace s9  }
0x27: {  	s1 =	sld [smem:$0x3FA5]  }
0x28: {  	s2 =	sld [smem:$0x3FA6]  }
0x29: {  	s4 =	sld [smem:$0x3FA8]  }
0x2a: {  	p0 =	seq.s32 s5, $0x0;
	s5 =	sld [smem:$0x3FA9]  }
0x2b: {  	s6 =	sld [smem:$0x3FAA]  }
0x2c: {  	s7 =	sld [smem:$0x3FAB]  }
0x2d: {  	s3 =	simm.s32 $0x108;
	s8 =	sld [smem:$0x3FAC]  }
0x2e: {  	s3 =	simm.s32 @!p0 $0x1082;
	s9 =	sld [smem:$0x3FAD]  }
0x2f: {  	lr =	sadd.s32 s0, s3;
	s0 =	sld [smem:$0x3FA4]  }
0x30: {  	s3 =	sld [smem:$0x3FA7]  }
0x31: {  	[smem:$0x3FB0] =	sst s10  }
0x32: {  	s10 =	sld [smem:$0x3FAE];
	_ =	sdelay $0x3  }
0x33: {  	p0 =	seq.s32 s10, $0x1;
	s10 =	sld [smem:$0x3FB0];
	_ =	sdelay $0x3  }
0x34: {  	[smem:$0x3FB0] =	sst s10  }
0x35: {  	s10 =	sld [smem:$0x3FAF];
	_ =	sdelay $0x3  }
0x36: {  	p1 =	seq.s32 s10, $0x1;
	s10 =	sld [smem:$0x3FB0];
	_ =	sdelay $0x3  }
0x37: {  	[smem:$0x3FB0] =	sst s10  }
0x38: {  	s10 =	sld [smem:$0x3FB1]  }
0x39: {  	_ = 	snop;
	(pc) =	sbr.ind lr, $3  }
0x3a: {  	_ = 	snop  }
0x3b: {  	_ = 	snop  }
0x3c: {  	p2 =	seq.s32 s10, $0x1;
	s10 =	sld [smem:$0x3FB0]  }
0x3d: {  	_ =	shalt  }
0x3e: {  	_ =	shalt  }
0x3f: {  	_ =	shalt  }
0x40: {  	_ =	shalt  }
0x41: {  	_ =	shalt  }
0x42: {  	_ =	shalt  }
0x43: {  	_ =	shalt  }
0x44: {  	_ =	shalt  }
0x45: {  	_ =	shalt  }
0x46: {  	_ =	shalt  }
0x47: {  	_ =	shalt  }
0x48: {  	_ =	shalt  }
0x49: {  	_ =	shalt  }
0x4a: {  	_ =	shalt  }
0x4b: {  	_ =	shalt  }
0x4c: {  	_ =	shalt  }
0x4d: {  	_ =	shalt  }
0x4e: {  	_ =	shalt  }
0x4f: {  	_ =	shalt  }
0x50: {  	_ =	shalt  }
0x51: {  	_ =	shalt  }
0x52: {  	_ =	shalt  }
0x53: {  	_ =	shalt  }
0x54: {  	_ =	shalt  }
0x55: {  	_ =	shalt  }
0x56: {  	_ =	shalt  }
0x57: {  	_ =	shalt  }
0x58: {  	_ =	shalt  }
0x59: {  	_ =	shalt  }
0x5a: {  	_ =	shalt  }
0x5b: {  	_ =	shalt  }
0x5c: {  	_ =	shalt  }
0x5d: {  	_ =	shalt  }
0x5e: {  	_ =	shalt  }
0x5f: {  	_ =	shalt  }
0x60: {  	_ =	shalt  }
0x61: {  	_ =	shalt  }
0x62: {  	_ =	shalt  }
0x63: {  	_ =	shalt  }
0x64: {  	_ =	shalt  }
0x65: {  	_ =	shalt  }
0x66: {  	_ =	shalt  }
0x67: {  	_ =	shalt  }
0x68: {  	_ =	shalt  }
0x69: {  	_ =	shalt  }
0x6a: {  	_ =	shalt  }
0x6b: {  	_ =	shalt  }
0x6c: {  	_ =	shalt  }
0x6d: {  	_ =	shalt  }
0x6e: {  	_ =	shalt  }
0x6f: {  	_ =	shalt  }
0x70: {  	_ =	shalt  }
0x71: {  	_ =	shalt  }
0x72: {  	_ =	shalt  }
0x73: {  	_ =	shalt  }
0x74: {  	_ =	shalt  }
0x75: {  	_ =	shalt  }
0x76: {  	_ =	shalt  }
0x77: {  	_ =	shalt  }
0x78: {  	_ =	shalt  }
0x79: {  	_ =	shalt  }
0x7a: {  	_ =	shalt  }
0x7b: {  	_ =	shalt  }
0x7c: {  	_ =	shalt  }
0x7d: {  	_ =	shalt  }
0x7e: {  	_ =	shalt  }
0x7f: {  	_ =	shalt  }
0x80: {  	_ =	shalt  }
0x81: {  	_ =	shalt  }
0x82: {  	_ =	shalt  }
0x83: {  	_ =	shalt  }
0x84: {  	_ =	shalt  }
0x85: {  	_ =	shalt  }
0x86: {  	_ =	shalt  }
0x87: {  	_ =	shalt  }
.Lfunc_end0:
.L_simem_size_0:
called_computation.2_lowered:
.L_overlay_start_0:
0x88: {  	s2 =	sld [smem:$0x3FD9]  }
0x89: {  	s3 =	sld [smem:$0x3FFE];
	_ =	sdelay $0x1  }
0x8a: {  	s1 =	srdreg.scid  }
0x8b: {  	s0 =	sand.u32 $0x1, s1  }
0x8c: {  	s16 =	sshll.u32 s0, $0xA;
	s2 =	sadd.s32 s3, s2  }
0x8d: {  	s2 =	sadd.s32 s2, s16  }
0x8e: {  	[smem:$0x3FBC] =	sst s2  }
0x8f: {  	_ = 	snop  }
0x90: {  	(tm) =	ssettm $0x1  }
0x91: {  	s17 =	sld [smem:$0x3FFB];
	_ =	sdelay $0x3  }
0x92: {  	_ =	strace s17  }
0x93: {  	s2 =	sld [smem:$0x3FFC];
	_ =	sdelay $0x3  }
0x94: {  	_ =	strace s2  }
0x95: {  	s2 =	sld [smem:$0x3FFD];
	_ =	sdelay $0x3  }
0x96: {  	_ =	strace s2  }
0x97: {  	_ =	strace $0x8FFFFFFF  }
0x98: {  	s18 =	sld [smem:$0x3FDB];
	_ =	sdelay $0x1  }
0x99: {  	s19 =	simm.s32 $_scs_section_size  }
0x9a: {  	s4 =	simm.s32 $_size__tile_overlayer_lowered;
	s5 =	simm.s32 $_tile_overlayer_lowered  }
0x9b: {  	s22 =	simm.s32 $0x1BFF;
	s21 =	sshll.u32 s5, $0x1;
	s2 =	sadd.s32 s19, s18  }
0x9c: {  	s6 =	simm.s32 $0x0;
	s20 =	sshll.u32 s4, $0x1;
	s4 =	sadd.s32 s21, s2  }
0x9d: {  	[timem:s6], [sflag:s22] =	dma.local [hbm:s4], s20  }
0x9e: {  	_ =	swait.ge [sflag:s22], s20  }
0x9f: {  	s3 =	ssub.s32 $0x0, s20;
	[sflag:s22] =	ssyncset.done $0x0  }
0xa0: {  	[sflag:s22] =	ssyncadd.s32 s3;
	_ =	sdelay $0x1  }
0xa1: {  	s23 =	simm.s32 $0x1B8B  }
0xa2: {  	_ =	swait.ge [sflag:s23], $0x1  }
0xa3: {  	[sflag:s23] =	ssyncset.done $0x0  }
0xa4: {  	s25 =	simm.s32 $0x1B8E;
	s24 =	sld [smem:$0x3FFE];
	[sflag:s23] =	ssyncadd.s32 $0xFFFFFFFF  }
0xa5: {  	s26 =	simm.s32 $execute0_lowered;
	[smem:$0x3FD2] =	sst s25  }
0xa6: {  	s4 =	sshll.u32 s26, $0x1;
	_ =	strace $0x8000004C;
	[dreg:$0x1] =	wrdreg $0xFFFFFFFF  }
0xa7: {  	s28 =	simm.s32 $_size_execute0_lowered;
	s2 =	sadd.s32 s2, s4;
	[dreg:$0x0] =	wrdreg $0x0  }
0xa8: {  	s4 =	sshll.u32 s28, $0x1;
	[dreg:$0x2] =	wrdreg s2  }
0xa9: {  	[dreg:$0x3] =	wrdreg s4  }
0xaa: {  	[dreg:$0x4] =	wrdreg $0xC0  }
0xab: {  	_ =	task [dreg:s6], $0x5FFFF  }
0xac: {  	[dreg:$0x1] =	wrdreg $0xFFFFFFFF  }
0xad: {  	[dreg:$0x0] =	wrdreg $0x60  }
0xae: {  	[dreg:$0x2] =	wrdreg s24  }
0xaf: {  	[dreg:$0x3] =	wrdreg $0xEF000  }
0xb0: {  	[dreg:$0x4] =	wrdreg $0x9F000  }
0xb1: {  	[dreg:$0x5] =	wrdreg $0x9  }
0xb2: {  	_ =	task.clear_ibuf [dreg:s6], $0x6FFFF;
	_ =	strace $0x9000004C  }
0xb3: {  	s29 =	simm.s32 $0x9;
	_ =	strace $0x8000004E  }
0xb4: {  	_ =	swait.ge [sflag:s29], $0x1  }
0xb5: {  	[sflag:s29] =	ssyncadd.s32 $0xFFFFFFFF  }
0xb6: {  	_ =	strace $0x9000004E  }
0xb7: {  	_ =	sfence  }
0xb8: {  	s30 =	sld [smem:$0x0];
	_ =	sdelay $0x2  }
0xb9: {  	s31 =	sshll.u32 s1, $0xD;
	s1 =	sshrl.u32 s1, $0x2  }
0xba: {  	s3 =	sand.u32 $0x4000, s31;
	s1 =	sadd.s32 s1, s30  }
0xbb: {  	s0 =	sor.u32 s3, s0;
	s1 =	sshll.u32 s1, $0x11  }
0xbc: {  	s0 =	sor.u32 s1, s0  }
0xbd: {  	s0 =	sadd.s32 $0x8F2B, s0  }
0xbe: {  	[sflag:s0] =	ssyncadd.remote.s32 $0x1  }
0xbf: {  	_ =	sfence.sel $0xFFFF  }
0xc0: {  	[dreg:$0x0] =	wrdreg $0xFFFFFFFF;
	(pc) =	sbr.abs _section_cstart, $3  }
0xc1: {  	[dreg:$0x1] =	wrdreg $0xFFFFFFFF  }
0xc2: {  	_ =	task.clear_ibuf [dreg:s6], $0x2FFFF;
	_ =	strace $0x9FFFFFFF  }
0xc3: {  	(tm) =	ssettm $0x7FFFFFFF  }
tec
execute0_lowered:
.L_overlay_start_1:
0x0: {  	(tag) =	ssettag $0x1  }
0x1: {  	s0 =	rddreg [dreg:$0x0]  }
0x2: {  	s1 =	rddreg [dreg:$0x1];
	s2 =	srdreg.scid  }
0x3: {  	s3 =	rddreg [dreg:$0x2];
	s10 =	stileid.u32;
	s4 =	simm.s32 $0x0  }
0x4: {  	s22 =	simm.s32 $0x8F00;
	s23 =	simm.s32 $0x80;
	s24 =	simm.s32 $0x4F00  }
0x5: {  	s28 =	simm.s32 $0x6F00;
	s30 =	simm.s32 $0x7F00;
	s31 =	simm.s32 $0x1  }
0x6: {  	s20 =	simm.s32 $0x4;
	s2 =	sand.u32 $0x1, s2;
	s7 =	smul.u32 $0x4E20, s10  }
0x7: {  	[smem:$0x7FF] =	sst s4;
	s12 =	smul.u32 $0x5000, s10;
	s5 =	sshll.u32 s2, $0x4  }
0x8: {  	_ =	strace $0x8000004D;
	s25 =	ssub.s32 $0x2, s2;
	s2 =	smul.u32 $0x50000, s2  }
0x9: {  	s5 =	sor.u32 s10, s5;
	s6 =	sshrl.u32 s7, $0x3;
	s9 =	sshrl.u32 s25, $0x1  }
0xa: {  	s29 =	sadd.s32 s7, s1;
	s13 =	sadd.s32 $0x1000, s12;
	s15 =	sadd.s32 $0x2000, s12  }
0xb: {  	s16 =	sadd.s32 $0x3000, s12;
	s17 =	sadd.s32 $0x4000, s12;
	s5 =	smul.u32 $0x4F0, s5  }
0xc: {  	s8 =	sadd.s32 s6, s0;
	s18 =	ssub.s32 s25, s9;
	s9 =	sadd.s32 s13, s3  }
0xd: {  	s10 =	sadd.s32 s15, s3;
	s11 =	sadd.s32 s16, s3;
	s14 =	sadd.s32 s12, s2  }
0xe: {  	s13 =	sadd.s32 s2, s13;
	s15 =	sadd.s32 s2, s15;
	s16 =	sadd.s32 s2, s16  }
0xf: {  	s2 =	sadd.s32 s2, s17;
	s21 =	sshrl.u32 s29, $0x3;
	s25 =	simm.s32 $0x5F00  }
0x10: {  	s7 =	sadd.s32 $0xBC00, s8;
	s8 =	sadd.s32 s12, s3;
	s14 =	sshrl.u32 s14, $0x3  }
0x11: {  	s19 =	sshrl.u32 s13, $0x3;
	s12 =	sadd.s32 s17, s3;
	s15 =	sshrl.u32 s15, $0x3  }
0x12: {  	s16 =	sshrl.u32 s16, $0x3;
	s2 =	sshrl.u32 s2, $0x3;
	s5 =	sadd.s32 s5, s0  }
0x13: {  	s18 =	smax.u32 s18, $0x1;
	s0 =	sadd.s32 $0x1FA00, s0;
	s26 =	sadd.s32 $0x15C00, s5  }
0x14: {  	s5 =	sadd.s32 $0x1E00, s5;
	s13 =	sadd.s32 s0, s14;
	s14 =	sadd.s32 s0, s19  }
0x15: {  	s15 =	sadd.s32 s0, s15;
	s16 =	sadd.s32 s0, s16;
	s17 =	sadd.s32 s0, s2  }
0x16: {  	s19 =	simm.s32 $0x5;
	s0 =	simm.s32 $0x2;
	[dreg:$0x4] =	wrdreg s26  }
0x17: {  	v0 =	vimm.f32 $0.0e+00;
	s2 =	simm.s32 $0x3;
	[dreg:$0x5] =	wrdreg s5;
	s26 =	simm.s32 $0x0  }
.LBB2_1:
0x18: {  	s5 =	rddreg [dreg:$0x4]  }
0x19: {  	[tilespmem:s4], [sflag:$0x5] =	stream.linear.gather [hbm4b:s5+s4], $0x2780, $0x38;
	[tilespmem:$0x13D20] =	vst v63  }
0x1a: {  	_ =	swait.ge [sflag:s19], $0x2780  }
0x1b: {  	[sflag:s19] =	ssyncset.done $0x0  }
0x1c: {  	s6 =	simm.s32 $0x2780;
	s5 =	rddreg [dreg:$0x5];
	[sflag:s19] =	ssyncadd.s32 $0xFFFFD880  }
0x1d: {  	[tilespmem:s6], [sflag:$0x5] =	stream.linear.gather [hbm4b:s5+s4], $0x2780, $0x38;
	[tilespmem:$0x13D20] =	vst v63  }
0x1e: {  	s6 =	stileid.u32;
	_ =	swait.ge [sflag:s19], $0x2780  }
0x1f: {  	s5 =	sshll.u32 s6, $0x6;
	[sflag:s19] =	ssyncset.done $0x0  }
0x20: {  	s5 =	sor.u32 $0x1C05, s5;
	[sflag:s19] =	ssyncadd.s32 $0xFFFFD880  }
0x21: {  	[spmem:s21], [sflag:s5] =	dma.local [hbm:s7], $0x9C4  }
0x22: {  	_ =	swait.ge [sflag:s19], $0x9C4  }
0x23: {  	[sflag:s19] =	ssyncset.done $0x0  }
0x24: {  	s29 =	simm.s32 $0x0;
	s5 =	simm.s32 $0x80;
	[sflag:s19] =	ssyncadd.s32 $0xFFFFF63C  }
.LBB2_2:
0x25: {  	p0 =	sne.s32 s5, $0x3F80;
	[tilespmem:s29+$0x8F00] =	vst v0;
	s6 =	smov.u32 s5;
	s5 =	sadd.s32 $0x80, s5  }
.Ltmp0:
0x26: {  	[tilespmem:s29+$0x8F10] =	vst v0;
	(pc) =	sbr.rel @p0 .LBB2_2-.Ltmp0, $2  }
0x27: {  	_ =	sdelay $0x2  }
0x28: {  	s29 =	sshra.s32 s6, $0x2  }
0x29: {  	[tilespmem:s29+$0x8F00] =	vst v0  }
0x2a: {  	[tilespmem:s29+$0x8F10] =	vst v0  }
0x2b: {  	[spmem:s8] =	stream.linear.scatter [tilespmem:s22], [sflag:$0x5], $0x1000, $0x38;
	[tilespmem:$0x13D20] =	vst v63  }
0x2c: {  	_ =	swait.ge [sflag:s19], $0x1000  }
0x2d: {  	[sflag:s19] =	ssyncset.done $0x0  }
0x2e: {  	[sflag:s19] =	ssyncadd.s32 $0xFFFFF000  }
0x2f: {  	[spmem:s9] =	stream.linear.scatter [tilespmem:s22], [sflag:$0x5], $0x1000, $0x38;
	[tilespmem:$0x13D20] =	vst v63  }
0x30: {  	_ =	swait.ge [sflag:s19], $0x1000  }
0x31: {  	[sflag:s19] =	ssyncset.done $0x0  }
0x32: {  	[sflag:s19] =	ssyncadd.s32 $0xFFFFF000  }
0x33: {  	[spmem:s10] =	stream.linear.scatter [tilespmem:s22], [sflag:$0x5], $0x1000, $0x38;
	[tilespmem:$0x13D20] =	vst v63  }
0x34: {  	_ =	swait.ge [sflag:s19], $0x1000  }
0x35: {  	[sflag:s19] =	ssyncset.done $0x0  }
0x36: {  	[sflag:s19] =	ssyncadd.s32 $0xFFFFF000  }
0x37: {  	[spmem:s11] =	stream.linear.scatter [tilespmem:s22], [sflag:$0x5], $0x1000, $0x38;
	[tilespmem:$0x13D20] =	vst v63  }
0x38: {  	_ =	swait.ge [sflag:s19], $0x1000  }
0x39: {  	[sflag:s19] =	ssyncset.done $0x0  }
0x3a: {  	[sflag:s19] =	ssyncadd.s32 $0xFFFFF000  }
0x3b: {  	[spmem:s12] =	stream.linear.scatter [tilespmem:s22], [sflag:$0x5], $0x1000, $0x38;
	[tilespmem:$0x13D20] =	vst v63  }
0x3c: {  	_ =	swait.ge [sflag:s19], $0x1000  }
0x3d: {  	[sflag:s19] =	ssyncset.done $0x0  }
0x3e: {  	[sflag:s19] =	ssyncadd.s32 $0xFFFFF000  }
0x3f: {  	s5 =	simm.s32 $0x0;
	[bflag:$0x0] =	sbarrier.arrive $0xFFFF  }
0x40: {  	[tilespmem:s24], [sflag:$0x1] =	stream.indirect.gather [spmem:s1], $0x20, s5, s23, $0xb8;
	[tilespmem:$0x13D20] =	vst v63  }
0x41: {  	_ = 	snop  }
0x42: {  	[tilespmem:s25], [sflag:$0x2] =	stream.indirect.gather [spmem:s1], $0x20, s23, s23, $0xb8;
	[tilespmem:$0x13D20] =	vst v63  }
0x43: {  	s6 =	simm.s32 $0x100  }
0x44: {  	[tilespmem:s28], [sflag:$0x3] =	stream.indirect.gather [spmem:s1], $0x20, s6, s23, $0xb8;
	[tilespmem:$0x13D20] =	vst v63  }
0x45: {  	s6 =	simm.s32 $0x180  }
0x46: {  	[tilespmem:s30], [sflag:$0x4] =	stream.indirect.gather [spmem:s1], $0x20, s6, s23, $0xb8;
	[tilespmem:$0x13D20] =	vst v63  }
0x47: {  	_ =	swait.ge [sflag:s31], $0x1000  }
0x48: {  	[sflag:s31] =	ssyncset.done $0x0  }
0x49: {  	s6 =	simm.s32 $0x2780;
	[sflag:s31] =	ssyncadd.s32 $0xFFFFF000  }
0x4a: {  	[spmem:s3] =	stream.indirect.scatter.add.f32 [tilespmem:s24], [sflag:$0x5], $0x20, s6, s23, $0xb8;
	[tilespmem:$0x13D20] =	vst v63  }
0x4b: {  	_ =	swait.ge [sflag:s19], $0x1000  }
0x4c: {  	[sflag:s19] =	ssyncset.done $0x0  }
0x4d: {  	s6 =	simm.s32 $0x200;
	[sflag:s19] =	ssyncadd.s32 $0xFFFFF000  }
0x4e: {  	[tilespmem:s24], [sflag:$0x1] =	stream.indirect.gather [spmem:s1], $0x20, s6, s23, $0xb8;
	[tilespmem:$0x13D20] =	vst v63  }
0x4f: {  	_ =	swait.ge [sflag:s0], $0x1000  }
0x50: {  	[sflag:s0] =	ssyncset.done $0x0  }
0x51: {  	s6 =	simm.s32 $0x2800;
	[sflag:s0] =	ssyncadd.s32 $0xFFFFF000  }
0x52: {  	[spmem:s3] =	stream.indirect.scatter.add.f32 [tilespmem:s25], [sflag:$0x5], $0x20, s6, s23, $0xb8;
	[tilespmem:$0x13D20] =	vst v63  }
0x53: {  	_ =	swait.ge [sflag:s19], $0x1000  }
0x54: {  	[sflag:s19] =	ssyncset.done $0x0  }
0x55: {  	s6 =	simm.s32 $0x280;
	[sflag:s19] =	ssyncadd.s32 $0xFFFFF000  }
0x56: {  	[tilespmem:s25], [sflag:$0x2] =	stream.indirect.gather [spmem:s1], $0x20, s6, s23, $0xb8;
	[tilespmem:$0x13D20] =	vst v63  }
0x57: {  	_ =	swait.ge [sflag:s2], $0x1000  }
0x58: {  	[sflag:s2] =	ssyncset.done $0x0  }
0x59: {  	s6 =	simm.s32 $0x2880;
	[sflag:s2] =	ssyncadd.s32 $0xFFFFF000  }
0x5a: {  	[spmem:s3] =	stream.indirect.scatter.add.f32 [tilespmem:s28], [sflag:$0x5], $0x20, s6, s23, $0xb8;
	[tilespmem:$0x13D20] =	vst v63  }
0x5b: {  	_ =	swait.ge [sflag:s19], $0x1000  }
0x5c: {  	[sflag:s19] =	ssyncset.done $0x0  }
0x5d: {  	s6 =	simm.s32 $0x300;
	[sflag:s19] =	ssyncadd.s32 $0xFFFFF000  }
0x5e: {  	[tilespmem:s28], [sflag:$0x3] =	stream.indirect.gather [spmem:s1], $0x20, s6, s23, $0xb8;
	[tilespmem:$0x13D20] =	vst v63  }
0x5f: {  	_ =	swait.ge [sflag:s20], $0x1000  }
0x60: {  	[sflag:s20] =	ssyncset.done $0x0  }
0x61: {  	s6 =	simm.s32 $0x2900;
	[sflag:s20] =	ssyncadd.s32 $0xFFFFF000  }
0x62: {  	[spmem:s3] =	stream.indirect.scatter.add.f32 [tilespmem:s30], [sflag:$0x5], $0x20, s6, s23, $0xb8;
	[tilespmem:$0x13D20] =	vst v63  }
0x63: {  	_ =	swait.ge [sflag:s19], $0x1000  }
0x64: {  	[sflag:s19] =	ssyncset.done $0x0  }
0x65: {  	s29 =	simm.s32 $0x800;
	s5 =	simm.s32 $0x380;
	[sflag:s19] =	ssyncadd.s32 $0xFFFFF000  }
.LBB2_4:
0x66: {  	[tilespmem:s30], [sflag:$0x4] =	stream.indirect.gather [spmem:s1], $0x20, s5, s23, $0xb8;
	[tilespmem:$0x13D20] =	vst v63  }
0x67: {  	s5 =	smov.u32 s29  }
0x68: {  	p0 =	sne.s32 s29, $0x8800;
	s29 =	sadd.s32 $0x800, s29;
	_ =	swait.ge [sflag:s31], $0x1000  }
0x69: {  	s5 =	sshra.s32 s5, $0x2;
	[sflag:s31] =	ssyncset.done $0x0  }
0x6a: {  	s6 =	sadd.s32 $0x2780, s5;
	[sflag:s31] =	ssyncadd.s32 $0xFFFFF000  }
0x6b: {  	[spmem:s3] =	stream.indirect.scatter.add.f32 [tilespmem:s24], [sflag:$0x5], $0x20, s6, s23, $0xb8;
	[tilespmem:$0x13D20] =	vst v63  }
0x6c: {  	_ =	swait.ge [sflag:s19], $0x1000  }
0x6d: {  	[sflag:s19] =	ssyncset.done $0x0  }
0x6e: {  	s6 =	sadd.s32 $0x200, s5;
	[sflag:s19] =	ssyncadd.s32 $0xFFFFF000  }
0x6f: {  	[tilespmem:s24], [sflag:$0x1] =	stream.indirect.gather [spmem:s1], $0x20, s6, s23, $0xb8;
	[tilespmem:$0x13D20] =	vst v63  }
0x70: {  	_ =	swait.ge [sflag:s0], $0x1000  }
0x71: {  	[sflag:s0] =	ssyncset.done $0x0  }
0x72: {  	s6 =	sadd.s32 $0x2800, s5;
	[sflag:s0] =	ssyncadd.s32 $0xFFFFF000  }
0x73: {  	[spmem:s3] =	stream.indirect.scatter.add.f32 [tilespmem:s25], [sflag:$0x5], $0x20, s6, s23, $0xb8;
	[tilespmem:$0x13D20] =	vst v63  }
0x74: {  	_ =	swait.ge [sflag:s19], $0x1000  }
0x75: {  	[sflag:s19] =	ssyncset.done $0x0  }
0x76: {  	s6 =	sadd.s32 $0x280, s5;
	[sflag:s19] =	ssyncadd.s32 $0xFFFFF000  }
0x77: {  	[tilespmem:s25], [sflag:$0x2] =	stream.indirect.gather [spmem:s1], $0x20, s6, s23, $0xb8;
	[tilespmem:$0x13D20] =	vst v63  }
0x78: {  	_ =	swait.ge [sflag:s2], $0x1000  }
0x79: {  	[sflag:s2] =	ssyncset.done $0x0  }
0x7a: {  	s6 =	sadd.s32 $0x2880, s5;
	[sflag:s2] =	ssyncadd.s32 $0xFFFFF000  }
0x7b: {  	[spmem:s3] =	stream.indirect.scatter.add.f32 [tilespmem:s28], [sflag:$0x5], $0x20, s6, s23, $0xb8;
	[tilespmem:$0x13D20] =	vst v63  }
0x7c: {  	_ =	swait.ge [sflag:s19], $0x1000  }
0x7d: {  	[sflag:s19] =	ssyncset.done $0x0  }
0x7e: {  	s6 =	sadd.s32 $0x300, s5;
	[sflag:s19] =	ssyncadd.s32 $0xFFFFF000  }
0x7f: {  	[tilespmem:s28], [sflag:$0x3] =	stream.indirect.gather [spmem:s1], $0x20, s6, s23, $0xb8;
	[tilespmem:$0x13D20] =	vst v63  }
0x80: {  	_ =	swait.ge [sflag:s20], $0x1000  }
0x81: {  	[sflag:s20] =	ssyncset.done $0x0  }
.Ltmp1:
0x82: {  	s6 =	sadd.s32 $0x2900, s5;
	[sflag:s20] =	ssyncadd.s32 $0xFFFFF000;
	(pc) =	sbr.rel @p0 .LBB2_4-.Ltmp1, $4  }
0x83: {  	[spmem:s3] =	stream.indirect.scatter.add.f32 [tilespmem:s30], [sflag:$0x5], $0x20, s6, s23, $0xb8;
	[tilespmem:$0x13D20] =	vst v63  }
0x84: {  	_ =	swait.ge [sflag:s19], $0x1000  }
0x85: {  	[sflag:s19] =	ssyncset.done $0x0  }
0x86: {  	s5 =	sadd.s32 $0x380, s5;
	[sflag:s19] =	ssyncadd.s32 $0xFFFFF000  }
0x87: {  	[tilespmem:s30], [sflag:$0x4] =	stream.indirect.gather [spmem:s1], $0x20, s5, s23, $0xb8;
	[tilespmem:$0x13D20] =	vst v63  }
0x88: {  	_ =	swait.ge [sflag:s31], $0x1000  }
0x89: {  	[sflag:s31] =	ssyncset.done $0x0  }
0x8a: {  	s6 =	simm.s32 $0x4B80;
	[sflag:s31] =	ssyncadd.s32 $0xFFFFF000  }
0x8b: {  	[spmem:s3] =	stream.indirect.scatter.add.f32 [tilespmem:s24], [sflag:$0x5], $0x20, s6, s23, $0xb8;
	[tilespmem:$0x13D20] =	vst v63  }
0x8c: {  	_ =	swait.ge [sflag:s19], $0x1000  }
0x8d: {  	[sflag:s19] =	ssyncset.done $0x0  }
0x8e: {  	s29 =	simm.s32 $0x2600;
	[sflag:s19] =	ssyncadd.s32 $0xFFFFF000  }
0x8f: {  	[tilespmem:s24], [sflag:$0x1] =	stream.indirect.gather [spmem:s1], $0x20, s29, s23, $0xb8;
	[tilespmem:$0x13D20] =	vst v63  }
0x90: {  	_ =	swait.ge [sflag:s0], $0x1000  }
0x91: {  	[sflag:s0] =	ssyncset.done $0x0  }
0x92: {  	s6 =	simm.s32 $0x4C00;
	[sflag:s0] =	ssyncadd.s32 $0xFFFFF000  }
0x93: {  	[spmem:s3] =	stream.indirect.scatter.add.f32 [tilespmem:s25], [sflag:$0x5], $0x20, s6, s23, $0xb8;
	[tilespmem:$0x13D20] =	vst v63  }
0x94: {  	_ =	swait.ge [sflag:s19], $0x1000  }
0x95: {  	[sflag:s19] =	ssyncset.done $0x0  }
0x96: {  	s29 =	simm.s32 $0x2680;
	[sflag:s19] =	ssyncadd.s32 $0xFFFFF000  }
0x97: {  	[tilespmem:s25], [sflag:$0x2] =	stream.indirect.gather [spmem:s1], $0x20, s29, s23, $0xb8;
	[tilespmem:$0x13D20] =	vst v63  }
0x98: {  	_ =	swait.ge [sflag:s2], $0x1000  }
0x99: {  	[sflag:s2] =	ssyncset.done $0x0  }
0x9a: {  	s6 =	simm.s32 $0x4C80;
	[sflag:s2] =	ssyncadd.s32 $0xFFFFF000  }
0x9b: {  	[spmem:s3] =	stream.indirect.scatter.add.f32 [tilespmem:s28], [sflag:$0x5], $0x20, s6, s23, $0xb8;
	[tilespmem:$0x13D20] =	vst v63  }
0x9c: {  	_ =	swait.ge [sflag:s19], $0x1000  }
0x9d: {  	[sflag:s19] =	ssyncset.done $0x0  }
0x9e: {  	s29 =	simm.s32 $0x2700;
	[sflag:s19] =	ssyncadd.s32 $0xFFFFF000  }
0x9f: {  	[tilespmem:s28], [sflag:$0x3] =	stream.indirect.gather [spmem:s1], $0x20, s29, s23, $0xb8;
	[tilespmem:$0x13D20] =	vst v63  }
0xa0: {  	_ =	swait.ge [sflag:s20], $0x1000  }
0xa1: {  	[sflag:s20] =	ssyncset.done $0x0  }
0xa2: {  	s6 =	simm.s32 $0x4D00;
	[sflag:s20] =	ssyncadd.s32 $0xFFFFF000  }
0xa3: {  	[spmem:s3] =	stream.indirect.scatter.add.f32 [tilespmem:s30], [sflag:$0x5], $0x20, s6, s23, $0xb8;
	[tilespmem:$0x13D20] =	vst v63  }
0xa4: {  	_ =	swait.ge [sflag:s19], $0x1000  }
0xa5: {  	[sflag:s19] =	ssyncset.done $0x0  }
0xa6: {  	[sflag:s19] =	ssyncadd.s32 $0xFFFFF000  }
0xa7: {  	_ =	swait.ge [sflag:s31], $0x1000  }
0xa8: {  	[sflag:s31] =	ssyncset.done $0x0  }
0xa9: {  	s29 =	simm.s32 $0x4D80;
	[sflag:s31] =	ssyncadd.s32 $0xFFFFF000  }
0xaa: {  	[spmem:s3] =	stream.indirect.scatter.add.f32 [tilespmem:s24], [sflag:$0x5], $0x20, s29, s23, $0xb8;
	[tilespmem:$0x13D20] =	vst v63  }
0xab: {  	_ =	swait.ge [sflag:s19], $0x1000  }
0xac: {  	[sflag:s19] =	ssyncset.done $0x0  }
0xad: {  	[sflag:s19] =	ssyncadd.s32 $0xFFFFF000  }
0xae: {  	_ =	swait.ge [sflag:s0], $0x1000  }
0xaf: {  	[sflag:s0] =	ssyncset.done $0x0  }
0xb0: {  	s6 =	simm.s32 $0x4E00;
	[sflag:s0] =	ssyncadd.s32 $0xFFFFF000  }
0xb1: {  	[spmem:s3] =	stream.indirect.scatter.add.f32 [tilespmem:s25], [sflag:$0x5], $0x20, s6, s23, $0xb8;
	[tilespmem:$0x13D20] =	vst v63  }
0xb2: {  	_ =	swait.ge [sflag:s19], $0x1000  }
0xb3: {  	[sflag:s19] =	ssyncset.done $0x0  }
0xb4: {  	[sflag:s19] =	ssyncadd.s32 $0xFFFFF000  }
0xb5: {  	_ =	swait.ge [sflag:s2], $0x1000  }
0xb6: {  	[sflag:s2] =	ssyncset.done $0x0  }
0xb7: {  	s29 =	simm.s32 $0x4E80;
	[sflag:s2] =	ssyncadd.s32 $0xFFFFF000  }
0xb8: {  	[spmem:s3] =	stream.indirect.scatter.add.f32 [tilespmem:s28], [sflag:$0x5], $0x20, s29, s23, $0xb8;
	[tilespmem:$0x13D20] =	vst v63  }
0xb9: {  	_ =	swait.ge [sflag:s19], $0x1000  }
0xba: {  	[sflag:s19] =	ssyncset.done $0x0  }
0xbb: {  	[sflag:s19] =	ssyncadd.s32 $0xFFFFF000  }
0xbc: {  	[bflag:$0x0] =	sbarrier.arrive $0xFFFF  }
0xbd: {  	[tilespmem:s24], [sflag:$0x5] =	stream.linear.gather [spmem:s8], $0x1000, $0x38;
	[tilespmem:$0x13D20] =	vst v63  }
0xbe: {  	_ =	swait.ge [sflag:s19], $0x1000  }
0xbf: {  	[sflag:s19] =	ssyncset.done $0x0  }
0xc0: {  	[sflag:s19] =	ssyncadd.s32 $0xFFFFF000  }
0xc1: {  	[hbm4b:s13+s4] =	stream.linear.scatter [tilespmem:s24], [sflag:$0x5], $0x1000, $0x38;
	[tilespmem:$0x13D20] =	vst v63  }
0xc2: {  	_ =	swait.ge [sflag:s19], $0x1000  }
0xc3: {  	[sflag:s19] =	ssyncset.done $0x0  }
0xc4: {  	[sflag:s19] =	ssyncadd.s32 $0xFFFFF000  }
0xc5: {  	[tilespmem:s24], [sflag:$0x5] =	stream.linear.gather [spmem:s9], $0x1000, $0x38;
	[tilespmem:$0x13D20] =	vst v63  }
0xc6: {  	_ =	swait.ge [sflag:s19], $0x1000  }
0xc7: {  	[sflag:s19] =	ssyncset.done $0x0  }
0xc8: {  	[sflag:s19] =	ssyncadd.s32 $0xFFFFF000  }
0xc9: {  	[hbm4b:s14+s4] =	stream.linear.scatter [tilespmem:s24], [sflag:$0x5], $0x1000, $0x38;
	[tilespmem:$0x13D20] =	vst v63  }
0xca: {  	_ =	swait.ge [sflag:s19], $0x1000  }
0xcb: {  	[sflag:s19] =	ssyncset.done $0x0  }
0xcc: {  	[sflag:s19] =	ssyncadd.s32 $0xFFFFF000  }
0xcd: {  	[tilespmem:s24], [sflag:$0x5] =	stream.linear.gather [spmem:s10], $0x1000, $0x38;
	[tilespmem:$0x13D20] =	vst v63  }
0xce: {  	_ =	swait.ge [sflag:s19], $0x1000  }
0xcf: {  	[sflag:s19] =	ssyncset.done $0x0  }
0xd0: {  	[sflag:s19] =	ssyncadd.s32 $0xFFFFF000  }
0xd1: {  	[hbm4b:s15+s4] =	stream.linear.scatter [tilespmem:s24], [sflag:$0x5], $0x1000, $0x38;
	[tilespmem:$0x13D20] =	vst v63  }
0xd2: {  	_ =	swait.ge [sflag:s19], $0x1000  }
0xd3: {  	[sflag:s19] =	ssyncset.done $0x0  }
0xd4: {  	[sflag:s19] =	ssyncadd.s32 $0xFFFFF000  }
0xd5: {  	[tilespmem:s24], [sflag:$0x5] =	stream.linear.gather [spmem:s11], $0x1000, $0x38;
	[tilespmem:$0x13D20] =	vst v63  }
0xd6: {  	_ =	swait.ge [sflag:s19], $0x1000  }
0xd7: {  	[sflag:s19] =	ssyncset.done $0x0  }
0xd8: {  	[sflag:s19] =	ssyncadd.s32 $0xFFFFF000  }
0xd9: {  	[hbm4b:s16+s4] =	stream.linear.scatter [tilespmem:s24], [sflag:$0x5], $0x1000, $0x38;
	[tilespmem:$0x13D20] =	vst v63  }
0xda: {  	_ =	swait.ge [sflag:s19], $0x1000  }
0xdb: {  	[sflag:s19] =	ssyncset.done $0x0  }
0xdc: {  	[sflag:s19] =	ssyncadd.s32 $0xFFFFF000  }
0xdd: {  	[tilespmem:s24], [sflag:$0x5] =	stream.linear.gather [spmem:s12], $0x1000, $0x38;
	[tilespmem:$0x13D20] =	vst v63  }
0xde: {  	s26 =	sadd.s32 $0x1, s26;
	_ =	swait.ge [sflag:s19], $0x1000  }
0xdf: {  	p0 =	sne.s32 s26, s18;
	[sflag:s19] =	ssyncset.done $0x0  }
.Ltmp2:
0xe0: {  	[sflag:s19] =	ssyncadd.s32 $0xFFFFF000;
	(pc) =	sbr.rel @p0 .LBB2_1-.Ltmp2, $4  }
0xe1: {  	[hbm4b:s17+s4] =	stream.linear.scatter [tilespmem:s24], [sflag:$0x5], $0x1000, $0x38;
	[tilespmem:$0x13D20] =	vst v63  }
0xe2: {  	_ =	swait.ge [sflag:s19], $0x1000  }
0xe3: {  	[sflag:s19] =	ssyncset.done $0x0  }
0xe4: {  	[sflag:s19] =	ssyncadd.s32 $0xFFFFF000  }
0xe5: {  	_ =	sfence.sel $0x180000  }
0xe6: {  	[bflag:$0x0] =	sbarrier.arrive $0xFFFF  }
0xe7: {  	_ =	strace $0x9000004D  }
0xe8: {  	s0 =	stileid.u32;
	[bflag:$0x2] =	sbarrier.arrive $0xFFFF  }
0xe9: {  	p0 =	sne.s32 s0, $0x0;
	s0 =	rddreg [dreg:$0x3]  }
0xea: {  	s0 =	sadd.s32 @!p0 $0x100000, s0  }
0xeb: {  	[sflag:s0] =	ssyncadd.tile.s32 @!p0 $0x1;
	_ =	shalt  }
.Lfunc_end2:
_tile_overlayer_lowered:
.L_overlay_start_2:
0xec: {  	(tag) =	ssettag $0x2  }
0xed: {  	s0 =	rddreg [dreg:$0x0];
	s2 =	stileid.u32  }
0xee: {  	s1 =	rddreg [dreg:$0x1];
	p0 =	sne.s32 s2, $0x0  }
0xef: {  	s3 =	rddreg [dreg:$0x2];
	[bflag:$0x3] =	sbarrier.arrive $0xFFFF;
	s2 =	simm.s32 @!p0 $0x1C05  }
0xf0: {  	[timem:s3], [sflag:s2] =	dma.local @!p0 [hbm:s0], s1  }
0xf1: {  	s0 =	simm.s32 @!p0 $0x5  }
0xf2: {  	_ =	swait.ge @!p0 [sflag:s0], s1  }
0xf3: {  	s1 =	ssub.s32 @!p0 $0x0, s1;
	[sflag:s0] =	ssyncset.done @!p0 $0x0  }
0xf4: {  	[sflag:s0] =	ssyncadd.s32 @!p0 s1  }
0xf5: {  	[bflag:$0x3] =	sbarrier.arrive $0xFFFF  }
0xf6: {  	_ =	shalt  }

// kernel: kernel.19.cloned.1.call-start
scs
__scs_entry_jumppad:
0x0: {  	(pc) =	sbr.rel $0x88, $3  }
0x1: {  	(tag) =	ssettag $0x0;
	lr =	simm.s32 $0x1  }
0x2: {  	[smem:$0x3F95] =	sst lr;
	_ =	strace $0xD0000000  }
0x3: {  	_ = 	snop  }
0x4: {  	_ = 	snop  }
0x5: {  	_ = 	snop  }
0x6: {  	_ = 	snop  }
0x7: {  	_ = 	snop  }
__scs_overlays_trampoline_lowered:
0x8: {  	[smem:$0x3FA4] =	sst s0  }
0x9: {  	[smem:$0x3FA5] =	sst s1  }
0xa: {  	[smem:$0x3FA6] =	sst s2  }
0xb: {  	[smem:$0x3FA7] =	sst s3  }
0xc: {  	[smem:$0x3FA8] =	sst s4  }
0xd: {  	[smem:$0x3FA9] =	sst s5  }
0xe: {  	[smem:$0x3FAA] =	sst s6  }
0xf: {  	[smem:$0x3FAB] =	sst s7  }
0x10: {  	[smem:$0x3FAC] =	sst s8  }
0x11: {  	[smem:$0x3FAD] =	sst s9;
	s0 =	simm.s32 @!p0 $0x0  }
0x12: {  	s1 =	sld [smem:$0x3F93];
	s0 =	simm.s32 @p0 $0x1  }
0x13: {  	[smem:$0x3FAE] =	sst s0;
	s0 =	simm.s32 @!p1 $0x0  }
0x14: {  	s2 =	sld [smem:$0x3F92];
	s0 =	simm.s32 @p1 $0x1  }
0x15: {  	[smem:$0x3FAF] =	sst s0;
	s0 =	simm.s32 @!p2 $0x0  }
0x16: {  	s3 =	sld [smem:$0x3FDB];
	s0 =	simm.s32 @p2 $0x1  }
0x17: {  	s4 =	simm.s32 $0x1BF5;
	[smem:$0x3FB1] =	sst s0  }
0x18: {  	s0 =	sld [smem:$0x3F94];
	_ =	swait.ge [sflag:s4], $0x0  }
0x19: {  	s7 =	sld [smem:$0x3F95]  }
0x1a: {  	s8 =	sadd.s32 $0xFFFFE003, lr  }
0x1b: {  	s9 =	sadd.s32 $0xFFFFFEF7, lr;
	s5 =	simm.s32 $0xFFFFFFFF;
	p2 =	slt.u32 s8, $0xFFFFF086  }
0x1c: {  	p1 =	slt.u32 s9, $0xF7A;
	s5 =	simm.s32 @!p2 $0x0  }
0x1d: {  	s5 =	simm.s32 @p1 $0x1;
	p0 =	seq.s32 s7, s2  }
0x1e: {  	s7 =	smul.u32 @!p0 $0xF7A, s2;
	p2 =	seq.s32 @!p0 s5, $0x0  }
0x1f: {  	s9 =	smul.u32 $0xF7A, s1;
	s8 =	simm.s32 @!p0 $0x1BF5;
	p2 =	por !p2, p0  }
0x20: {  	[sflag:s8] =	ssyncset.s32 @!p0 $0xFFFFF086;
	s6 =	sadd.s32 @!p0 s3, s7;
	s7 =	simm.s32 @!p0 $0x108  }
0x21: {  	s3 =	sadd.s32 s3, s9;
	s6 =	sadd.s32 @!p0 $0x88, s6;
	s7 =	simm.s32 @p2 $0x1082  }
0x22: {  	[simem:s7], [sflag:s8] =	dma.local @!p0 [hbm:s6], $0xF7A  }
0x23: {  	s9 =	sor.u32 $0xD0000000, s2;
	s6 =	simm.s32 $0x108;
	_ =	swait.ge @!p0 [sflag:s8], $0x0  }
0x24: {  	s3 =	sadd.s32 $0x88, s3;
	s6 =	simm.s32 @!p1 $0x1082;
	[sflag:s4] =	ssyncset.s32 $0xFFFFF086  }
0x25: {  	[simem:s6], [sflag:s4] =	dma.local [hbm:s3], $0xF7A  }
0x26: {  	[smem:$0x3F95] =	sst s1;
	(tag) =	ssettag s2;
	_ =	strace s9  }
0x27: {  	s1 =	sld [smem:$0x3FA5]  }
0x28: {  	s2 =	sld [smem:$0x3FA6]  }
0x29: {  	s4 =	sld [smem:$0x3FA8]  }
0x2a: {  	p0 =	seq.s32 s5, $0x0;
	s5 =	sld [smem:$0x3FA9]  }
0x2b: {  	s6 =	sld [smem:$0x3FAA]  }
0x2c: {  	s7 =	sld [smem:$0x3FAB]  }
0x2d: {  	s3 =	simm.s32 $0x108;
	s8 =	sld [smem:$0x3FAC]  }
0x2e: {  	s3 =	simm.s32 @!p0 $0x1082;
	s9 =	sld [smem:$0x3FAD]  }
0x2f: {  	lr =	sadd.s32 s0, s3;
	s0 =	sld [smem:$0x3FA4]  }
0x30: {  	s3 =	sld [smem:$0x3FA7]  }
0x31: {  	[smem:$0x3FB0] =	sst s10  }
0x32: {  	s10 =	sld [smem:$0x3FAE];
	_ =	sdelay $0x3  }
0x33: {  	p0 =	seq.s32 s10, $0x1;
	s10 =	sld [smem:$0x3FB0];
	_ =	sdelay $0x3  }
0x34: {  	[smem:$0x3FB0] =	sst s10  }
0x35: {  	s10 =	sld [smem:$0x3FAF];
	_ =	sdelay $0x3  }
0x36: {  	p1 =	seq.s32 s10, $0x1;
	s10 =	sld [smem:$0x3FB0];
	_ =	sdelay $0x3  }
0x37: {  	[smem:$0x3FB0] =	sst s10  }
0x38: {  	s10 =	sld [smem:$0x3FB1]  }
0x39: {  	_ = 	snop;
	(pc) =	sbr.ind lr, $3  }
0x3a: {  	_ = 	snop  }
0x3b: {  	_ = 	snop  }
0x3c: {  	p2 =	seq.s32 s10, $0x1;
	s10 =	sld [smem:$0x3FB0]  }
0x3d: {  	_ =	shalt  }
0x3e: {  	_ =	shalt  }
0x3f: {  	_ =	shalt  }
0x40: {  	_ =	shalt  }
0x41: {  	_ =	shalt  }
0x42: {  	_ =	shalt  }
0x43: {  	_ =	shalt  }
0x44: {  	_ =	shalt  }
0x45: {  	_ =	shalt  }
0x46: {  	_ =	shalt  }
0x47: {  	_ =	shalt  }
0x48: {  	_ =	shalt  }
0x49: {  	_ =	shalt  }
0x4a: {  	_ =	shalt  }
0x4b: {  	_ =	shalt  }
0x4c: {  	_ =	shalt  }
0x4d: {  	_ =	shalt  }
0x4e: {  	_ =	shalt  }
0x4f: {  	_ =	shalt  }
0x50: {  	_ =	shalt  }
0x51: {  	_ =	shalt  }
0x52: {  	_ =	shalt  }
0x53: {  	_ =	shalt  }
0x54: {  	_ =	shalt  }
0x55: {  	_ =	shalt  }
0x56: {  	_ =	shalt  }
0x57: {  	_ =	shalt  }
0x58: {  	_ =	shalt  }
0x59: {  	_ =	shalt  }
0x5a: {  	_ =	shalt  }
0x5b: {  	_ =	shalt  }
0x5c: {  	_ =	shalt  }
0x5d: {  	_ =	shalt  }
0x5e: {  	_ =	shalt  }
0x5f: {  	_ =	shalt  }
0x60: {  	_ =	shalt  }
0x61: {  	_ =	shalt  }
0x62: {  	_ =	shalt  }
0x63: {  	_ =	shalt  }
0x64: {  	_ =	shalt  }
0x65: {  	_ =	shalt  }
0x66: {  	_ =	shalt  }
0x67: {  	_ =	shalt  }
0x68: {  	_ =	shalt  }
0x69: {  	_ =	shalt  }
0x6a: {  	_ =	shalt  }
0x6b: {  	_ =	shalt  }
0x6c: {  	_ =	shalt  }
0x6d: {  	_ =	shalt  }
0x6e: {  	_ =	shalt  }
0x6f: {  	_ =	shalt  }
0x70: {  	_ =	shalt  }
0x71: {  	_ =	shalt  }
0x72: {  	_ =	shalt  }
0x73: {  	_ =	shalt  }
0x74: {  	_ =	shalt  }
0x75: {  	_ =	shalt  }
0x76: {  	_ =	shalt  }
0x77: {  	_ =	shalt  }
0x78: {  	_ =	shalt  }
0x79: {  	_ =	shalt  }
0x7a: {  	_ =	shalt  }
0x7b: {  	_ =	shalt  }
0x7c: {  	_ =	shalt  }
0x7d: {  	_ =	shalt  }
0x7e: {  	_ =	shalt  }
0x7f: {  	_ =	shalt  }
0x80: {  	_ =	shalt  }
0x81: {  	_ =	shalt  }
0x82: {  	_ =	shalt  }
0x83: {  	_ =	shalt  }
0x84: {  	_ =	shalt  }
0x85: {  	_ =	shalt  }
0x86: {  	_ =	shalt  }
0x87: {  	_ =	shalt  }
.Lfunc_end0:
.L_simem_size_0:
called_computation.3_lowered:
.L_overlay_start_0:
0x88: {  	s2 =	sld [smem:$0x3FD9]  }
0x89: {  	s3 =	sld [smem:$0x3FFE];
	_ =	sdelay $0x1  }
0x8a: {  	s1 =	srdreg.scid  }
0x8b: {  	s0 =	sand.u32 $0x1, s1  }
0x8c: {  	s16 =	sshll.u32 s0, $0xA;
	s2 =	sadd.s32 s3, s2  }
0x8d: {  	s2 =	sadd.s32 s2, s16  }
0x8e: {  	[smem:$0x3FBC] =	sst s2  }
0x8f: {  	_ = 	snop  }
0x90: {  	(tm) =	ssettm $0x1  }
0x91: {  	s17 =	sld [smem:$0x3FFB];
	_ =	sdelay $0x3  }
0x92: {  	_ =	strace s17  }
0x93: {  	s2 =	sld [smem:$0x3FFC];
	_ =	sdelay $0x3  }
0x94: {  	_ =	strace s2  }
0x95: {  	s2 =	sld [smem:$0x3FFD];
	_ =	sdelay $0x3  }
0x96: {  	_ =	strace s2  }
0x97: {  	_ =	strace $0x8FFFFFFF  }
0x98: {  	s18 =	sld [smem:$0x3FDB];
	_ =	sdelay $0x1  }
0x99: {  	s19 =	simm.s32 $_scs_section_size  }
0x9a: {  	s4 =	simm.s32 $_size__tile_overlayer_lowered;
	s5 =	simm.s32 $_tile_overlayer_lowered  }
0x9b: {  	s22 =	simm.s32 $0x1BFF;
	s21 =	sshll.u32 s5, $0x1;
	s2 =	sadd.s32 s19, s18  }
0x9c: {  	s6 =	simm.s32 $0x0;
	s20 =	sshll.u32 s4, $0x1;
	s4 =	sadd.s32 s21, s2  }
0x9d: {  	[timem:s6], [sflag:s22] =	dma.local [hbm:s4], s20  }
0x9e: {  	_ =	swait.ge [sflag:s22], s20  }
0x9f: {  	s3 =	ssub.s32 $0x0, s20;
	[sflag:s22] =	ssyncset.done $0x0  }
0xa0: {  	[sflag:s22] =	ssyncadd.s32 s3;
	_ =	sdelay $0x1  }
0xa1: {  	s23 =	simm.s32 $0x1B8B  }
0xa2: {  	_ =	swait.ge [sflag:s23], $0x1  }
0xa3: {  	[sflag:s23] =	ssyncset.done $0x0  }
0xa4: {  	s25 =	simm.s32 $0x1B8E;
	s24 =	sld [smem:$0x3FFE];
	[sflag:s23] =	ssyncadd.s32 $0xFFFFFFFF  }
0xa5: {  	s26 =	simm.s32 $execute0_lowered;
	[smem:$0x3FD2] =	sst s25  }
0xa6: {  	s4 =	sshll.u32 s26, $0x1;
	_ =	strace $0x8000004F;
	[dreg:$0x1] =	wrdreg $0xFFFFFFFF  }
0xa7: {  	s28 =	simm.s32 $_size_execute0_lowered;
	s2 =	sadd.s32 s2, s4;
	[dreg:$0x0] =	wrdreg $0x0  }
0xa8: {  	s4 =	sshll.u32 s28, $0x1;
	[dreg:$0x2] =	wrdreg s2  }
0xa9: {  	[dreg:$0x3] =	wrdreg s4  }
0xaa: {  	[dreg:$0x4] =	wrdreg $0xC0  }
0xab: {  	_ =	task [dreg:s6], $0x5FFFF  }
0xac: {  	[dreg:$0x1] =	wrdreg $0xFFFFFFFF  }
0xad: {  	[dreg:$0x0] =	wrdreg $0x60  }
0xae: {  	[dreg:$0x2] =	wrdreg s24  }
0xaf: {  	[dreg:$0x3] =	wrdreg $0x9  }
0xb0: {  	_ =	task.clear_ibuf [dreg:s6], $0x4FFFF;
	_ =	strace $0x9000004F  }
0xb1: {  	s29 =	simm.s32 $0x9;
	_ =	strace $0x80000051  }
0xb2: {  	_ =	swait.ge [sflag:s29], $0x1  }
0xb3: {  	[sflag:s29] =	ssyncadd.s32 $0xFFFFFFFF  }
0xb4: {  	_ =	strace $0x90000051  }
0xb5: {  	_ =	sfence  }
0xb6: {  	s30 =	sld [smem:$0x0];
	_ =	sdelay $0x2  }
0xb7: {  	s31 =	sshll.u32 s1, $0xD;
	s1 =	sshrl.u32 s1, $0x2  }
0xb8: {  	s3 =	sand.u32 $0x4000, s31;
	s1 =	sadd.s32 s1, s30  }
0xb9: {  	s0 =	sor.u32 s3, s0;
	s1 =	sshll.u32 s1, $0x11  }
0xba: {  	s0 =	sor.u32 s1, s0  }
0xbb: {  	s0 =	sadd.s32 $0x8F2B, s0  }
0xbc: {  	[sflag:s0] =	ssyncadd.remote.s32 $0x1  }
0xbd: {  	_ =	sfence.sel $0xFFFF  }
0xbe: {  	[dreg:$0x0] =	wrdreg $0xFFFFFFFF;
	(pc) =	sbr.abs _section_cstart, $3  }
0xbf: {  	[dreg:$0x1] =	wrdreg $0xFFFFFFFF  }
0xc0: {  	_ =	task.clear_ibuf [dreg:s6], $0x2FFFF;
	_ =	strace $0x9FFFFFFF  }
0xc1: {  	(tm) =	ssettm $0x7FFFFFFF  }
tec
execute0_lowered:
.L_overlay_start_1:
0x0: {  	(tag) =	ssettag $0x1  }
0x1: {  	s0 =	srdreg.scid;
	s4 =	rddreg [dreg:$0x0];
	s2 =	simm.s32 $0x0  }
0x2: {  	s10 =	simm.s32 $0x2780;
	s11 =	simm.s32 $0x7610;
	s3 =	sand.u32 $0x1, s0  }
0x3: {  	s12 =	simm.s32 $0x0;
	s0 =	stileid.u32;
	s1 =	sshll.u32 s3, $0x4  }
0x4: {  	[smem:$0x7FF] =	sst s2;
	s7 =	ssub.s32 $0x2, s3;
	s5 =	sor.u32 s0, s1  }
0x5: {  	s3 =	sadd.s32 $0xBC00, s4;
	s1 =	rddreg [dreg:$0x1];
	s6 =	smul.u32 $0x4F0, s5  }
0x6: {  	_ =	strace $0x80000050;
	s8 =	sshrl.u32 s7, $0x1;
	s5 =	smul.u32 $0x500, s5  }
0x7: {  	s7 =	ssub.s32 s7, s8;
	s8 =	simm.s32 $0x4F00;
	s6 =	sadd.s32 s6, s4  }
0x8: {  	s7 =	smax.u32 s7, $0x1;
	s9 =	sadd.s32 s5, s4;
	s4 =	sadd.s32 $0x15C00, s6  }
0x9: {  	v0 =	vimm.f32 $0.0e+00;
	s5 =	sadd.s32 $0x1E00, s6;
	s6 =	sadd.s32 $0x1FA00, s9;
	s9 =	simm.s32 $0x1  }
.LBB2_1:
0xa: {  	[tilespmem:s8], [sflag:$0x1] =	stream.linear.gather [hbm4b:s3+s2], $0x2710, $0x38;
	[tilespmem:$0x9E10] =	vst v63  }
0xb: {  	_ =	swait.ge [sflag:s9], $0x2710  }
0xc: {  	[sflag:s9] =	ssyncset.done $0x0  }
0xd: {  	[sflag:s9] =	ssyncadd.s32 $0xFFFFD8F0  }
0xe: {  	[tilespmem:s2], [sflag:$0x1] =	stream.linear.gather [hbm4b:s4+s2], $0x2780, $0x38;
	[tilespmem:$0x9E10] =	vst v63  }
0xf: {  	_ =	swait.ge [sflag:s9], $0x2780  }
0x10: {  	[sflag:s9] =	ssyncset.done $0x0  }
0x11: {  	[sflag:s9] =	ssyncadd.s32 $0xFFFFD880  }
0x12: {  	[tilespmem:s10], [sflag:$0x1] =	stream.linear.gather [hbm4b:s5+s2], $0x2780, $0x38;
	[tilespmem:$0x9E10] =	vst v63  }
0x13: {  	_ =	swait.ge [sflag:s9], $0x2780  }
0x14: {  	[sflag:s9] =	ssyncset.done $0x0  }
0x15: {  	s13 =	simm.s32 $0x0;
	[sflag:s9] =	ssyncadd.s32 $0xFFFFD880  }
.LBB2_2:
0x16: {  	p0 =	sne.s32 s13, $0x9FC0  }
.Ltmp0:
0x17: {  	_ = 	snop;
	(pc) =	sbr.rel @p0 .LBB2_2-.Ltmp0, $3  }
0x18: {  	_ =	sdelay $0x1  }
0x19: {  	s14 =	sshra.s32 s13, $0x2  }
0x1a: {  	s13 =	sadd.s32 $0x40, s13;
	[tilespmem:s14+$0x7610] =	vst v0  }
0x1b: {  	s13 =	simm.s32 $0x0  }
.LBB2_4:
0x1c: {  	s14 =	sshra.s32 s13, $0x2  }
0x1d: {  	v1 =	vld [tilespmem:s14+$0x0];
	_ =	sdelay $0x4  }
0x1e: {  	v2 =	vld [tilespmem:s14+$0x2780];
	_ =	sdelay $0x2  }
0x1f: {  	v1 =	vld.idx.msk [tilespmem:v1+s8+$0x0], $0xffff;
	_ =	sdelay $0x4  }
0x20: {  	[tilespmem:v2+s11+$0x0] =	vst.idx.add.f32.msk $0xffff, v1  }
0x21: {  	v1 =	vld [tilespmem:s14+$0x10];
	_ =	sdelay $0x4  }
0x22: {  	v2 =	vld [tilespmem:s14+$0x2790];
	_ =	sdelay $0x2  }
0x23: {  	v1 =	vld.idx.msk [tilespmem:v1+s8+$0x0], $0xffff;
	_ =	sdelay $0x4  }
0x24: {  	[tilespmem:v2+s11+$0x0] =	vst.idx.add.f32.msk $0xffff, v1  }
0x25: {  	v1 =	vld [tilespmem:s14+$0x20];
	_ =	sdelay $0x4  }
0x26: {  	v2 =	vld [tilespmem:s14+$0x27A0];
	_ =	sdelay $0x2  }
0x27: {  	v1 =	vld.idx.msk [tilespmem:v1+s8+$0x0], $0xffff;
	_ =	sdelay $0x4  }
0x28: {  	[tilespmem:v2+s11+$0x0] =	vst.idx.add.f32.msk $0xffff, v1  }
0x29: {  	v1 =	vld [tilespmem:s14+$0x30];
	_ =	sdelay $0x4  }
0x2a: {  	v2 =	vld [tilespmem:s14+$0x27B0];
	_ =	sdelay $0x2  }
0x2b: {  	v1 =	vld.idx.msk [tilespmem:v1+s8+$0x0], $0xffff;
	_ =	sdelay $0x4  }
0x2c: {  	[tilespmem:v2+s11+$0x0] =	vst.idx.add.f32.msk $0xffff, v1  }
0x2d: {  	v1 =	vld [tilespmem:s14+$0x40];
	_ =	sdelay $0x4  }
0x2e: {  	v2 =	vld [tilespmem:s14+$0x27C0];
	_ =	sdelay $0x2  }
0x2f: {  	v1 =	vld.idx.msk [tilespmem:v1+s8+$0x0], $0xffff;
	_ =	sdelay $0x4  }
0x30: {  	[tilespmem:v2+s11+$0x0] =	vst.idx.add.f32.msk $0xffff, v1  }
0x31: {  	v1 =	vld [tilespmem:s14+$0x50];
	_ =	sdelay $0x4  }
0x32: {  	v2 =	vld [tilespmem:s14+$0x27D0];
	_ =	sdelay $0x2  }
0x33: {  	v1 =	vld.idx.msk [tilespmem:v1+s8+$0x0], $0xffff;
	_ =	sdelay $0x4  }
0x34: {  	[tilespmem:v2+s11+$0x0] =	vst.idx.add.f32.msk $0xffff, v1  }
0x35: {  	v1 =	vld [tilespmem:s14+$0x60];
	_ =	sdelay $0x4  }
0x36: {  	v2 =	vld [tilespmem:s14+$0x27E0];
	_ =	sdelay $0x2  }
0x37: {  	v1 =	vld.idx.msk [tilespmem:v1+s8+$0x0], $0xffff;
	_ =	sdelay $0x4  }
0x38: {  	[tilespmem:v2+s11+$0x0] =	vst.idx.add.f32.msk $0xffff, v1  }
0x39: {  	v1 =	vld [tilespmem:s14+$0x70];
	_ =	sdelay $0x4  }
0x3a: {  	v2 =	vld [tilespmem:s14+$0x27F0];
	_ =	sdelay $0x2  }
0x3b: {  	p0 =	sne.s32 s13, $0x9C00;
	v1 =	vld.idx.msk [tilespmem:v1+s8+$0x0], $0xffff  }
.Ltmp1:
0x3c: {  	_ = 	snop;
	(pc) =	sbr.rel @p0 .LBB2_4-.Ltmp1, $2  }
0x3d: {  	_ =	sdelay $0x2  }
0x3e: {  	s13 =	sadd.s32 $0x200, s13;
	[tilespmem:v2+s11+$0x0] =	vst.idx.add.f32.msk $0xffff, v1  }
0x3f: {  	s12 =	sadd.s32 $0x1, s12  }
0x40: {  	p0 =	sne.s32 s12, s7  }
.Ltmp2:
0x41: {  	_ = 	snop;
	(pc) =	sbr.rel @p0 .LBB2_1-.Ltmp2, $4  }
0x42: {  	[hbm4b:s6+s2] =	stream.linear.scatter [tilespmem:s11], [sflag:$0x1], $0x2800, $0x38;
	[tilespmem:$0x9E10] =	vst v63  }
0x43: {  	_ =	swait.ge [sflag:s9], $0x2800  }
0x44: {  	[sflag:s9] =	ssyncset.done $0x0  }
0x45: {  	[sflag:s9] =	ssyncadd.s32 $0xFFFFD800  }
0x46: {  	_ =	sfence.sel $0x180000  }
0x47: {  	[bflag:$0x0] =	sbarrier.arrive $0xFFFF  }
0x48: {  	p0 =	sne.s32 s0, $0x0;
	_ =	strace $0x90000050  }
0x49: {  	s0 =	sadd.s32 @!p0 $0x100000, s1;
	[bflag:$0x2] =	sbarrier.arrive $0xFFFF  }
0x4a: {  	[sflag:s0] =	ssyncadd.tile.s32 @!p0 $0x1;
	_ =	shalt  }
.Lfunc_end2:
_tile_overlayer_lowered:
.L_overlay_start_2:
0x4b: {  	(tag) =	ssettag $0x2  }
0x4c: {  	s0 =	rddreg [dreg:$0x0];
	s2 =	stileid.u32  }
0x4d: {  	s1 =	rddreg [dreg:$0x1];
	p0 =	sne.s32 s2, $0x0  }
0x4e: {  	s3 =	rddreg [dreg:$0x2];
	[bflag:$0x3] =	sbarrier.arrive $0xFFFF;
	s2 =	simm.s32 @!p0 $0x1C01  }
0x4f: {  	[timem:s3], [sflag:s2] =	dma.local @!p0 [hbm:s0], s1  }
0x50: {  	s0 =	simm.s32 @!p0 $0x1  }
0x51: {  	_ =	swait.ge @!p0 [sflag:s0], s1  }
0x52: {  	s1 =	ssub.s32 @!p0 $0x0, s1;
	[sflag:s0] =	ssyncset.done @!p0 $0x0  }
0x53: {  	[sflag:s0] =	ssyncadd.s32 @!p0 s1  }
0x54: {  	[bflag:$0x3] =	sbarrier.arrive $0xFFFF  }
0x55: {  	_ =	shalt  }

</sc_bundles>
